<compile_context>
chip_gen: v7x
topology: tpu7x:2x2x1
jax: 0.10.2.dev20260603
libtpu: 0.0.44.dev20260713+nightly
codegen_flags: <defaults>
</compile_context>

<pallas_src>
import functools

import jax
import jax.numpy as jnp
import numpy as np
from jax import lax
from jax.experimental import pallas as pl
from jax.experimental.pallas import tpu as pltpu
from jax.experimental.pallas import tpu_sc as plsc

_D = 128
_SCALE = float(np.sqrt(_D))
_NC, _NS, _L = 2, 16, 16
_NW = _NC * _NS


def _pos_table(seq_len: int) -> np.ndarray:
    pos = np.arange(seq_len, dtype=np.float32)[:, None]
    i2 = np.arange(0, _D, 2, dtype=np.float32)
    ang = (pos / np.power(np.float32(10000.0), i2 / np.float32(_D))).astype(np.float32)
    enc = np.zeros((seq_len, _D), dtype=np.float32)
    enc[:, 0::2] = np.sin(ang)
    enc[:, 1::2] = np.cos(ang)
    return enc


def kernel(x, table):
    B, S = x.shape
    N = B * S
    C = S // _NW
    assert S % _NW == 0 and _D % _L == 0

    pos = _pos_table(S)

    mesh = plsc.VectorSubcoreMesh(
        core_axis_name="c", subcore_axis_name="s",
        num_cores=_NC, num_subcores=_NS,
    )

    @functools.partial(
        pl.kernel,
        out_type=jax.ShapeDtypeStruct((N, _D), jnp.float32),
        mesh=mesh,
        scratch_types=[
            pltpu.VMEM((B, C), jnp.int32),
            pltpu.VMEM((C, _D), jnp.float32),
            pltpu.VMEM((B, C, _D), jnp.float32),
            pltpu.SemaphoreType.DMA,
            [pltpu.SemaphoreType.DMA] * 4,
            [pltpu.SemaphoreType.DMA] * 4,
        ],
    )
    def emb_kernel(x_hbm, table_hbm, pos_hbm, out_hbm,
                   idx_v, pos_v, rows_v, psem, gsems, wsems):
        wid = lax.axis_index("s") * _NC + lax.axis_index("c")
        ws = wid * C

        pos_desc = pltpu.async_copy(pos_hbm.at[pl.ds(ws, C)], pos_v, psem)
        pltpu.sync_copy(x_hbm.at[:, pl.ds(ws, C)], idx_v)
        gath_descs = [
            pltpu.async_copy(table_hbm.at[idx_v.at[c]], rows_v.at[c],
                             gsems[c])
            for c in range(B)
        ]
        pos_desc.wait()
        wb_descs = []
        for c0 in range(0, B, 2):
            c1 = c0 + 1
            gath_descs[c0].wait()
            gath_descs[c1].wait()

            def _make_scale(c0, c1):
                @plsc.parallel_loop(0, C, unroll=8)
                def _scale(i):
                    for j in range(_D // _L):
                        sl = pl.ds(j * _L, _L)
                        pv = pos_v[i, sl]
                        rows_v[c0, i, sl] = rows_v[c0, i, sl] * _SCALE + pv
                        rows_v[c1, i, sl] = rows_v[c1, i, sl] * _SCALE + pv

            _make_scale(c0, c1)
            for c in (c0, c1):
                wb_descs.append(
                    pltpu.async_copy(rows_v.at[c],
                                     out_hbm.at[pl.ds(c * S + ws, C)],
                                     wsems[c]))
        for d in wb_descs:
            d.wait()

    out = emb_kernel(x, table, pos)
    return out.reshape(B, S, _D)

# --- scband reference (transcript-rebuilt; emitter-appended) ---
"""Pipeline reference for scband-transformer-embedding-2731599200475 (READ-ONLY COPY).

The authoritative reference and input builder live on the scoring server;
editing this copy changes nothing except your own understanding.
"""

import jax, jax.numpy as jnp
import numpy as np

VOCAB = 1000
D_EMBED = 128
MAX_LEN = 5000

def _pos_encoding(seq_len, d):
    pos = jnp.arange(MAX_LEN, dtype=jnp.float32)[:, None]
    i2 = jnp.arange(0, d, 2, dtype=jnp.float32)
    ang = pos / jnp.power(10000.0, i2 / float(d))
    enc = jnp.zeros((MAX_LEN, d), dtype=jnp.float32)
    enc = enc.at[:, 0::2].set(jnp.sin(ang))
    enc = enc.at[:, 1::2].set(jnp.cos(ang))
    return enc[:seq_len, :]

def setup_inputs(seed: int = 0):
    key = jax.random.key(seed)
    k1, k2 = jax.random.split(key)
    x = jax.random.randint(k1, (4, 4096), 0, VOCAB, dtype=jnp.int32)
    table = jax.random.normal(k2, (VOCAB, D_EMBED), dtype=jnp.float32)
    return {"x": x, "table": table}

def reference(x, table):
    # token embedding lookup scaled by sqrt(d_embed)
    emb = jnp.take(table, x, axis=0) * np.float32(np.sqrt(D_EMBED))
    # sinusoidal positional encoding (fixed, non-learned), broadcast over batch
    pos = _pos_encoding(x.shape[1], D_EMBED)
    # dropout is identity in eval mode
    return emb + pos[None, :, :]

if __name__ == "__main__":
    import jax
    _d = setup_inputs()
    print(jax.jit(kernel)(*tuple(_d.values())))

</pallas_src>

<mosaic_0001>
#map = affine_map<(d0, d1) -> (0, 0)>
module attributes {stable_mosaic.version = 14 : i64} {
  func.func @emb_kernel(%arg0: i32, %arg1: i32, %arg2: memref<4x4096xi32, #tpu.memory_space<hbm>>, %arg3: memref<1000x128xf32, #tpu.memory_space<hbm>>, %arg4: memref<4096x128xf32, #tpu.memory_space<hbm>>, %arg5: memref<16384x128xf32, #tpu.memory_space<hbm>>, %arg6: memref<4x128xi32, #tpu.memory_space<vmem>>, %arg7: memref<128x128xf32, #tpu.memory_space<vmem>>, %arg8: memref<4x128x128xf32, #tpu.memory_space<vmem>>, %arg9: memref<!tpu.dma_semaphore, #tpu.memory_space<semaphore_mem>>, %arg10: memref<!tpu.dma_semaphore, #tpu.memory_space<semaphore_mem>>, %arg11: memref<!tpu.dma_semaphore, #tpu.memory_space<semaphore_mem>>, %arg12: memref<!tpu.dma_semaphore, #tpu.memory_space<semaphore_mem>>, %arg13: memref<!tpu.dma_semaphore, #tpu.memory_space<semaphore_mem>>, %arg14: memref<!tpu.dma_semaphore, #tpu.memory_space<semaphore_mem>>, %arg15: memref<!tpu.dma_semaphore, #tpu.memory_space<semaphore_mem>>, %arg16: memref<!tpu.dma_semaphore, #tpu.memory_space<semaphore_mem>>, %arg17: memref<!tpu.dma_semaphore, #tpu.memory_space<semaphore_mem>>) attributes {dimension_semantics = [#tpu.dimension_semantics<core_parallel>, #tpu.dimension_semantics<subcore_parallel>], iteration_bounds = array<i64: 2, 16>, scalar_prefetch = 0 : i64, scratch_operands = 12 : i64, tpu.core_type = #tpu.core_type<sc_vector_subcore>, window_params = [{transform_indices = #map}, {transform_indices = #map}, {transform_indices = #map}, {transform_indices = #map}]} {
    %mul3A = arith.constant 2 : i32
    %mul3A_0 = arith.muli %arg1, %mul3A : i32
    %add3A = arith.addi %mul3A_0, %arg0 : i32
    %mul3A_1 = arith.constant 128 : i32
    %mul3A_2 = arith.muli %add3A, %mul3A_1 : i32
    %dma_start3A = arith.constant 0 : i32
    %dma_start3A_3 = tpu.memref_slice %arg4[%mul3A_2, %dma_start3A] : memref<4096x128xf32, #tpu.memory_space<hbm>> -> memref<128x128xf32, #tpu.memory_space<hbm>>
    %dma_start3A_4 = arith.constant 0 : i32
    %dma_start3A_5 = tpu.memref_slice %arg4[%mul3A_2, %dma_start3A_4] : memref<4096x128xf32, #tpu.memory_space<hbm>> -> memref<128x128xf32, #tpu.memory_space<hbm>>
    tpu.enqueue_dma source(%dma_start3A_5 : memref<128x128xf32, #tpu.memory_space<hbm>>) target(%arg7 : memref<128x128xf32, #tpu.memory_space<vmem>>) target_semaphore(%arg9 : memref<!tpu.dma_semaphore, #tpu.memory_space<semaphore_mem>>)
    "tpu.region"() ({
      %run_scoped3A = tpu.sem_alloc : memref<!tpu.dma_semaphore, #tpu.memory_space<semaphore_mem>>
      %dma_start3A_222 = arith.constant 0 : i32
      %dma_start3A_223 = tpu.memref_slice %arg2[%dma_start3A_222, %mul3A_2] : memref<4x4096xi32, #tpu.memory_space<hbm>> -> memref<4x128xi32, #tpu.memory_space<hbm>>
      %dma_start3A_224 = arith.constant 0 : i32
      %dma_start3A_225 = tpu.memref_slice %arg2[%dma_start3A_224, %mul3A_2] : memref<4x4096xi32, #tpu.memory_space<hbm>> -> memref<4x128xi32, #tpu.memory_space<hbm>>
      tpu.enqueue_dma source(%dma_start3A_225 : memref<4x128xi32, #tpu.memory_space<hbm>>) target(%arg6 : memref<4x128xi32, #tpu.memory_space<vmem>>) target_semaphore(%run_scoped3A : memref<!tpu.dma_semaphore, #tpu.memory_space<semaphore_mem>>)
      %dma_wait3A_226 = arith.constant 0 : i32
      %dma_wait3A_227 = tpu.memref_slice %arg2[%dma_wait3A_226, %mul3A_2] : memref<4x4096xi32, #tpu.memory_space<hbm>> -> memref<4x128xi32, #tpu.memory_space<hbm>>
      %dma_wait3A_228 = arith.constant 0 : i32
      %dma_wait3A_229 = tpu.memref_slice %arg2[%dma_wait3A_228, %mul3A_2] : memref<4x4096xi32, #tpu.memory_space<hbm>> -> memref<4x128xi32, #tpu.memory_space<hbm>>
      tpu.wait_dma2 semaphore(%run_scoped3A : memref<!tpu.dma_semaphore, #tpu.memory_space<semaphore_mem>>) src(%dma_wait3A_229 : memref<4x128xi32, #tpu.memory_space<hbm>>) dst(%arg6 : memref<4x128xi32, #tpu.memory_space<vmem>>)
      tpu.yield
    }) : () -> ()
    %dma_start3A_6 = arith.constant 0 : i32
    %dma_start3A_7 = arith.constant 0 : i32
    %dma_start3A_8 = arith.constant 0 : i32
    %dma_start3A_9 = arith.constant 0 : i32
    %dma_start3A_10 = tpu.memref_slice %arg8[%dma_start3A_7, %dma_start3A_8, %dma_start3A_9] : memref<4x128x128xf32, #tpu.memory_space<vmem>> -> memref<1x128x128xf32, #tpu.memory_space<vmem>>
    %dma_start3A_11 = tpu.memref_squeeze %dma_start3A_10 : memref<1x128x128xf32, #tpu.memory_space<vmem>> -> memref<128x128xf32, #tpu.memory_space<vmem>>
    %dma_start3A_12 = arith.constant 0 : i32
    %dma_start3A_13 = tpu.memref_slice %arg6[%dma_start3A_6, %dma_start3A_12] : memref<4x128xi32, #tpu.memory_space<vmem>> -> memref<1x128xi32, #tpu.memory_space<vmem>>
    %dma_start3A_14 = tpu.memref_squeeze %dma_start3A_13 : memref<1x128xi32, #tpu.memory_space<vmem>> -> memref<128xi32, #tpu.memory_space<vmem>>
    %dma_start3A_15 = arith.constant 0 : i32
    %dma_start3A_16 = arith.constant 0 : i32
    %dma_start3A_17 = tpu.memref_slice %arg3[%dma_start3A_15, %dma_start3A_16] : memref<1000x128xf32, #tpu.memory_space<hbm>> -> memref<1000x128xf32, #tpu.memory_space<hbm>>
    tpu.enqueue_indirect_dma source(%dma_start3A_17 : memref<1000x128xf32, #tpu.memory_space<hbm>>) target(%dma_start3A_11 : memref<128x128xf32, #tpu.memory_space<vmem>>) offsets(%dma_start3A_14 : memref<128xi32, #tpu.memory_space<vmem>>) semaphore(%arg10 : memref<!tpu.dma_semaphore, #tpu.memory_space<semaphore_mem>>)
    %dma_start3A_18 = arith.constant 1 : i32
    %dma_start3A_19 = arith.constant 1 : i32
    %dma_start3A_20 = arith.constant 0 : i32
    %dma_start3A_21 = arith.constant 0 : i32
    %dma_start3A_22 = tpu.memref_slice %arg8[%dma_start3A_19, %dma_start3A_20, %dma_start3A_21] : memref<4x128x128xf32, #tpu.memory_space<vmem>> -> memref<1x128x128xf32, #tpu.memory_space<vmem>>
    %dma_start3A_23 = tpu.memref_squeeze %dma_start3A_22 : memref<1x128x128xf32, #tpu.memory_space<vmem>> -> memref<128x128xf32, #tpu.memory_space<vmem>>
    %dma_start3A_24 = arith.constant 0 : i32
    %dma_start3A_25 = tpu.memref_slice %arg6[%dma_start3A_18, %dma_start3A_24] : memref<4x128xi32, #tpu.memory_space<vmem>> -> memref<1x128xi32, #tpu.memory_space<vmem>>
    %dma_start3A_26 = tpu.memref_squeeze %dma_start3A_25 : memref<1x128xi32, #tpu.memory_space<vmem>> -> memref<128xi32, #tpu.memory_space<vmem>>
    %dma_start3A_27 = arith.constant 0 : i32
    %dma_start3A_28 = arith.constant 0 : i32
    %dma_start3A_29 = tpu.memref_slice %arg3[%dma_start3A_27, %dma_start3A_28] : memref<1000x128xf32, #tpu.memory_space<hbm>> -> memref<1000x128xf32, #tpu.memory_space<hbm>>
    tpu.enqueue_indirect_dma source(%dma_start3A_29 : memref<1000x128xf32, #tpu.memory_space<hbm>>) target(%dma_start3A_23 : memref<128x128xf32, #tpu.memory_space<vmem>>) offsets(%dma_start3A_26 : memref<128xi32, #tpu.memory_space<vmem>>) semaphore(%arg11 : memref<!tpu.dma_semaphore, #tpu.memory_space<semaphore_mem>>)
    %dma_start3A_30 = arith.constant 2 : i32
    %dma_start3A_31 = arith.constant 2 : i32
    %dma_start3A_32 = arith.constant 0 : i32
    %dma_start3A_33 = arith.constant 0 : i32
    %dma_start3A_34 = tpu.memref_slice %arg8[%dma_start3A_31, %dma_start3A_32, %dma_start3A_33] : memref<4x128x128xf32, #tpu.memory_space<vmem>> -> memref<1x128x128xf32, #tpu.memory_space<vmem>>
    %dma_start3A_35 = tpu.memref_squeeze %dma_start3A_34 : memref<1x128x128xf32, #tpu.memory_space<vmem>> -> memref<128x128xf32, #tpu.memory_space<vmem>>
    %dma_start3A_36 = arith.constant 0 : i32
    %dma_start3A_37 = tpu.memref_slice %arg6[%dma_start3A_30, %dma_start3A_36] : memref<4x128xi32, #tpu.memory_space<vmem>> -> memref<1x128xi32, #tpu.memory_space<vmem>>
    %dma_start3A_38 = tpu.memref_squeeze %dma_start3A_37 : memref<1x128xi32, #tpu.memory_space<vmem>> -> memref<128xi32, #tpu.memory_space<vmem>>
    %dma_start3A_39 = arith.constant 0 : i32
    %dma_start3A_40 = arith.constant 0 : i32
    %dma_start3A_41 = tpu.memref_slice %arg3[%dma_start3A_39, %dma_start3A_40] : memref<1000x128xf32, #tpu.memory_space<hbm>> -> memref<1000x128xf32, #tpu.memory_space<hbm>>
    tpu.enqueue_indirect_dma source(%dma_start3A_41 : memref<1000x128xf32, #tpu.memory_space<hbm>>) target(%dma_start3A_35 : memref<128x128xf32, #tpu.memory_space<vmem>>) offsets(%dma_start3A_38 : memref<128xi32, #tpu.memory_space<vmem>>) semaphore(%arg12 : memref<!tpu.dma_semaphore, #tpu.memory_space<semaphore_mem>>)
    %dma_start3A_42 = arith.constant 3 : i32
    %dma_start3A_43 = arith.constant 3 : i32
    %dma_start3A_44 = arith.constant 0 : i32
    %dma_start3A_45 = arith.constant 0 : i32
    %dma_start3A_46 = tpu.memref_slice %arg8[%dma_start3A_43, %dma_start3A_44, %dma_start3A_45] : memref<4x128x128xf32, #tpu.memory_space<vmem>> -> memref<1x128x128xf32, #tpu.memory_space<vmem>>
    %dma_start3A_47 = tpu.memref_squeeze %dma_start3A_46 : memref<1x128x128xf32, #tpu.memory_space<vmem>> -> memref<128x128xf32, #tpu.memory_space<vmem>>
    %dma_start3A_48 = arith.constant 0 : i32
    %dma_start3A_49 = tpu.memref_slice %arg6[%dma_start3A_42, %dma_start3A_48] : memref<4x128xi32, #tpu.memory_space<vmem>> -> memref<1x128xi32, #tpu.memory_space<vmem>>
    %dma_start3A_50 = tpu.memref_squeeze %dma_start3A_49 : memref<1x128xi32, #tpu.memory_space<vmem>> -> memref<128xi32, #tpu.memory_space<vmem>>
    %dma_start3A_51 = arith.constant 0 : i32
    %dma_start3A_52 = arith.constant 0 : i32
    %dma_start3A_53 = tpu.memref_slice %arg3[%dma_start3A_51, %dma_start3A_52] : memref<1000x128xf32, #tpu.memory_space<hbm>> -> memref<1000x128xf32, #tpu.memory_space<hbm>>
    tpu.enqueue_indirect_dma source(%dma_start3A_53 : memref<1000x128xf32, #tpu.memory_space<hbm>>) target(%dma_start3A_47 : memref<128x128xf32, #tpu.memory_space<vmem>>) offsets(%dma_start3A_50 : memref<128xi32, #tpu.memory_space<vmem>>) semaphore(%arg13 : memref<!tpu.dma_semaphore, #tpu.memory_space<semaphore_mem>>)
    %dma_wait3A = arith.constant 0 : i32
    %dma_wait3A_54 = tpu.memref_slice %arg4[%mul3A_2, %dma_wait3A] : memref<4096x128xf32, #tpu.memory_space<hbm>> -> memref<128x128xf32, #tpu.memory_space<hbm>>
    %dma_wait3A_55 = arith.constant 0 : i32
    %dma_wait3A_56 = tpu.memref_slice %arg4[%mul3A_2, %dma_wait3A_55] : memref<4096x128xf32, #tpu.memory_space<hbm>> -> memref<128x128xf32, #tpu.memory_space<hbm>>
    tpu.wait_dma2 semaphore(%arg9 : memref<!tpu.dma_semaphore, #tpu.memory_space<semaphore_mem>>) src(%dma_wait3A_56 : memref<128x128xf32, #tpu.memory_space<hbm>>) dst(%arg7 : memref<128x128xf32, #tpu.memory_space<vmem>>)
    %dma_wait3A_57 = arith.constant 0 : i32
    %dma_wait3A_58 = arith.constant 0 : i32
    %dma_wait3A_59 = arith.constant 0 : i32
    %dma_wait3A_60 = arith.constant 0 : i32
    %dma_wait3A_61 = tpu.memref_slice %arg8[%dma_wait3A_58, %dma_wait3A_59, %dma_wait3A_60] : memref<4x128x128xf32, #tpu.memory_space<vmem>> -> memref<1x128x128xf32, #tpu.memory_space<vmem>>
    %dma_wait3A_62 = tpu.memref_squeeze %dma_wait3A_61 : memref<1x128x128xf32, #tpu.memory_space<vmem>> -> memref<128x128xf32, #tpu.memory_space<vmem>>
    %dma_wait3A_63 = arith.constant 0 : i32
    %dma_wait3A_64 = tpu.memref_slice %arg6[%dma_wait3A_57, %dma_wait3A_63] : memref<4x128xi32, #tpu.memory_space<vmem>> -> memref<1x128xi32, #tpu.memory_space<vmem>>
    %dma_wait3A_65 = tpu.memref_squeeze %dma_wait3A_64 : memref<1x128xi32, #tpu.memory_space<vmem>> -> memref<128xi32, #tpu.memory_space<vmem>>
    %dma_wait3A_66 = arith.constant 0 : i32
    %dma_wait3A_67 = arith.constant 0 : i32
    %dma_wait3A_68 = tpu.memref_slice %arg3[%dma_wait3A_66, %dma_wait3A_67] : memref<1000x128xf32, #tpu.memory_space<hbm>> -> memref<1000x128xf32, #tpu.memory_space<hbm>>
    tpu.wait_indirect_dma semaphore(%arg10 : memref<!tpu.dma_semaphore, #tpu.memory_space<semaphore_mem>>) src(%dma_wait3A_68 : memref<1000x128xf32, #tpu.memory_space<hbm>>) dst(%dma_wait3A_62 : memref<128x128xf32, #tpu.memory_space<vmem>>)
    %dma_wait3A_69 = arith.constant 1 : i32
    %dma_wait3A_70 = arith.constant 1 : i32
    %dma_wait3A_71 = arith.constant 0 : i32
    %dma_wait3A_72 = arith.constant 0 : i32
    %dma_wait3A_73 = tpu.memref_slice %arg8[%dma_wait3A_70, %dma_wait3A_71, %dma_wait3A_72] : memref<4x128x128xf32, #tpu.memory_space<vmem>> -> memref<1x128x128xf32, #tpu.memory_space<vmem>>
    %dma_wait3A_74 = tpu.memref_squeeze %dma_wait3A_73 : memref<1x128x128xf32, #tpu.memory_space<vmem>> -> memref<128x128xf32, #tpu.memory_space<vmem>>
    %dma_wait3A_75 = arith.constant 0 : i32
    %dma_wait3A_76 = tpu.memref_slice %arg6[%dma_wait3A_69, %dma_wait3A_75] : memref<4x128xi32, #tpu.memory_space<vmem>> -> memref<1x128xi32, #tpu.memory_space<vmem>>
    %dma_wait3A_77 = tpu.memref_squeeze %dma_wait3A_76 : memref<1x128xi32, #tpu.memory_space<vmem>> -> memref<128xi32, #tpu.memory_space<vmem>>
    %dma_wait3A_78 = arith.constant 0 : i32
    %dma_wait3A_79 = arith.constant 0 : i32
    %dma_wait3A_80 = tpu.memref_slice %arg3[%dma_wait3A_78, %dma_wait3A_79] : memref<1000x128xf32, #tpu.memory_space<hbm>> -> memref<1000x128xf32, #tpu.memory_space<hbm>>
    tpu.wait_indirect_dma semaphore(%arg11 : memref<!tpu.dma_semaphore, #tpu.memory_space<semaphore_mem>>) src(%dma_wait3A_80 : memref<1000x128xf32, #tpu.memory_space<hbm>>) dst(%dma_wait3A_74 : memref<128x128xf32, #tpu.memory_space<vmem>>)
    %parallel_loop3A = arith.constant 0 : i32
    %parallel_loop3A_81 = arith.constant 128 : i32
    %parallel_loop3A_82 = arith.constant 1 : i32
    scf.for %parallel_loop3A_222 = %parallel_loop3A to %parallel_loop3A_81 step %parallel_loop3A_82  : i32 {
      %parallel_loop3A_223 = arith.index_cast %parallel_loop3A_222 : i32 to index
      %parallel_loop3A_224 = arith.constant 0 : index
      %parallel_loop3A_225 = tpu.vector_load %arg7[%parallel_loop3A_223, %parallel_loop3A_224] {strides = array<i32>} : memref<128x128xf32, #tpu.memory_space<vmem>>, vector<1x16xf32>,
      %parallel_loop3A_226 = vector.shape_cast %parallel_loop3A_225 : vector<1x16xf32> to vector<16xf32>
      %parallel_loop3A_227 = arith.constant 0 : i32
      %parallel_loop3A_228 = arith.index_cast %parallel_loop3A_227 : i32 to index
      %parallel_loop3A_229 = arith.index_cast %parallel_loop3A_222 : i32 to index
      %parallel_loop3A_230 = arith.constant 0 : index
      %parallel_loop3A_231 = tpu.vector_load %arg8[%parallel_loop3A_228, %parallel_loop3A_229, %parallel_loop3A_230] {strides = array<i32>} : memref<4x128x128xf32, #tpu.memory_space<vmem>>, vector<1x1x16xf32>,
      %parallel_loop3A_232 = vector.shape_cast %parallel_loop3A_231 : vector<1x1x16xf32> to vector<16xf32>
      %parallel_loop3A_233 = arith.constant 11.3137083 : f32
      %parallel_loop3A_234 = vector.broadcast %parallel_loop3A_233 : f32 to vector<16xf32>
      %parallel_loop3A_235 = arith.mulf %parallel_loop3A_232, %parallel_loop3A_234 : vector<16xf32>
      %parallel_loop3A_236 = arith.addf %parallel_loop3A_235, %parallel_loop3A_226 : vector<16xf32>
      %parallel_loop3A_237 = arith.constant 0 : i32
      %parallel_loop3A_238 = arith.index_cast %parallel_loop3A_237 : i32 to index
      %parallel_loop3A_239 = arith.index_cast %parallel_loop3A_222 : i32 to index
      %parallel_loop3A_240 = arith.constant 0 : index
      %parallel_loop3A_241 = tpu.vector_load %arg8[%parallel_loop3A_238, %parallel_loop3A_239, %parallel_loop3A_240] {strides = array<i32>} : memref<4x128x128xf32, #tpu.memory_space<vmem>>, vector<1x1x16xf32>,
      %parallel_loop3A_242 = vector.shape_cast %parallel_loop3A_241 : vector<1x1x16xf32> to vector<16xf32>
      %parallel_loop3A_243 = vector.shape_cast %parallel_loop3A_236 : vector<16xf32> to vector<1x1x16xf32>
      tpu.vector_store %arg8[%parallel_loop3A_238, %parallel_loop3A_239, %parallel_loop3A_240], %parallel_loop3A_243 {strides = array<i32>} : memref<4x128x128xf32, #tpu.memory_space<vmem>>, vector<1x1x16xf32>,
      %parallel_loop3A_244 = arith.constant 1 : i32
      %parallel_loop3A_245 = arith.index_cast %parallel_loop3A_244 : i32 to index
      %parallel_loop3A_246 = arith.index_cast %parallel_loop3A_222 : i32 to index
      %parallel_loop3A_247 = arith.constant 0 : index
      %parallel_loop3A_248 = tpu.vector_load %arg8[%parallel_loop3A_245, %parallel_loop3A_246, %parallel_loop3A_247] {strides = array<i32>} : memref<4x128x128xf32, #tpu.memory_space<vmem>>, vector<1x1x16xf32>,
      %parallel_loop3A_249 = vector.shape_cast %parallel_loop3A_248 : vector<1x1x16xf32> to vector<16xf32>
      %parallel_loop3A_250 = arith.constant 11.3137083 : f32
      %parallel_loop3A_251 = vector.broadcast %parallel_loop3A_250 : f32 to vector<16xf32>
      %parallel_loop3A_252 = arith.mulf %parallel_loop3A_249, %parallel_loop3A_251 : vector<16xf32>
      %parallel_loop3A_253 = arith.addf %parallel_loop3A_252, %parallel_loop3A_226 : vector<16xf32>
      %parallel_loop3A_254 = arith.constant 1 : i32
      %parallel_loop3A_255 = arith.index_cast %parallel_loop3A_254 : i32 to index
      %parallel_loop3A_256 = arith.index_cast %parallel_loop3A_222 : i32 to index
      %parallel_loop3A_257 = arith.constant 0 : index
      %parallel_loop3A_258 = tpu.vector_load %arg8[%parallel_loop3A_255, %parallel_loop3A_256, %parallel_loop3A_257] {strides = array<i32>} : memref<4x128x128xf32, #tpu.memory_space<vmem>>, vector<1x1x16xf32>,
      %parallel_loop3A_259 = vector.shape_cast %parallel_loop3A_258 : vector<1x1x16xf32> to vector<16xf32>
      %parallel_loop3A_260 = vector.shape_cast %parallel_loop3A_253 : vector<16xf32> to vector<1x1x16xf32>
      tpu.vector_store %arg8[%parallel_loop3A_255, %parallel_loop3A_256, %parallel_loop3A_257], %parallel_loop3A_260 {strides = array<i32>} : memref<4x128x128xf32, #tpu.memory_space<vmem>>, vector<1x1x16xf32>,
      %parallel_loop3A_261 = arith.index_cast %parallel_loop3A_222 : i32 to index
      %parallel_loop3A_262 = arith.constant 16 : index
      %parallel_loop3A_263 = tpu.vector_load %arg7[%parallel_loop3A_261, %parallel_loop3A_262] {strides = array<i32>} : memref<128x128xf32, #tpu.memory_space<vmem>>, vector<1x16xf32>,
      %parallel_loop3A_264 = vector.shape_cast %parallel_loop3A_263 : vector<1x16xf32> to vector<16xf32>
      %parallel_loop3A_265 = arith.constant 0 : i32
      %parallel_loop3A_266 = arith.index_cast %parallel_loop3A_265 : i32 to index
      %parallel_loop3A_267 = arith.index_cast %parallel_loop3A_222 : i32 to index
      %parallel_loop3A_268 = arith.constant 16 : index
      %parallel_loop3A_269 = tpu.vector_load %arg8[%parallel_loop3A_266, %parallel_loop3A_267, %parallel_loop3A_268] {strides = array<i32>} : memref<4x128x128xf32, #tpu.memory_space<vmem>>, vector<1x1x16xf32>,
      %parallel_loop3A_270 = vector.shape_cast %parallel_loop3A_269 : vector<1x1x16xf32> to vector<16xf32>
      %parallel_loop3A_271 = arith.constant 11.3137083 : f32
      %parallel_loop3A_272 = vector.broadcast %parallel_loop3A_271 : f32 to vector<16xf32>
      %parallel_loop3A_273 = arith.mulf %parallel_loop3A_270, %parallel_loop3A_272 : vector<16xf32>
      %parallel_loop3A_274 = arith.addf %parallel_loop3A_273, %parallel_loop3A_264 : vector<16xf32>
      %parallel_loop3A_275 = arith.constant 0 : i32
      %parallel_loop3A_276 = arith.index_cast %parallel_loop3A_275 : i32 to index
      %parallel_loop3A_277 = arith.index_cast %parallel_loop3A_222 : i32 to index
      %parallel_loop3A_278 = arith.constant 16 : index
      %parallel_loop3A_279 = tpu.vector_load %arg8[%parallel_loop3A_276, %parallel_loop3A_277, %parallel_loop3A_278] {strides = array<i32>} : memref<4x128x128xf32, #tpu.memory_space<vmem>>, vector<1x1x16xf32>,
      %parallel_loop3A_280 = vector.shape_cast %parallel_loop3A_279 : vector<1x1x16xf32> to vector<16xf32>
      %parallel_loop3A_281 = vector.shape_cast %parallel_loop3A_274 : vector<16xf32> to vector<1x1x16xf32>
      tpu.vector_store %arg8[%parallel_loop3A_276, %parallel_loop3A_277, %parallel_loop3A_278], %parallel_loop3A_281 {strides = array<i32>} : memref<4x128x128xf32, #tpu.memory_space<vmem>>, vector<1x1x16xf32>,
      %parallel_loop3A_282 = arith.constant 1 : i32
      %parallel_loop3A_283 = arith.index_cast %parallel_loop3A_282 : i32 to index
      %parallel_loop3A_284 = arith.index_cast %parallel_loop3A_222 : i32 to index
      %parallel_loop3A_285 = arith.constant 16 : index
      %parallel_loop3A_286 = tpu.vector_load %arg8[%parallel_loop3A_283, %parallel_loop3A_284, %parallel_loop3A_285] {strides = array<i32>} : memref<4x128x128xf32, #tpu.memory_space<vmem>>, vector<1x1x16xf32>,
      %parallel_loop3A_287 = vector.shape_cast %parallel_loop3A_286 : vector<1x1x16xf32> to vector<16xf32>
      %parallel_loop3A_288 = arith.constant 11.3137083 : f32
      %parallel_loop3A_289 = vector.broadcast %parallel_loop3A_288 : f32 to vector<16xf32>
      %parallel_loop3A_290 = arith.mulf %parallel_loop3A_287, %parallel_loop3A_289 : vector<16xf32>
      %parallel_loop3A_291 = arith.addf %parallel_loop3A_290, %parallel_loop3A_264 : vector<16xf32>
      %parallel_loop3A_292 = arith.constant 1 : i32
      %parallel_loop3A_293 = arith.index_cast %parallel_loop3A_292 : i32 to index
      %parallel_loop3A_294 = arith.index_cast %parallel_loop3A_222 : i32 to index
      %parallel_loop3A_295 = arith.constant 16 : index
      %parallel_loop3A_296 = tpu.vector_load %arg8[%parallel_loop3A_293, %parallel_loop3A_294, %parallel_loop3A_295] {strides = array<i32>} : memref<4x128x128xf32, #tpu.memory_space<vmem>>, vector<1x1x16xf32>,
      %parallel_loop3A_297 = vector.shape_cast %parallel_loop3A_296 : vector<1x1x16xf32> to vector<16xf32>
      %parallel_loop3A_298 = vector.shape_cast %parallel_loop3A_291 : vector<16xf32> to vector<1x1x16xf32>
      tpu.vector_store %arg8[%parallel_loop3A_293, %parallel_loop3A_294, %parallel_loop3A_295], %parallel_loop3A_298 {strides = array<i32>} : memref<4x128x128xf32, #tpu.memory_space<vmem>>, vector<1x1x16xf32>,
      %parallel_loop3A_299 = arith.index_cast %parallel_loop3A_222 : i32 to index
      %parallel_loop3A_300 = arith.constant 32 : index
      %parallel_loop3A_301 = tpu.vector_load %arg7[%parallel_loop3A_299, %parallel_loop3A_300] {strides = array<i32>} : memref<128x128xf32, #tpu.memory_space<vmem>>, vector<1x16xf32>,
      %parallel_loop3A_302 = vector.shape_cast %parallel_loop3A_301 : vector<1x16xf32> to vector<16xf32>
      %parallel_loop3A_303 = arith.constant 0 : i32
      %parallel_loop3A_304 = arith.index_cast %parallel_loop3A_303 : i32 to index
      %parallel_loop3A_305 = arith.index_cast %parallel_loop3A_222 : i32 to index
      %parallel_loop3A_306 = arith.constant 32 : index
      %parallel_loop3A_307 = tpu.vector_load %arg8[%parallel_loop3A_304, %parallel_loop3A_305, %parallel_loop3A_306] {strides = array<i32>} : memref<4x128x128xf32, #tpu.memory_space<vmem>>, vector<1x1x16xf32>,
      %parallel_loop3A_308 = vector.shape_cast %parallel_loop3A_307 : vector<1x1x16xf32> to vector<16xf32>
      %parallel_loop3A_309 = arith.constant 11.3137083 : f32
      %parallel_loop3A_310 = vector.broadcast %parallel_loop3A_309 : f32 to vector<16xf32>
      %parallel_loop3A_311 = arith.mulf %parallel_loop3A_308, %parallel_loop3A_310 : vector<16xf32>
      %parallel_loop3A_312 = arith.addf %parallel_loop3A_311, %parallel_loop3A_302 : vector<16xf32>
      %parallel_loop3A_313 = arith.constant 0 : i32
      %parallel_loop3A_314 = arith.index_cast %parallel_loop3A_313 : i32 to index
      %parallel_loop3A_315 = arith.index_cast %parallel_loop3A_222 : i32 to index
      %parallel_loop3A_316 = arith.constant 32 : index
      %parallel_loop3A_317 = tpu.vector_load %arg8[%parallel_loop3A_314, %parallel_loop3A_315, %parallel_loop3A_316] {strides = array<i32>} : memref<4x128x128xf32, #tpu.memory_space<vmem>>, vector<1x1x16xf32>,
      %parallel_loop3A_318 = vector.shape_cast %parallel_loop3A_317 : vector<1x1x16xf32> to vector<16xf32>
      %parallel_loop3A_319 = vector.shape_cast %parallel_loop3A_312 : vector<16xf32> to vector<1x1x16xf32>
      tpu.vector_store %arg8[%parallel_loop3A_314, %parallel_loop3A_315, %parallel_loop3A_316], %parallel_loop3A_319 {strides = array<i32>} : memref<4x128x128xf32, #tpu.memory_space<vmem>>, vector<1x1x16xf32>,
      %parallel_loop3A_320 = arith.constant 1 : i32
      %parallel_loop3A_321 = arith.index_cast %parallel_loop3A_320 : i32 to index
      %parallel_loop3A_322 = arith.index_cast %parallel_loop3A_222 : i32 to index
      %parallel_loop3A_323 = arith.constant 32 : index
      %parallel_loop3A_324 = tpu.vector_load %arg8[%parallel_loop3A_321, %parallel_loop3A_322, %parallel_loop3A_323] {strides = array<i32>} : memref<4x128x128xf32, #tpu.memory_space<vmem>>, vector<1x1x16xf32>,
      %parallel_loop3A_325 = vector.shape_cast %parallel_loop3A_324 : vector<1x1x16xf32> to vector<16xf32>
      %parallel_loop3A_326 = arith.constant 11.3137083 : f32
      %parallel_loop3A_327 = vector.broadcast %parallel_loop3A_326 : f32 to vector<16xf32>
      %parallel_loop3A_328 = arith.mulf %parallel_loop3A_325, %parallel_loop3A_327 : vector<16xf32>
      %parallel_loop3A_329 = arith.addf %parallel_loop3A_328, %parallel_loop3A_302 : vector<16xf32>
      %parallel_loop3A_330 = arith.constant 1 : i32
      %parallel_loop3A_331 = arith.index_cast %parallel_loop3A_330 : i32 to index
      %parallel_loop3A_332 = arith.index_cast %parallel_loop3A_222 : i32 to index
      %parallel_loop3A_333 = arith.constant 32 : index
      %parallel_loop3A_334 = tpu.vector_load %arg8[%parallel_loop3A_331, %parallel_loop3A_332, %parallel_loop3A_333] {strides = array<i32>} : memref<4x128x128xf32, #tpu.memory_space<vmem>>, vector<1x1x16xf32>,
      %parallel_loop3A_335 = vector.shape_cast %parallel_loop3A_334 : vector<1x1x16xf32> to vector<16xf32>
      %parallel_loop3A_336 = vector.shape_cast %parallel_loop3A_329 : vector<16xf32> to vector<1x1x16xf32>
      tpu.vector_store %arg8[%parallel_loop3A_331, %parallel_loop3A_332, %parallel_loop3A_333], %parallel_loop3A_336 {strides = array<i32>} : memref<4x128x128xf32, #tpu.memory_space<vmem>>, vector<1x1x16xf32>,
      %parallel_loop3A_337 = arith.index_cast %parallel_loop3A_222 : i32 to index
      %parallel_loop3A_338 = arith.constant 48 : index
      %parallel_loop3A_339 = tpu.vector_load %arg7[%parallel_loop3A_337, %parallel_loop3A_338] {strides = array<i32>} : memref<128x128xf32, #tpu.memory_space<vmem>>, vector<1x16xf32>,
      %parallel_loop3A_340 = vector.shape_cast %parallel_loop3A_339 : vector<1x16xf32> to vector<16xf32>
      %parallel_loop3A_341 = arith.constant 0 : i32
      %parallel_loop3A_342 = arith.index_cast %parallel_loop3A_341 : i32 to index
      %parallel_loop3A_343 = arith.index_cast %parallel_loop3A_222 : i32 to index
      %parallel_loop3A_344 = arith.constant 48 : index
      %parallel_loop3A_345 = tpu.vector_load %arg8[%parallel_loop3A_342, %parallel_loop3A_343, %parallel_loop3A_344] {strides = array<i32>} : memref<4x128x128xf32, #tpu.memory_space<vmem>>, vector<1x1x16xf32>,
      %parallel_loop3A_346 = vector.shape_cast %parallel_loop3A_345 : vector<1x1x16xf32> to vector<16xf32>
      %parallel_loop3A_347 = arith.constant 11.3137083 : f32
      %parallel_loop3A_348 = vector.broadcast %parallel_loop3A_347 : f32 to vector<16xf32>
      %parallel_loop3A_349 = arith.mulf %parallel_loop3A_346, %parallel_loop3A_348 : vector<16xf32>
      %parallel_loop3A_350 = arith.addf %parallel_loop3A_349, %parallel_loop3A_340 : vector<16xf32>
      %parallel_loop3A_351 = arith.constant 0 : i32
      %parallel_loop3A_352 = arith.index_cast %parallel_loop3A_351 : i32 to index
      %parallel_loop3A_353 = arith.index_cast %parallel_loop3A_222 : i32 to index
      %parallel_loop3A_354 = arith.constant 48 : index
      %parallel_loop3A_355 = tpu.vector_load %arg8[%parallel_loop3A_352, %parallel_loop3A_353, %parallel_loop3A_354] {strides = array<i32>} : memref<4x128x128xf32, #tpu.memory_space<vmem>>, vector<1x1x16xf32>,
      %parallel_loop3A_356 = vector.shape_cast %parallel_loop3A_355 : vector<1x1x16xf32> to vector<16xf32>
      %parallel_loop3A_357 = vector.shape_cast %parallel_loop3A_350 : vector<16xf32> to vector<1x1x16xf32>
      tpu.vector_store %arg8[%parallel_loop3A_352, %parallel_loop3A_353, %parallel_loop3A_354], %parallel_loop3A_357 {strides = array<i32>} : memref<4x128x128xf32, #tpu.memory_space<vmem>>, vector<1x1x16xf32>,
      %parallel_loop3A_358 = arith.constant 1 : i32
      %parallel_loop3A_359 = arith.index_cast %parallel_loop3A_358 : i32 to index
      %parallel_loop3A_360 = arith.index_cast %parallel_loop3A_222 : i32 to index
      %parallel_loop3A_361 = arith.constant 48 : index
      %parallel_loop3A_362 = tpu.vector_load %arg8[%parallel_loop3A_359, %parallel_loop3A_360, %parallel_loop3A_361] {strides = array<i32>} : memref<4x128x128xf32, #tpu.memory_space<vmem>>, vector<1x1x16xf32>,
      %parallel_loop3A_363 = vector.shape_cast %parallel_loop3A_362 : vector<1x1x16xf32> to vector<16xf32>
      %parallel_loop3A_364 = arith.constant 11.3137083 : f32
      %parallel_loop3A_365 = vector.broadcast %parallel_loop3A_364 : f32 to vector<16xf32>
      %parallel_loop3A_366 = arith.mulf %parallel_loop3A_363, %parallel_loop3A_365 : vector<16xf32>
      %parallel_loop3A_367 = arith.addf %parallel_loop3A_366, %parallel_loop3A_340 : vector<16xf32>
      %parallel_loop3A_368 = arith.constant 1 : i32
      %parallel_loop3A_369 = arith.index_cast %parallel_loop3A_368 : i32 to index
      %parallel_loop3A_370 = arith.index_cast %parallel_loop3A_222 : i32 to index
      %parallel_loop3A_371 = arith.constant 48 : index
      %parallel_loop3A_372 = tpu.vector_load %arg8[%parallel_loop3A_369, %parallel_loop3A_370, %parallel_loop3A_371] {strides = array<i32>} : memref<4x128x128xf32, #tpu.memory_space<vmem>>, vector<1x1x16xf32>,
      %parallel_loop3A_373 = vector.shape_cast %parallel_loop3A_372 : vector<1x1x16xf32> to vector<16xf32>
      %parallel_loop3A_374 = vector.shape_cast %parallel_loop3A_367 : vector<16xf32> to vector<1x1x16xf32>
      tpu.vector_store %arg8[%parallel_loop3A_369, %parallel_loop3A_370, %parallel_loop3A_371], %parallel_loop3A_374 {strides = array<i32>} : memref<4x128x128xf32, #tpu.memory_space<vmem>>, vector<1x1x16xf32>,
      %parallel_loop3A_375 = arith.index_cast %parallel_loop3A_222 : i32 to index
      %parallel_loop3A_376 = arith.constant 64 : index
      %parallel_loop3A_377 = tpu.vector_load %arg7[%parallel_loop3A_375, %parallel_loop3A_376] {strides = array<i32>} : memref<128x128xf32, #tpu.memory_space<vmem>>, vector<1x16xf32>,
      %parallel_loop3A_378 = vector.shape_cast %parallel_loop3A_377 : vector<1x16xf32> to vector<16xf32>
      %parallel_loop3A_379 = arith.constant 0 : i32
      %parallel_loop3A_380 = arith.index_cast %parallel_loop3A_379 : i32 to index
      %parallel_loop3A_381 = arith.index_cast %parallel_loop3A_222 : i32 to index
      %parallel_loop3A_382 = arith.constant 64 : index
      %parallel_loop3A_383 = tpu.vector_load %arg8[%parallel_loop3A_380, %parallel_loop3A_381, %parallel_loop3A_382] {strides = array<i32>} : memref<4x128x128xf32, #tpu.memory_space<vmem>>, vector<1x1x16xf32>,
      %parallel_loop3A_384 = vector.shape_cast %parallel_loop3A_383 : vector<1x1x16xf32> to vector<16xf32>
      %parallel_loop3A_385 = arith.constant 11.3137083 : f32
      %parallel_loop3A_386 = vector.broadcast %parallel_loop3A_385 : f32 to vector<16xf32>
      %parallel_loop3A_387 = arith.mulf %parallel_loop3A_384, %parallel_loop3A_386 : vector<16xf32>
      %parallel_loop3A_388 = arith.addf %parallel_loop3A_387, %parallel_loop3A_378 : vector<16xf32>
      %parallel_loop3A_389 = arith.constant 0 : i32
      %parallel_loop3A_390 = arith.index_cast %parallel_loop3A_389 : i32 to index
      %parallel_loop3A_391 = arith.index_cast %parallel_loop3A_222 : i32 to index
      %parallel_loop3A_392 = arith.constant 64 : index
      %parallel_loop3A_393 = tpu.vector_load %arg8[%parallel_loop3A_390, %parallel_loop3A_391, %parallel_loop3A_392] {strides = array<i32>} : memref<4x128x128xf32, #tpu.memory_space<vmem>>, vector<1x1x16xf32>,
      %parallel_loop3A_394 = vector.shape_cast %parallel_loop3A_393 : vector<1x1x16xf32> to vector<16xf32>
      %parallel_loop3A_395 = vector.shape_cast %parallel_loop3A_388 : vector<16xf32> to vector<1x1x16xf32>
      tpu.vector_store %arg8[%parallel_loop3A_390, %parallel_loop3A_391, %parallel_loop3A_392], %parallel_loop3A_395 {strides = array<i32>} : memref<4x128x128xf32, #tpu.memory_space<vmem>>, vector<1x1x16xf32>,
      %parallel_loop3A_396 = arith.constant 1 : i32
      %parallel_loop3A_397 = arith.index_cast %parallel_loop3A_396 : i32 to index
      %parallel_loop3A_398 = arith.index_cast %parallel_loop3A_222 : i32 to index
      %parallel_loop3A_399 = arith.constant 64 : index
      %parallel_loop3A_400 = tpu.vector_load %arg8[%parallel_loop3A_397, %parallel_loop3A_398, %parallel_loop3A_399] {strides = array<i32>} : memref<4x128x128xf32, #tpu.memory_space<vmem>>, vector<1x1x16xf32>,
      %parallel_loop3A_401 = vector.shape_cast %parallel_loop3A_400 : vector<1x1x16xf32> to vector<16xf32>
      %parallel_loop3A_402 = arith.constant 11.3137083 : f32
      %parallel_loop3A_403 = vector.broadcast %parallel_loop3A_402 : f32 to vector<16xf32>
      %parallel_loop3A_404 = arith.mulf %parallel_loop3A_401, %parallel_loop3A_403 : vector<16xf32>
      %parallel_loop3A_405 = arith.addf %parallel_loop3A_404, %parallel_loop3A_378 : vector<16xf32>
      %parallel_loop3A_406 = arith.constant 1 : i32
      %parallel_loop3A_407 = arith.index_cast %parallel_loop3A_406 : i32 to index
      %parallel_loop3A_408 = arith.index_cast %parallel_loop3A_222 : i32 to index
      %parallel_loop3A_409 = arith.constant 64 : index
      %parallel_loop3A_410 = tpu.vector_load %arg8[%parallel_loop3A_407, %parallel_loop3A_408, %parallel_loop3A_409] {strides = array<i32>} : memref<4x128x128xf32, #tpu.memory_space<vmem>>, vector<1x1x16xf32>,
      %parallel_loop3A_411 = vector.shape_cast %parallel_loop3A_410 : vector<1x1x16xf32> to vector<16xf32>
      %parallel_loop3A_412 = vector.shape_cast %parallel_loop3A_405 : vector<16xf32> to vector<1x1x16xf32>
      tpu.vector_store %arg8[%parallel_loop3A_407, %parallel_loop3A_408, %parallel_loop3A_409], %parallel_loop3A_412 {strides = array<i32>} : memref<4x128x128xf32, #tpu.memory_space<vmem>>, vector<1x1x16xf32>,
      %parallel_loop3A_413 = arith.index_cast %parallel_loop3A_222 : i32 to index
      %parallel_loop3A_414 = arith.constant 80 : index
      %parallel_loop3A_415 = tpu.vector_load %arg7[%parallel_loop3A_413, %parallel_loop3A_414] {strides = array<i32>} : memref<128x128xf32, #tpu.memory_space<vmem>>, vector<1x16xf32>,
      %parallel_loop3A_416 = vector.shape_cast %parallel_loop3A_415 : vector<1x16xf32> to vector<16xf32>
      %parallel_loop3A_417 = arith.constant 0 : i32
      %parallel_loop3A_418 = arith.index_cast %parallel_loop3A_417 : i32 to index
      %parallel_loop3A_419 = arith.index_cast %parallel_loop3A_222 : i32 to index
      %parallel_loop3A_420 = arith.constant 80 : index
      %parallel_loop3A_421 = tpu.vector_load %arg8[%parallel_loop3A_418, %parallel_loop3A_419, %parallel_loop3A_420] {strides = array<i32>} : memref<4x128x128xf32, #tpu.memory_space<vmem>>, vector<1x1x16xf32>,
      %parallel_loop3A_422 = vector.shape_cast %parallel_loop3A_421 : vector<1x1x16xf32> to vector<16xf32>
      %parallel_loop3A_423 = arith.constant 11.3137083 : f32
      %parallel_loop3A_424 = vector.broadcast %parallel_loop3A_423 : f32 to vector<16xf32>
      %parallel_loop3A_425 = arith.mulf %parallel_loop3A_422, %parallel_loop3A_424 : vector<16xf32>
      %parallel_loop3A_426 = arith.addf %parallel_loop3A_425, %parallel_loop3A_416 : vector<16xf32>
      %parallel_loop3A_427 = arith.constant 0 : i32
      %parallel_loop3A_428 = arith.index_cast %parallel_loop3A_427 : i32 to index
      %parallel_loop3A_429 = arith.index_cast %parallel_loop3A_222 : i32 to index
      %parallel_loop3A_430 = arith.constant 80 : index
      %parallel_loop3A_431 = tpu.vector_load %arg8[%parallel_loop3A_428, %parallel_loop3A_429, %parallel_loop3A_430] {strides = array<i32>} : memref<4x128x128xf32, #tpu.memory_space<vmem>>, vector<1x1x16xf32>,
      %parallel_loop3A_432 = vector.shape_cast %parallel_loop3A_431 : vector<1x1x16xf32> to vector<16xf32>
      %parallel_loop3A_433 = vector.shape_cast %parallel_loop3A_426 : vector<16xf32> to vector<1x1x16xf32>
      tpu.vector_store %arg8[%parallel_loop3A_428, %parallel_loop3A_429, %parallel_loop3A_430], %parallel_loop3A_433 {strides = array<i32>} : memref<4x128x128xf32, #tpu.memory_space<vmem>>, vector<1x1x16xf32>,
      %parallel_loop3A_434 = arith.constant 1 : i32
      %parallel_loop3A_435 = arith.index_cast %parallel_loop3A_434 : i32 to index
      %parallel_loop3A_436 = arith.index_cast %parallel_loop3A_222 : i32 to index
      %parallel_loop3A_437 = arith.constant 80 : index
      %parallel_loop3A_438 = tpu.vector_load %arg8[%parallel_loop3A_435, %parallel_loop3A_436, %parallel_loop3A_437] {strides = array<i32>} : memref<4x128x128xf32, #tpu.memory_space<vmem>>, vector<1x1x16xf32>,
      %parallel_loop3A_439 = vector.shape_cast %parallel_loop3A_438 : vector<1x1x16xf32> to vector<16xf32>
      %parallel_loop3A_440 = arith.constant 11.3137083 : f32
      %parallel_loop3A_441 = vector.broadcast %parallel_loop3A_440 : f32 to vector<16xf32>
      %parallel_loop3A_442 = arith.mulf %parallel_loop3A_439, %parallel_loop3A_441 : vector<16xf32>
      %parallel_loop3A_443 = arith.addf %parallel_loop3A_442, %parallel_loop3A_416 : vector<16xf32>
      %parallel_loop3A_444 = arith.constant 1 : i32
      %parallel_loop3A_445 = arith.index_cast %parallel_loop3A_444 : i32 to index
      %parallel_loop3A_446 = arith.index_cast %parallel_loop3A_222 : i32 to index
      %parallel_loop3A_447 = arith.constant 80 : index
      %parallel_loop3A_448 = tpu.vector_load %arg8[%parallel_loop3A_445, %parallel_loop3A_446, %parallel_loop3A_447] {strides = array<i32>} : memref<4x128x128xf32, #tpu.memory_space<vmem>>, vector<1x1x16xf32>,
      %parallel_loop3A_449 = vector.shape_cast %parallel_loop3A_448 : vector<1x1x16xf32> to vector<16xf32>
      %parallel_loop3A_450 = vector.shape_cast %parallel_loop3A_443 : vector<16xf32> to vector<1x1x16xf32>
      tpu.vector_store %arg8[%parallel_loop3A_445, %parallel_loop3A_446, %parallel_loop3A_447], %parallel_loop3A_450 {strides = array<i32>} : memref<4x128x128xf32, #tpu.memory_space<vmem>>, vector<1x1x16xf32>,
      %parallel_loop3A_451 = arith.index_cast %parallel_loop3A_222 : i32 to index
      %parallel_loop3A_452 = arith.constant 96 : index
      %parallel_loop3A_453 = tpu.vector_load %arg7[%parallel_loop3A_451, %parallel_loop3A_452] {strides = array<i32>} : memref<128x128xf32, #tpu.memory_space<vmem>>, vector<1x16xf32>,
      %parallel_loop3A_454 = vector.shape_cast %parallel_loop3A_453 : vector<1x16xf32> to vector<16xf32>
      %parallel_loop3A_455 = arith.constant 0 : i32
      %parallel_loop3A_456 = arith.index_cast %parallel_loop3A_455 : i32 to index
      %parallel_loop3A_457 = arith.index_cast %parallel_loop3A_222 : i32 to index
      %parallel_loop3A_458 = arith.constant 96 : index
      %parallel_loop3A_459 = tpu.vector_load %arg8[%parallel_loop3A_456, %parallel_loop3A_457, %parallel_loop3A_458] {strides = array<i32>} : memref<4x128x128xf32, #tpu.memory_space<vmem>>, vector<1x1x16xf32>,
      %parallel_loop3A_460 = vector.shape_cast %parallel_loop3A_459 : vector<1x1x16xf32> to vector<16xf32>
      %parallel_loop3A_461 = arith.constant 11.3137083 : f32
      %parallel_loop3A_462 = vector.broadcast %parallel_loop3A_461 : f32 to vector<16xf32>
      %parallel_loop3A_463 = arith.mulf %parallel_loop3A_460, %parallel_loop3A_462 : vector<16xf32>
      %parallel_loop3A_464 = arith.addf %parallel_loop3A_463, %parallel_loop3A_454 : vector<16xf32>
      %parallel_loop3A_465 = arith.constant 0 : i32
      %parallel_loop3A_466 = arith.index_cast %parallel_loop3A_465 : i32 to index
      %parallel_loop3A_467 = arith.index_cast %parallel_loop3A_222 : i32 to index
      %parallel_loop3A_468 = arith.constant 96 : index
      %parallel_loop3A_469 = tpu.vector_load %arg8[%parallel_loop3A_466, %parallel_loop3A_467, %parallel_loop3A_468] {strides = array<i32>} : memref<4x128x128xf32, #tpu.memory_space<vmem>>, vector<1x1x16xf32>,
      %parallel_loop3A_470 = vector.shape_cast %parallel_loop3A_469 : vector<1x1x16xf32> to vector<16xf32>
      %parallel_loop3A_471 = vector.shape_cast %parallel_loop3A_464 : vector<16xf32> to vector<1x1x16xf32>
      tpu.vector_store %arg8[%parallel_loop3A_466, %parallel_loop3A_467, %parallel_loop3A_468], %parallel_loop3A_471 {strides = array<i32>} : memref<4x128x128xf32, #tpu.memory_space<vmem>>, vector<1x1x16xf32>,
      %parallel_loop3A_472 = arith.constant 1 : i32
      %parallel_loop3A_473 = arith.index_cast %parallel_loop3A_472 : i32 to index
      %parallel_loop3A_474 = arith.index_cast %parallel_loop3A_222 : i32 to index
      %parallel_loop3A_475 = arith.constant 96 : index
      %parallel_loop3A_476 = tpu.vector_load %arg8[%parallel_loop3A_473, %parallel_loop3A_474, %parallel_loop3A_475] {strides = array<i32>} : memref<4x128x128xf32, #tpu.memory_space<vmem>>, vector<1x1x16xf32>,
      %parallel_loop3A_477 = vector.shape_cast %parallel_loop3A_476 : vector<1x1x16xf32> to vector<16xf32>
      %parallel_loop3A_478 = arith.constant 11.3137083 : f32
      %parallel_loop3A_479 = vector.broadcast %parallel_loop3A_478 : f32 to vector<16xf32>
      %parallel_loop3A_480 = arith.mulf %parallel_loop3A_477, %parallel_loop3A_479 : vector<16xf32>
      %parallel_loop3A_481 = arith.addf %parallel_loop3A_480, %parallel_loop3A_454 : vector<16xf32>
      %parallel_loop3A_482 = arith.constant 1 : i32
      %parallel_loop3A_483 = arith.index_cast %parallel_loop3A_482 : i32 to index
      %parallel_loop3A_484 = arith.index_cast %parallel_loop3A_222 : i32 to index
      %parallel_loop3A_485 = arith.constant 96 : index
      %parallel_loop3A_486 = tpu.vector_load %arg8[%parallel_loop3A_483, %parallel_loop3A_484, %parallel_loop3A_485] {strides = array<i32>} : memref<4x128x128xf32, #tpu.memory_space<vmem>>, vector<1x1x16xf32>,
      %parallel_loop3A_487 = vector.shape_cast %parallel_loop3A_486 : vector<1x1x16xf32> to vector<16xf32>
      %parallel_loop3A_488 = vector.shape_cast %parallel_loop3A_481 : vector<16xf32> to vector<1x1x16xf32>
      tpu.vector_store %arg8[%parallel_loop3A_483, %parallel_loop3A_484, %parallel_loop3A_485], %parallel_loop3A_488 {strides = array<i32>} : memref<4x128x128xf32, #tpu.memory_space<vmem>>, vector<1x1x16xf32>,
      %parallel_loop3A_489 = arith.index_cast %parallel_loop3A_222 : i32 to index
      %parallel_loop3A_490 = arith.constant 112 : index
      %parallel_loop3A_491 = tpu.vector_load %arg7[%parallel_loop3A_489, %parallel_loop3A_490] {strides = array<i32>} : memref<128x128xf32, #tpu.memory_space<vmem>>, vector<1x16xf32>,
      %parallel_loop3A_492 = vector.shape_cast %parallel_loop3A_491 : vector<1x16xf32> to vector<16xf32>
      %parallel_loop3A_493 = arith.constant 0 : i32
      %parallel_loop3A_494 = arith.index_cast %parallel_loop3A_493 : i32 to index
      %parallel_loop3A_495 = arith.index_cast %parallel_loop3A_222 : i32 to index
      %parallel_loop3A_496 = arith.constant 112 : index
      %parallel_loop3A_497 = tpu.vector_load %arg8[%parallel_loop3A_494, %parallel_loop3A_495, %parallel_loop3A_496] {strides = array<i32>} : memref<4x128x128xf32, #tpu.memory_space<vmem>>, vector<1x1x16xf32>,
      %parallel_loop3A_498 = vector.shape_cast %parallel_loop3A_497 : vector<1x1x16xf32> to vector<16xf32>
      %parallel_loop3A_499 = arith.constant 11.3137083 : f32
      %parallel_loop3A_500 = vector.broadcast %parallel_loop3A_499 : f32 to vector<16xf32>
      %parallel_loop3A_501 = arith.mulf %parallel_loop3A_498, %parallel_loop3A_500 : vector<16xf32>
      %parallel_loop3A_502 = arith.addf %parallel_loop3A_501, %parallel_loop3A_492 : vector<16xf32>
      %parallel_loop3A_503 = arith.constant 0 : i32
      %parallel_loop3A_504 = arith.index_cast %parallel_loop3A_503 : i32 to index
      %parallel_loop3A_505 = arith.index_cast %parallel_loop3A_222 : i32 to index
      %parallel_loop3A_506 = arith.constant 112 : index
      %parallel_loop3A_507 = tpu.vector_load %arg8[%parallel_loop3A_504, %parallel_loop3A_505, %parallel_loop3A_506] {strides = array<i32>} : memref<4x128x128xf32, #tpu.memory_space<vmem>>, vector<1x1x16xf32>,
      %parallel_loop3A_508 = vector.shape_cast %parallel_loop3A_507 : vector<1x1x16xf32> to vector<16xf32>
      %parallel_loop3A_509 = vector.shape_cast %parallel_loop3A_502 : vector<16xf32> to vector<1x1x16xf32>
      tpu.vector_store %arg8[%parallel_loop3A_504, %parallel_loop3A_505, %parallel_loop3A_506], %parallel_loop3A_509 {strides = array<i32>} : memref<4x128x128xf32, #tpu.memory_space<vmem>>, vector<1x1x16xf32>,
      %parallel_loop3A_510 = arith.constant 1 : i32
      %parallel_loop3A_511 = arith.index_cast %parallel_loop3A_510 : i32 to index
      %parallel_loop3A_512 = arith.index_cast %parallel_loop3A_222 : i32 to index
      %parallel_loop3A_513 = arith.constant 112 : index
      %parallel_loop3A_514 = tpu.vector_load %arg8[%parallel_loop3A_511, %parallel_loop3A_512, %parallel_loop3A_513] {strides = array<i32>} : memref<4x128x128xf32, #tpu.memory_space<vmem>>, vector<1x1x16xf32>,
      %parallel_loop3A_515 = vector.shape_cast %parallel_loop3A_514 : vector<1x1x16xf32> to vector<16xf32>
      %parallel_loop3A_516 = arith.constant 11.3137083 : f32
      %parallel_loop3A_517 = vector.broadcast %parallel_loop3A_516 : f32 to vector<16xf32>
      %parallel_loop3A_518 = arith.mulf %parallel_loop3A_515, %parallel_loop3A_517 : vector<16xf32>
      %parallel_loop3A_519 = arith.addf %parallel_loop3A_518, %parallel_loop3A_492 : vector<16xf32>
      %parallel_loop3A_520 = arith.constant 1 : i32
      %parallel_loop3A_521 = arith.index_cast %parallel_loop3A_520 : i32 to index
      %parallel_loop3A_522 = arith.index_cast %parallel_loop3A_222 : i32 to index
      %parallel_loop3A_523 = arith.constant 112 : index
      %parallel_loop3A_524 = tpu.vector_load %arg8[%parallel_loop3A_521, %parallel_loop3A_522, %parallel_loop3A_523] {strides = array<i32>} : memref<4x128x128xf32, #tpu.memory_space<vmem>>, vector<1x1x16xf32>,
      %parallel_loop3A_525 = vector.shape_cast %parallel_loop3A_524 : vector<1x1x16xf32> to vector<16xf32>
      %parallel_loop3A_526 = vector.shape_cast %parallel_loop3A_519 : vector<16xf32> to vector<1x1x16xf32>
      tpu.vector_store %arg8[%parallel_loop3A_521, %parallel_loop3A_522, %parallel_loop3A_523], %parallel_loop3A_526 {strides = array<i32>} : memref<4x128x128xf32, #tpu.memory_space<vmem>>, vector<1x1x16xf32>,
    } {sc.loop_unroll_factor = 8 : i64, sc.parallel_access}
    %add3A_83 = arith.constant 0 : i32
    %add3A_84 = arith.addi %add3A_83, %mul3A_2 : i32
    %dma_start3A_85 = arith.constant 0 : i32
    %dma_start3A_86 = arith.constant 0 : i32
    %dma_start3A_87 = arith.constant 0 : i32
    %dma_start3A_88 = tpu.memref_slice %arg8[%dma_start3A_85, %dma_start3A_86, %dma_start3A_87] : memref<4x128x128xf32, #tpu.memory_space<vmem>> -> memref<1x128x128xf32, #tpu.memory_space<vmem>>
    %dma_start3A_89 = tpu.memref_squeeze %dma_start3A_88 : memref<1x128x128xf32, #tpu.memory_space<vmem>> -> memref<128x128xf32, #tpu.memory_space<vmem>>
    %dma_start3A_90 = arith.constant 0 : i32
    %dma_start3A_91 = tpu.memref_slice %arg5[%add3A_84, %dma_start3A_90] : memref<16384x128xf32, #tpu.memory_space<hbm>> -> memref<128x128xf32, #tpu.memory_space<hbm>>
    %dma_start3A_92 = arith.constant 0 : i32
    %dma_start3A_93 = tpu.memref_slice %arg5[%add3A_84, %dma_start3A_92] : memref<16384x128xf32, #tpu.memory_space<hbm>> -> memref<128x128xf32, #tpu.memory_space<hbm>>
    %dma_start3A_94 = arith.constant 0 : i32
    %dma_start3A_95 = arith.constant 0 : i32
    %dma_start3A_96 = tpu.memref_slice %arg8[%dma_start3A_85, %dma_start3A_94, %dma_start3A_95] : memref<4x128x128xf32, #tpu.memory_space<vmem>> -> memref<1x128x128xf32, #tpu.memory_space<vmem>>
    %dma_start3A_97 = tpu.memref_squeeze %dma_start3A_96 : memref<1x128x128xf32, #tpu.memory_space<vmem>> -> memref<128x128xf32, #tpu.memory_space<vmem>>
    tpu.enqueue_dma source(%dma_start3A_97 : memref<128x128xf32, #tpu.memory_space<vmem>>) target(%dma_start3A_93 : memref<128x128xf32, #tpu.memory_space<hbm>>) target_semaphore(%arg14 : memref<!tpu.dma_semaphore, #tpu.memory_space<semaphore_mem>>)
    %add3A_98 = arith.constant 4096 : i32
    %add3A_99 = arith.addi %add3A_98, %mul3A_2 : i32
    %dma_start3A_100 = arith.constant 1 : i32
    %dma_start3A_101 = arith.constant 0 : i32
    %dma_start3A_102 = arith.constant 0 : i32
    %dma_start3A_103 = tpu.memref_slice %arg8[%dma_start3A_100, %dma_start3A_101, %dma_start3A_102] : memref<4x128x128xf32, #tpu.memory_space<vmem>> -> memref<1x128x128xf32, #tpu.memory_space<vmem>>
    %dma_start3A_104 = tpu.memref_squeeze %dma_start3A_103 : memref<1x128x128xf32, #tpu.memory_space<vmem>> -> memref<128x128xf32, #tpu.memory_space<vmem>>
    %dma_start3A_105 = arith.constant 0 : i32
    %dma_start3A_106 = tpu.memref_slice %arg5[%add3A_99, %dma_start3A_105] : memref<16384x128xf32, #tpu.memory_space<hbm>> -> memref<128x128xf32, #tpu.memory_space<hbm>>
    %dma_start3A_107 = arith.constant 0 : i32
    %dma_start3A_108 = tpu.memref_slice %arg5[%add3A_99, %dma_start3A_107] : memref<16384x128xf32, #tpu.memory_space<hbm>> -> memref<128x128xf32, #tpu.memory_space<hbm>>
    %dma_start3A_109 = arith.constant 0 : i32
    %dma_start3A_110 = arith.constant 0 : i32
    %dma_start3A_111 = tpu.memref_slice %arg8[%dma_start3A_100, %dma_start3A_109, %dma_start3A_110] : memref<4x128x128xf32, #tpu.memory_space<vmem>> -> memref<1x128x128xf32, #tpu.memory_space<vmem>>
    %dma_start3A_112 = tpu.memref_squeeze %dma_start3A_111 : memref<1x128x128xf32, #tpu.memory_space<vmem>> -> memref<128x128xf32, #tpu.memory_space<vmem>>
    tpu.enqueue_dma source(%dma_start3A_112 : memref<128x128xf32, #tpu.memory_space<vmem>>) target(%dma_start3A_108 : memref<128x128xf32, #tpu.memory_space<hbm>>) target_semaphore(%arg15 : memref<!tpu.dma_semaphore, #tpu.memory_space<semaphore_mem>>)
    %dma_wait3A_113 = arith.constant 2 : i32
    %dma_wait3A_114 = arith.constant 2 : i32
    %dma_wait3A_115 = arith.constant 0 : i32
    %dma_wait3A_116 = arith.constant 0 : i32
    %dma_wait3A_117 = tpu.memref_slice %arg8[%dma_wait3A_114, %dma_wait3A_115, %dma_wait3A_116] : memref<4x128x128xf32, #tpu.memory_space<vmem>> -> memref<1x128x128xf32, #tpu.memory_space<vmem>>
    %dma_wait3A_118 = tpu.memref_squeeze %dma_wait3A_117 : memref<1x128x128xf32, #tpu.memory_space<vmem>> -> memref<128x128xf32, #tpu.memory_space<vmem>>
    %dma_wait3A_119 = arith.constant 0 : i32
    %dma_wait3A_120 = tpu.memref_slice %arg6[%dma_wait3A_113, %dma_wait3A_119] : memref<4x128xi32, #tpu.memory_space<vmem>> -> memref<1x128xi32, #tpu.memory_space<vmem>>
    %dma_wait3A_121 = tpu.memref_squeeze %dma_wait3A_120 : memref<1x128xi32, #tpu.memory_space<vmem>> -> memref<128xi32, #tpu.memory_space<vmem>>
    %dma_wait3A_122 = arith.constant 0 : i32
    %dma_wait3A_123 = arith.constant 0 : i32
    %dma_wait3A_124 = tpu.memref_slice %arg3[%dma_wait3A_122, %dma_wait3A_123] : memref<1000x128xf32, #tpu.memory_space<hbm>> -> memref<1000x128xf32, #tpu.memory_space<hbm>>
    tpu.wait_indirect_dma semaphore(%arg12 : memref<!tpu.dma_semaphore, #tpu.memory_space<semaphore_mem>>) src(%dma_wait3A_124 : memref<1000x128xf32, #tpu.memory_space<hbm>>) dst(%dma_wait3A_118 : memref<128x128xf32, #tpu.memory_space<vmem>>)
    %dma_wait3A_125 = arith.constant 3 : i32
    %dma_wait3A_126 = arith.constant 3 : i32
    %dma_wait3A_127 = arith.constant 0 : i32
    %dma_wait3A_128 = arith.constant 0 : i32
    %dma_wait3A_129 = tpu.memref_slice %arg8[%dma_wait3A_126, %dma_wait3A_127, %dma_wait3A_128] : memref<4x128x128xf32, #tpu.memory_space<vmem>> -> memref<1x128x128xf32, #tpu.memory_space<vmem>>
    %dma_wait3A_130 = tpu.memref_squeeze %dma_wait3A_129 : memref<1x128x128xf32, #tpu.memory_space<vmem>> -> memref<128x128xf32, #tpu.memory_space<vmem>>
    %dma_wait3A_131 = arith.constant 0 : i32
    %dma_wait3A_132 = tpu.memref_slice %arg6[%dma_wait3A_125, %dma_wait3A_131] : memref<4x128xi32, #tpu.memory_space<vmem>> -> memref<1x128xi32, #tpu.memory_space<vmem>>
    %dma_wait3A_133 = tpu.memref_squeeze %dma_wait3A_132 : memref<1x128xi32, #tpu.memory_space<vmem>> -> memref<128xi32, #tpu.memory_space<vmem>>
    %dma_wait3A_134 = arith.constant 0 : i32
    %dma_wait3A_135 = arith.constant 0 : i32
    %dma_wait3A_136 = tpu.memref_slice %arg3[%dma_wait3A_134, %dma_wait3A_135] : memref<1000x128xf32, #tpu.memory_space<hbm>> -> memref<1000x128xf32, #tpu.memory_space<hbm>>
    tpu.wait_indirect_dma semaphore(%arg13 : memref<!tpu.dma_semaphore, #tpu.memory_space<semaphore_mem>>) src(%dma_wait3A_136 : memref<1000x128xf32, #tpu.memory_space<hbm>>) dst(%dma_wait3A_130 : memref<128x128xf32, #tpu.memory_space<vmem>>)
    %parallel_loop3A_137 = arith.constant 0 : i32
    %parallel_loop3A_138 = arith.constant 128 : i32
    %parallel_loop3A_139 = arith.constant 1 : i32
    scf.for %parallel_loop3A_222 = %parallel_loop3A_137 to %parallel_loop3A_138 step %parallel_loop3A_139  : i32 {
      %parallel_loop3A_223 = arith.index_cast %parallel_loop3A_222 : i32 to index
      %parallel_loop3A_224 = arith.constant 0 : index
      %parallel_loop3A_225 = tpu.vector_load %arg7[%parallel_loop3A_223, %parallel_loop3A_224] {strides = array<i32>} : memref<128x128xf32, #tpu.memory_space<vmem>>, vector<1x16xf32>,
      %parallel_loop3A_226 = vector.shape_cast %parallel_loop3A_225 : vector<1x16xf32> to vector<16xf32>
      %parallel_loop3A_227 = arith.constant 2 : i32
      %parallel_loop3A_228 = arith.index_cast %parallel_loop3A_227 : i32 to index
      %parallel_loop3A_229 = arith.index_cast %parallel_loop3A_222 : i32 to index
      %parallel_loop3A_230 = arith.constant 0 : index
      %parallel_loop3A_231 = tpu.vector_load %arg8[%parallel_loop3A_228, %parallel_loop3A_229, %parallel_loop3A_230] {strides = array<i32>} : memref<4x128x128xf32, #tpu.memory_space<vmem>>, vector<1x1x16xf32>,
      %parallel_loop3A_232 = vector.shape_cast %parallel_loop3A_231 : vector<1x1x16xf32> to vector<16xf32>
      %parallel_loop3A_233 = arith.constant 11.3137083 : f32
      %parallel_loop3A_234 = vector.broadcast %parallel_loop3A_233 : f32 to vector<16xf32>
      %parallel_loop3A_235 = arith.mulf %parallel_loop3A_232, %parallel_loop3A_234 : vector<16xf32>
      %parallel_loop3A_236 = arith.addf %parallel_loop3A_235, %parallel_loop3A_226 : vector<16xf32>
      %parallel_loop3A_237 = arith.constant 2 : i32
      %parallel_loop3A_238 = arith.index_cast %parallel_loop3A_237 : i32 to index
      %parallel_loop3A_239 = arith.index_cast %parallel_loop3A_222 : i32 to index
      %parallel_loop3A_240 = arith.constant 0 : index
      %parallel_loop3A_241 = tpu.vector_load %arg8[%parallel_loop3A_238, %parallel_loop3A_239, %parallel_loop3A_240] {strides = array<i32>} : memref<4x128x128xf32, #tpu.memory_space<vmem>>, vector<1x1x16xf32>,
      %parallel_loop3A_242 = vector.shape_cast %parallel_loop3A_241 : vector<1x1x16xf32> to vector<16xf32>
      %parallel_loop3A_243 = vector.shape_cast %parallel_loop3A_236 : vector<16xf32> to vector<1x1x16xf32>
      tpu.vector_store %arg8[%parallel_loop3A_238, %parallel_loop3A_239, %parallel_loop3A_240], %parallel_loop3A_243 {strides = array<i32>} : memref<4x128x128xf32, #tpu.memory_space<vmem>>, vector<1x1x16xf32>,
      %parallel_loop3A_244 = arith.constant 3 : i32
      %parallel_loop3A_245 = arith.index_cast %parallel_loop3A_244 : i32 to index
      %parallel_loop3A_246 = arith.index_cast %parallel_loop3A_222 : i32 to index
      %parallel_loop3A_247 = arith.constant 0 : index
      %parallel_loop3A_248 = tpu.vector_load %arg8[%parallel_loop3A_245, %parallel_loop3A_246, %parallel_loop3A_247] {strides = array<i32>} : memref<4x128x128xf32, #tpu.memory_space<vmem>>, vector<1x1x16xf32>,
      %parallel_loop3A_249 = vector.shape_cast %parallel_loop3A_248 : vector<1x1x16xf32> to vector<16xf32>
      %parallel_loop3A_250 = arith.constant 11.3137083 : f32
      %parallel_loop3A_251 = vector.broadcast %parallel_loop3A_250 : f32 to vector<16xf32>
      %parallel_loop3A_252 = arith.mulf %parallel_loop3A_249, %parallel_loop3A_251 : vector<16xf32>
      %parallel_loop3A_253 = arith.addf %parallel_loop3A_252, %parallel_loop3A_226 : vector<16xf32>
      %parallel_loop3A_254 = arith.constant 3 : i32
      %parallel_loop3A_255 = arith.index_cast %parallel_loop3A_254 : i32 to index
      %parallel_loop3A_256 = arith.index_cast %parallel_loop3A_222 : i32 to index
      %parallel_loop3A_257 = arith.constant 0 : index
      %parallel_loop3A_258 = tpu.vector_load %arg8[%parallel_loop3A_255, %parallel_loop3A_256, %parallel_loop3A_257] {strides = array<i32>} : memref<4x128x128xf32, #tpu.memory_space<vmem>>, vector<1x1x16xf32>,
      %parallel_loop3A_259 = vector.shape_cast %parallel_loop3A_258 : vector<1x1x16xf32> to vector<16xf32>
      %parallel_loop3A_260 = vector.shape_cast %parallel_loop3A_253 : vector<16xf32> to vector<1x1x16xf32>
      tpu.vector_store %arg8[%parallel_loop3A_255, %parallel_loop3A_256, %parallel_loop3A_257], %parallel_loop3A_260 {strides = array<i32>} : memref<4x128x128xf32, #tpu.memory_space<vmem>>, vector<1x1x16xf32>,
      %parallel_loop3A_261 = arith.index_cast %parallel_loop3A_222 : i32 to index
      %parallel_loop3A_262 = arith.constant 16 : index
      %parallel_loop3A_263 = tpu.vector_load %arg7[%parallel_loop3A_261, %parallel_loop3A_262] {strides = array<i32>} : memref<128x128xf32, #tpu.memory_space<vmem>>, vector<1x16xf32>,
      %parallel_loop3A_264 = vector.shape_cast %parallel_loop3A_263 : vector<1x16xf32> to vector<16xf32>
      %parallel_loop3A_265 = arith.constant 2 : i32
      %parallel_loop3A_266 = arith.index_cast %parallel_loop3A_265 : i32 to index
      %parallel_loop3A_267 = arith.index_cast %parallel_loop3A_222 : i32 to index
      %parallel_loop3A_268 = arith.constant 16 : index
      %parallel_loop3A_269 = tpu.vector_load %arg8[%parallel_loop3A_266, %parallel_loop3A_267, %parallel_loop3A_268] {strides = array<i32>} : memref<4x128x128xf32, #tpu.memory_space<vmem>>, vector<1x1x16xf32>,
      %parallel_loop3A_270 = vector.shape_cast %parallel_loop3A_269 : vector<1x1x16xf32> to vector<16xf32>
      %parallel_loop3A_271 = arith.constant 11.3137083 : f32
      %parallel_loop3A_272 = vector.broadcast %parallel_loop3A_271 : f32 to vector<16xf32>
      %parallel_loop3A_273 = arith.mulf %parallel_loop3A_270, %parallel_loop3A_272 : vector<16xf32>
      %parallel_loop3A_274 = arith.addf %parallel_loop3A_273, %parallel_loop3A_264 : vector<16xf32>
      %parallel_loop3A_275 = arith.constant 2 : i32
      %parallel_loop3A_276 = arith.index_cast %parallel_loop3A_275 : i32 to index
      %parallel_loop3A_277 = arith.index_cast %parallel_loop3A_222 : i32 to index
      %parallel_loop3A_278 = arith.constant 16 : index
      %parallel_loop3A_279 = tpu.vector_load %arg8[%parallel_loop3A_276, %parallel_loop3A_277, %parallel_loop3A_278] {strides = array<i32>} : memref<4x128x128xf32, #tpu.memory_space<vmem>>, vector<1x1x16xf32>,
      %parallel_loop3A_280 = vector.shape_cast %parallel_loop3A_279 : vector<1x1x16xf32> to vector<16xf32>
      %parallel_loop3A_281 = vector.shape_cast %parallel_loop3A_274 : vector<16xf32> to vector<1x1x16xf32>
      tpu.vector_store %arg8[%parallel_loop3A_276, %parallel_loop3A_277, %parallel_loop3A_278], %parallel_loop3A_281 {strides = array<i32>} : memref<4x128x128xf32, #tpu.memory_space<vmem>>, vector<1x1x16xf32>,
      %parallel_loop3A_282 = arith.constant 3 : i32
      %parallel_loop3A_283 = arith.index_cast %parallel_loop3A_282 : i32 to index
      %parallel_loop3A_284 = arith.index_cast %parallel_loop3A_222 : i32 to index
      %parallel_loop3A_285 = arith.constant 16 : index
      %parallel_loop3A_286 = tpu.vector_load %arg8[%parallel_loop3A_283, %parallel_loop3A_284, %parallel_loop3A_285] {strides = array<i32>} : memref<4x128x128xf32, #tpu.memory_space<vmem>>, vector<1x1x16xf32>,
      %parallel_loop3A_287 = vector.shape_cast %parallel_loop3A_286 : vector<1x1x16xf32> to vector<16xf32>
      %parallel_loop3A_288 = arith.constant 11.3137083 : f32
      %parallel_loop3A_289 = vector.broadcast %parallel_loop3A_288 : f32 to vector<16xf32>
      %parallel_loop3A_290 = arith.mulf %parallel_loop3A_287, %parallel_loop3A_289 : vector<16xf32>
      %parallel_loop3A_291 = arith.addf %parallel_loop3A_290, %parallel_loop3A_264 : vector<16xf32>
      %parallel_loop3A_292 = arith.constant 3 : i32
      %parallel_loop3A_293 = arith.index_cast %parallel_loop3A_292 : i32 to index
      %parallel_loop3A_294 = arith.index_cast %parallel_loop3A_222 : i32 to index
      %parallel_loop3A_295 = arith.constant 16 : index
      %parallel_loop3A_296 = tpu.vector_load %arg8[%parallel_loop3A_293, %parallel_loop3A_294, %parallel_loop3A_295] {strides = array<i32>} : memref<4x128x128xf32, #tpu.memory_space<vmem>>, vector<1x1x16xf32>,
      %parallel_loop3A_297 = vector.shape_cast %parallel_loop3A_296 : vector<1x1x16xf32> to vector<16xf32>
      %parallel_loop3A_298 = vector.shape_cast %parallel_loop3A_291 : vector<16xf32> to vector<1x1x16xf32>
      tpu.vector_store %arg8[%parallel_loop3A_293, %parallel_loop3A_294, %parallel_loop3A_295], %parallel_loop3A_298 {strides = array<i32>} : memref<4x128x128xf32, #tpu.memory_space<vmem>>, vector<1x1x16xf32>,
      %parallel_loop3A_299 = arith.index_cast %parallel_loop3A_222 : i32 to index
      %parallel_loop3A_300 = arith.constant 32 : index
      %parallel_loop3A_301 = tpu.vector_load %arg7[%parallel_loop3A_299, %parallel_loop3A_300] {strides = array<i32>} : memref<128x128xf32, #tpu.memory_space<vmem>>, vector<1x16xf32>,
      %parallel_loop3A_302 = vector.shape_cast %parallel_loop3A_301 : vector<1x16xf32> to vector<16xf32>
      %parallel_loop3A_303 = arith.constant 2 : i32
      %parallel_loop3A_304 = arith.index_cast %parallel_loop3A_303 : i32 to index
      %parallel_loop3A_305 = arith.index_cast %parallel_loop3A_222 : i32 to index
      %parallel_loop3A_306 = arith.constant 32 : index
      %parallel_loop3A_307 = tpu.vector_load %arg8[%parallel_loop3A_304, %parallel_loop3A_305, %parallel_loop3A_306] {strides = array<i32>} : memref<4x128x128xf32, #tpu.memory_space<vmem>>, vector<1x1x16xf32>,
      %parallel_loop3A_308 = vector.shape_cast %parallel_loop3A_307 : vector<1x1x16xf32> to vector<16xf32>
      %parallel_loop3A_309 = arith.constant 11.3137083 : f32
      %parallel_loop3A_310 = vector.broadcast %parallel_loop3A_309 : f32 to vector<16xf32>
      %parallel_loop3A_311 = arith.mulf %parallel_loop3A_308, %parallel_loop3A_310 : vector<16xf32>
      %parallel_loop3A_312 = arith.addf %parallel_loop3A_311, %parallel_loop3A_302 : vector<16xf32>
      %parallel_loop3A_313 = arith.constant 2 : i32
      %parallel_loop3A_314 = arith.index_cast %parallel_loop3A_313 : i32 to index
      %parallel_loop3A_315 = arith.index_cast %parallel_loop3A_222 : i32 to index
      %parallel_loop3A_316 = arith.constant 32 : index
      %parallel_loop3A_317 = tpu.vector_load %arg8[%parallel_loop3A_314, %parallel_loop3A_315, %parallel_loop3A_316] {strides = array<i32>} : memref<4x128x128xf32, #tpu.memory_space<vmem>>, vector<1x1x16xf32>,
      %parallel_loop3A_318 = vector.shape_cast %parallel_loop3A_317 : vector<1x1x16xf32> to vector<16xf32>
      %parallel_loop3A_319 = vector.shape_cast %parallel_loop3A_312 : vector<16xf32> to vector<1x1x16xf32>
      tpu.vector_store %arg8[%parallel_loop3A_314, %parallel_loop3A_315, %parallel_loop3A_316], %parallel_loop3A_319 {strides = array<i32>} : memref<4x128x128xf32, #tpu.memory_space<vmem>>, vector<1x1x16xf32>,
      %parallel_loop3A_320 = arith.constant 3 : i32
      %parallel_loop3A_321 = arith.index_cast %parallel_loop3A_320 : i32 to index
      %parallel_loop3A_322 = arith.index_cast %parallel_loop3A_222 : i32 to index
      %parallel_loop3A_323 = arith.constant 32 : index
      %parallel_loop3A_324 = tpu.vector_load %arg8[%parallel_loop3A_321, %parallel_loop3A_322, %parallel_loop3A_323] {strides = array<i32>} : memref<4x128x128xf32, #tpu.memory_space<vmem>>, vector<1x1x16xf32>,
      %parallel_loop3A_325 = vector.shape_cast %parallel_loop3A_324 : vector<1x1x16xf32> to vector<16xf32>
      %parallel_loop3A_326 = arith.constant 11.3137083 : f32
      %parallel_loop3A_327 = vector.broadcast %parallel_loop3A_326 : f32 to vector<16xf32>
      %parallel_loop3A_328 = arith.mulf %parallel_loop3A_325, %parallel_loop3A_327 : vector<16xf32>
      %parallel_loop3A_329 = arith.addf %parallel_loop3A_328, %parallel_loop3A_302 : vector<16xf32>
      %parallel_loop3A_330 = arith.constant 3 : i32
      %parallel_loop3A_331 = arith.index_cast %parallel_loop3A_330 : i32 to index
      %parallel_loop3A_332 = arith.index_cast %parallel_loop3A_222 : i32 to index
      %parallel_loop3A_333 = arith.constant 32 : index
      %parallel_loop3A_334 = tpu.vector_load %arg8[%parallel_loop3A_331, %parallel_loop3A_332, %parallel_loop3A_333] {strides = array<i32>} : memref<4x128x128xf32, #tpu.memory_space<vmem>>, vector<1x1x16xf32>,
      %parallel_loop3A_335 = vector.shape_cast %parallel_loop3A_334 : vector<1x1x16xf32> to vector<16xf32>
      %parallel_loop3A_336 = vector.shape_cast %parallel_loop3A_329 : vector<16xf32> to vector<1x1x16xf32>
      tpu.vector_store %arg8[%parallel_loop3A_331, %parallel_loop3A_332, %parallel_loop3A_333], %parallel_loop3A_336 {strides = array<i32>} : memref<4x128x128xf32, #tpu.memory_space<vmem>>, vector<1x1x16xf32>,
      %parallel_loop3A_337 = arith.index_cast %parallel_loop3A_222 : i32 to index
      %parallel_loop3A_338 = arith.constant 48 : index
      %parallel_loop3A_339 = tpu.vector_load %arg7[%parallel_loop3A_337, %parallel_loop3A_338] {strides = array<i32>} : memref<128x128xf32, #tpu.memory_space<vmem>>, vector<1x16xf32>,
      %parallel_loop3A_340 = vector.shape_cast %parallel_loop3A_339 : vector<1x16xf32> to vector<16xf32>
      %parallel_loop3A_341 = arith.constant 2 : i32
      %parallel_loop3A_342 = arith.index_cast %parallel_loop3A_341 : i32 to index
      %parallel_loop3A_343 = arith.index_cast %parallel_loop3A_222 : i32 to index
      %parallel_loop3A_344 = arith.constant 48 : index
      %parallel_loop3A_345 = tpu.vector_load %arg8[%parallel_loop3A_342, %parallel_loop3A_343, %parallel_loop3A_344] {strides = array<i32>} : memref<4x128x128xf32, #tpu.memory_space<vmem>>, vector<1x1x16xf32>,
      %parallel_loop3A_346 = vector.shape_cast %parallel_loop3A_345 : vector<1x1x16xf32> to vector<16xf32>
      %parallel_loop3A_347 = arith.constant 11.3137083 : f32
      %parallel_loop3A_348 = vector.broadcast %parallel_loop3A_347 : f32 to vector<16xf32>
      %parallel_loop3A_349 = arith.mulf %parallel_loop3A_346, %parallel_loop3A_348 : vector<16xf32>
      %parallel_loop3A_350 = arith.addf %parallel_loop3A_349, %parallel_loop3A_340 : vector<16xf32>
      %parallel_loop3A_351 = arith.constant 2 : i32
      %parallel_loop3A_352 = arith.index_cast %parallel_loop3A_351 : i32 to index
      %parallel_loop3A_353 = arith.index_cast %parallel_loop3A_222 : i32 to index
      %parallel_loop3A_354 = arith.constant 48 : index
      %parallel_loop3A_355 = tpu.vector_load %arg8[%parallel_loop3A_352, %parallel_loop3A_353, %parallel_loop3A_354] {strides = array<i32>} : memref<4x128x128xf32, #tpu.memory_space<vmem>>, vector<1x1x16xf32>,
      %parallel_loop3A_356 = vector.shape_cast %parallel_loop3A_355 : vector<1x1x16xf32> to vector<16xf32>
      %parallel_loop3A_357 = vector.shape_cast %parallel_loop3A_350 : vector<16xf32> to vector<1x1x16xf32>
      tpu.vector_store %arg8[%parallel_loop3A_352, %parallel_loop3A_353, %parallel_loop3A_354], %parallel_loop3A_357 {strides = array<i32>} : memref<4x128x128xf32, #tpu.memory_space<vmem>>, vector<1x1x16xf32>,
      %parallel_loop3A_358 = arith.constant 3 : i32
      %parallel_loop3A_359 = arith.index_cast %parallel_loop3A_358 : i32 to index
      %parallel_loop3A_360 = arith.index_cast %parallel_loop3A_222 : i32 to index
      %parallel_loop3A_361 = arith.constant 48 : index
      %parallel_loop3A_362 = tpu.vector_load %arg8[%parallel_loop3A_359, %parallel_loop3A_360, %parallel_loop3A_361] {strides = array<i32>} : memref<4x128x128xf32, #tpu.memory_space<vmem>>, vector<1x1x16xf32>,
      %parallel_loop3A_363 = vector.shape_cast %parallel_loop3A_362 : vector<1x1x16xf32> to vector<16xf32>
      %parallel_loop3A_364 = arith.constant 11.3137083 : f32
      %parallel_loop3A_365 = vector.broadcast %parallel_loop3A_364 : f32 to vector<16xf32>
      %parallel_loop3A_366 = arith.mulf %parallel_loop3A_363, %parallel_loop3A_365 : vector<16xf32>
      %parallel_loop3A_367 = arith.addf %parallel_loop3A_366, %parallel_loop3A_340 : vector<16xf32>
      %parallel_loop3A_368 = arith.constant 3 : i32
      %parallel_loop3A_369 = arith.index_cast %parallel_loop3A_368 : i32 to index
      %parallel_loop3A_370 = arith.index_cast %parallel_loop3A_222 : i32 to index
      %parallel_loop3A_371 = arith.constant 48 : index
      %parallel_loop3A_372 = tpu.vector_load %arg8[%parallel_loop3A_369, %parallel_loop3A_370, %parallel_loop3A_371] {strides = array<i32>} : memref<4x128x128xf32, #tpu.memory_space<vmem>>, vector<1x1x16xf32>,
      %parallel_loop3A_373 = vector.shape_cast %parallel_loop3A_372 : vector<1x1x16xf32> to vector<16xf32>
      %parallel_loop3A_374 = vector.shape_cast %parallel_loop3A_367 : vector<16xf32> to vector<1x1x16xf32>
      tpu.vector_store %arg8[%parallel_loop3A_369, %parallel_loop3A_370, %parallel_loop3A_371], %parallel_loop3A_374 {strides = array<i32>} : memref<4x128x128xf32, #tpu.memory_space<vmem>>, vector<1x1x16xf32>,
      %parallel_loop3A_375 = arith.index_cast %parallel_loop3A_222 : i32 to index
      %parallel_loop3A_376 = arith.constant 64 : index
      %parallel_loop3A_377 = tpu.vector_load %arg7[%parallel_loop3A_375, %parallel_loop3A_376] {strides = array<i32>} : memref<128x128xf32, #tpu.memory_space<vmem>>, vector<1x16xf32>,
      %parallel_loop3A_378 = vector.shape_cast %parallel_loop3A_377 : vector<1x16xf32> to vector<16xf32>
      %parallel_loop3A_379 = arith.constant 2 : i32
      %parallel_loop3A_380 = arith.index_cast %parallel_loop3A_379 : i32 to index
      %parallel_loop3A_381 = arith.index_cast %parallel_loop3A_222 : i32 to index
      %parallel_loop3A_382 = arith.constant 64 : index
      %parallel_loop3A_383 = tpu.vector_load %arg8[%parallel_loop3A_380, %parallel_loop3A_381, %parallel_loop3A_382] {strides = array<i32>} : memref<4x128x128xf32, #tpu.memory_space<vmem>>, vector<1x1x16xf32>,
      %parallel_loop3A_384 = vector.shape_cast %parallel_loop3A_383 : vector<1x1x16xf32> to vector<16xf32>
      %parallel_loop3A_385 = arith.constant 11.3137083 : f32
      %parallel_loop3A_386 = vector.broadcast %parallel_loop3A_385 : f32 to vector<16xf32>
      %parallel_loop3A_387 = arith.mulf %parallel_loop3A_384, %parallel_loop3A_386 : vector<16xf32>
      %parallel_loop3A_388 = arith.addf %parallel_loop3A_387, %parallel_loop3A_378 : vector<16xf32>
      %parallel_loop3A_389 = arith.constant 2 : i32
      %parallel_loop3A_390 = arith.index_cast %parallel_loop3A_389 : i32 to index
      %parallel_loop3A_391 = arith.index_cast %parallel_loop3A_222 : i32 to index
      %parallel_loop3A_392 = arith.constant 64 : index
      %parallel_loop3A_393 = tpu.vector_load %arg8[%parallel_loop3A_390, %parallel_loop3A_391, %parallel_loop3A_392] {strides = array<i32>} : memref<4x128x128xf32, #tpu.memory_space<vmem>>, vector<1x1x16xf32>,
      %parallel_loop3A_394 = vector.shape_cast %parallel_loop3A_393 : vector<1x1x16xf32> to vector<16xf32>
      %parallel_loop3A_395 = vector.shape_cast %parallel_loop3A_388 : vector<16xf32> to vector<1x1x16xf32>
      tpu.vector_store %arg8[%parallel_loop3A_390, %parallel_loop3A_391, %parallel_loop3A_392], %parallel_loop3A_395 {strides = array<i32>} : memref<4x128x128xf32, #tpu.memory_space<vmem>>, vector<1x1x16xf32>,
      %parallel_loop3A_396 = arith.constant 3 : i32
      %parallel_loop3A_397 = arith.index_cast %parallel_loop3A_396 : i32 to index
      %parallel_loop3A_398 = arith.index_cast %parallel_loop3A_222 : i32 to index
      %parallel_loop3A_399 = arith.constant 64 : index
      %parallel_loop3A_400 = tpu.vector_load %arg8[%parallel_loop3A_397, %parallel_loop3A_398, %parallel_loop3A_399] {strides = array<i32>} : memref<4x128x128xf32, #tpu.memory_space<vmem>>, vector<1x1x16xf32>,
      %parallel_loop3A_401 = vector.shape_cast %parallel_loop3A_400 : vector<1x1x16xf32> to vector<16xf32>
      %parallel_loop3A_402 = arith.constant 11.3137083 : f32
      %parallel_loop3A_403 = vector.broadcast %parallel_loop3A_402 : f32 to vector<16xf32>
      %parallel_loop3A_404 = arith.mulf %parallel_loop3A_401, %parallel_loop3A_403 : vector<16xf32>
      %parallel_loop3A_405 = arith.addf %parallel_loop3A_404, %parallel_loop3A_378 : vector<16xf32>
      %parallel_loop3A_406 = arith.constant 3 : i32
      %parallel_loop3A_407 = arith.index_cast %parallel_loop3A_406 : i32 to index
      %parallel_loop3A_408 = arith.index_cast %parallel_loop3A_222 : i32 to index
      %parallel_loop3A_409 = arith.constant 64 : index
      %parallel_loop3A_410 = tpu.vector_load %arg8[%parallel_loop3A_407, %parallel_loop3A_408, %parallel_loop3A_409] {strides = array<i32>} : memref<4x128x128xf32, #tpu.memory_space<vmem>>, vector<1x1x16xf32>,
      %parallel_loop3A_411 = vector.shape_cast %parallel_loop3A_410 : vector<1x1x16xf32> to vector<16xf32>
      %parallel_loop3A_412 = vector.shape_cast %parallel_loop3A_405 : vector<16xf32> to vector<1x1x16xf32>
      tpu.vector_store %arg8[%parallel_loop3A_407, %parallel_loop3A_408, %parallel_loop3A_409], %parallel_loop3A_412 {strides = array<i32>} : memref<4x128x128xf32, #tpu.memory_space<vmem>>, vector<1x1x16xf32>,
      %parallel_loop3A_413 = arith.index_cast %parallel_loop3A_222 : i32 to index
      %parallel_loop3A_414 = arith.constant 80 : index
      %parallel_loop3A_415 = tpu.vector_load %arg7[%parallel_loop3A_413, %parallel_loop3A_414] {strides = array<i32>} : memref<128x128xf32, #tpu.memory_space<vmem>>, vector<1x16xf32>,
      %parallel_loop3A_416 = vector.shape_cast %parallel_loop3A_415 : vector<1x16xf32> to vector<16xf32>
      %parallel_loop3A_417 = arith.constant 2 : i32
      %parallel_loop3A_418 = arith.index_cast %parallel_loop3A_417 : i32 to index
      %parallel_loop3A_419 = arith.index_cast %parallel_loop3A_222 : i32 to index
      %parallel_loop3A_420 = arith.constant 80 : index
      %parallel_loop3A_421 = tpu.vector_load %arg8[%parallel_loop3A_418, %parallel_loop3A_419, %parallel_loop3A_420] {strides = array<i32>} : memref<4x128x128xf32, #tpu.memory_space<vmem>>, vector<1x1x16xf32>,
      %parallel_loop3A_422 = vector.shape_cast %parallel_loop3A_421 : vector<1x1x16xf32> to vector<16xf32>
      %parallel_loop3A_423 = arith.constant 11.3137083 : f32
      %parallel_loop3A_424 = vector.broadcast %parallel_loop3A_423 : f32 to vector<16xf32>
      %parallel_loop3A_425 = arith.mulf %parallel_loop3A_422, %parallel_loop3A_424 : vector<16xf32>
      %parallel_loop3A_426 = arith.addf %parallel_loop3A_425, %parallel_loop3A_416 : vector<16xf32>
      %parallel_loop3A_427 = arith.constant 2 : i32
      %parallel_loop3A_428 = arith.index_cast %parallel_loop3A_427 : i32 to index
      %parallel_loop3A_429 = arith.index_cast %parallel_loop3A_222 : i32 to index
      %parallel_loop3A_430 = arith.constant 80 : index
      %parallel_loop3A_431 = tpu.vector_load %arg8[%parallel_loop3A_428, %parallel_loop3A_429, %parallel_loop3A_430] {strides = array<i32>} : memref<4x128x128xf32, #tpu.memory_space<vmem>>, vector<1x1x16xf32>,
      %parallel_loop3A_432 = vector.shape_cast %parallel_loop3A_431 : vector<1x1x16xf32> to vector<16xf32>
      %parallel_loop3A_433 = vector.shape_cast %parallel_loop3A_426 : vector<16xf32> to vector<1x1x16xf32>
      tpu.vector_store %arg8[%parallel_loop3A_428, %parallel_loop3A_429, %parallel_loop3A_430], %parallel_loop3A_433 {strides = array<i32>} : memref<4x128x128xf32, #tpu.memory_space<vmem>>, vector<1x1x16xf32>,
      %parallel_loop3A_434 = arith.constant 3 : i32
      %parallel_loop3A_435 = arith.index_cast %parallel_loop3A_434 : i32 to index
      %parallel_loop3A_436 = arith.index_cast %parallel_loop3A_222 : i32 to index
      %parallel_loop3A_437 = arith.constant 80 : index
      %parallel_loop3A_438 = tpu.vector_load %arg8[%parallel_loop3A_435, %parallel_loop3A_436, %parallel_loop3A_437] {strides = array<i32>} : memref<4x128x128xf32, #tpu.memory_space<vmem>>, vector<1x1x16xf32>,
      %parallel_loop3A_439 = vector.shape_cast %parallel_loop3A_438 : vector<1x1x16xf32> to vector<16xf32>
      %parallel_loop3A_440 = arith.constant 11.3137083 : f32
      %parallel_loop3A_441 = vector.broadcast %parallel_loop3A_440 : f32 to vector<16xf32>
      %parallel_loop3A_442 = arith.mulf %parallel_loop3A_439, %parallel_loop3A_441 : vector<16xf32>
      %parallel_loop3A_443 = arith.addf %parallel_loop3A_442, %parallel_loop3A_416 : vector<16xf32>
      %parallel_loop3A_444 = arith.constant 3 : i32
      %parallel_loop3A_445 = arith.index_cast %parallel_loop3A_444 : i32 to index
      %parallel_loop3A_446 = arith.index_cast %parallel_loop3A_222 : i32 to index
      %parallel_loop3A_447 = arith.constant 80 : index
      %parallel_loop3A_448 = tpu.vector_load %arg8[%parallel_loop3A_445, %parallel_loop3A_446, %parallel_loop3A_447] {strides = array<i32>} : memref<4x128x128xf32, #tpu.memory_space<vmem>>, vector<1x1x16xf32>,
      %parallel_loop3A_449 = vector.shape_cast %parallel_loop3A_448 : vector<1x1x16xf32> to vector<16xf32>
      %parallel_loop3A_450 = vector.shape_cast %parallel_loop3A_443 : vector<16xf32> to vector<1x1x16xf32>
      tpu.vector_store %arg8[%parallel_loop3A_445, %parallel_loop3A_446, %parallel_loop3A_447], %parallel_loop3A_450 {strides = array<i32>} : memref<4x128x128xf32, #tpu.memory_space<vmem>>, vector<1x1x16xf32>,
      %parallel_loop3A_451 = arith.index_cast %parallel_loop3A_222 : i32 to index
      %parallel_loop3A_452 = arith.constant 96 : index
      %parallel_loop3A_453 = tpu.vector_load %arg7[%parallel_loop3A_451, %parallel_loop3A_452] {strides = array<i32>} : memref<128x128xf32, #tpu.memory_space<vmem>>, vector<1x16xf32>,
      %parallel_loop3A_454 = vector.shape_cast %parallel_loop3A_453 : vector<1x16xf32> to vector<16xf32>
      %parallel_loop3A_455 = arith.constant 2 : i32
      %parallel_loop3A_456 = arith.index_cast %parallel_loop3A_455 : i32 to index
      %parallel_loop3A_457 = arith.index_cast %parallel_loop3A_222 : i32 to index
      %parallel_loop3A_458 = arith.constant 96 : index
      %parallel_loop3A_459 = tpu.vector_load %arg8[%parallel_loop3A_456, %parallel_loop3A_457, %parallel_loop3A_458] {strides = array<i32>} : memref<4x128x128xf32, #tpu.memory_space<vmem>>, vector<1x1x16xf32>,
      %parallel_loop3A_460 = vector.shape_cast %parallel_loop3A_459 : vector<1x1x16xf32> to vector<16xf32>
      %parallel_loop3A_461 = arith.constant 11.3137083 : f32
      %parallel_loop3A_462 = vector.broadcast %parallel_loop3A_461 : f32 to vector<16xf32>
      %parallel_loop3A_463 = arith.mulf %parallel_loop3A_460, %parallel_loop3A_462 : vector<16xf32>
      %parallel_loop3A_464 = arith.addf %parallel_loop3A_463, %parallel_loop3A_454 : vector<16xf32>
      %parallel_loop3A_465 = arith.constant 2 : i32
      %parallel_loop3A_466 = arith.index_cast %parallel_loop3A_465 : i32 to index
      %parallel_loop3A_467 = arith.index_cast %parallel_loop3A_222 : i32 to index
      %parallel_loop3A_468 = arith.constant 96 : index
      %parallel_loop3A_469 = tpu.vector_load %arg8[%parallel_loop3A_466, %parallel_loop3A_467, %parallel_loop3A_468] {strides = array<i32>} : memref<4x128x128xf32, #tpu.memory_space<vmem>>, vector<1x1x16xf32>,
      %parallel_loop3A_470 = vector.shape_cast %parallel_loop3A_469 : vector<1x1x16xf32> to vector<16xf32>
      %parallel_loop3A_471 = vector.shape_cast %parallel_loop3A_464 : vector<16xf32> to vector<1x1x16xf32>
      tpu.vector_store %arg8[%parallel_loop3A_466, %parallel_loop3A_467, %parallel_loop3A_468], %parallel_loop3A_471 {strides = array<i32>} : memref<4x128x128xf32, #tpu.memory_space<vmem>>, vector<1x1x16xf32>,
      %parallel_loop3A_472 = arith.constant 3 : i32
      %parallel_loop3A_473 = arith.index_cast %parallel_loop3A_472 : i32 to index
      %parallel_loop3A_474 = arith.index_cast %parallel_loop3A_222 : i32 to index
      %parallel_loop3A_475 = arith.constant 96 : index
      %parallel_loop3A_476 = tpu.vector_load %arg8[%parallel_loop3A_473, %parallel_loop3A_474, %parallel_loop3A_475] {strides = array<i32>} : memref<4x128x128xf32, #tpu.memory_space<vmem>>, vector<1x1x16xf32>,
      %parallel_loop3A_477 = vector.shape_cast %parallel_loop3A_476 : vector<1x1x16xf32> to vector<16xf32>
      %parallel_loop3A_478 = arith.constant 11.3137083 : f32
      %parallel_loop3A_479 = vector.broadcast %parallel_loop3A_478 : f32 to vector<16xf32>
      %parallel_loop3A_480 = arith.mulf %parallel_loop3A_477, %parallel_loop3A_479 : vector<16xf32>
      %parallel_loop3A_481 = arith.addf %parallel_loop3A_480, %parallel_loop3A_454 : vector<16xf32>
      %parallel_loop3A_482 = arith.constant 3 : i32
      %parallel_loop3A_483 = arith.index_cast %parallel_loop3A_482 : i32 to index
      %parallel_loop3A_484 = arith.index_cast %parallel_loop3A_222 : i32 to index
      %parallel_loop3A_485 = arith.constant 96 : index
      %parallel_loop3A_486 = tpu.vector_load %arg8[%parallel_loop3A_483, %parallel_loop3A_484, %parallel_loop3A_485] {strides = array<i32>} : memref<4x128x128xf32, #tpu.memory_space<vmem>>, vector<1x1x16xf32>,
      %parallel_loop3A_487 = vector.shape_cast %parallel_loop3A_486 : vector<1x1x16xf32> to vector<16xf32>
      %parallel_loop3A_488 = vector.shape_cast %parallel_loop3A_481 : vector<16xf32> to vector<1x1x16xf32>
      tpu.vector_store %arg8[%parallel_loop3A_483, %parallel_loop3A_484, %parallel_loop3A_485], %parallel_loop3A_488 {strides = array<i32>} : memref<4x128x128xf32, #tpu.memory_space<vmem>>, vector<1x1x16xf32>,
      %parallel_loop3A_489 = arith.index_cast %parallel_loop3A_222 : i32 to index
      %parallel_loop3A_490 = arith.constant 112 : index
      %parallel_loop3A_491 = tpu.vector_load %arg7[%parallel_loop3A_489, %parallel_loop3A_490] {strides = array<i32>} : memref<128x128xf32, #tpu.memory_space<vmem>>, vector<1x16xf32>,
      %parallel_loop3A_492 = vector.shape_cast %parallel_loop3A_491 : vector<1x16xf32> to vector<16xf32>
      %parallel_loop3A_493 = arith.constant 2 : i32
      %parallel_loop3A_494 = arith.index_cast %parallel_loop3A_493 : i32 to index
      %parallel_loop3A_495 = arith.index_cast %parallel_loop3A_222 : i32 to index
      %parallel_loop3A_496 = arith.constant 112 : index
      %parallel_loop3A_497 = tpu.vector_load %arg8[%parallel_loop3A_494, %parallel_loop3A_495, %parallel_loop3A_496] {strides = array<i32>} : memref<4x128x128xf32, #tpu.memory_space<vmem>>, vector<1x1x16xf32>,
      %parallel_loop3A_498 = vector.shape_cast %parallel_loop3A_497 : vector<1x1x16xf32> to vector<16xf32>
      %parallel_loop3A_499 = arith.constant 11.3137083 : f32
      %parallel_loop3A_500 = vector.broadcast %parallel_loop3A_499 : f32 to vector<16xf32>
      %parallel_loop3A_501 = arith.mulf %parallel_loop3A_498, %parallel_loop3A_500 : vector<16xf32>
      %parallel_loop3A_502 = arith.addf %parallel_loop3A_501, %parallel_loop3A_492 : vector<16xf32>
      %parallel_loop3A_503 = arith.constant 2 : i32
      %parallel_loop3A_504 = arith.index_cast %parallel_loop3A_503 : i32 to index
      %parallel_loop3A_505 = arith.index_cast %parallel_loop3A_222 : i32 to index
      %parallel_loop3A_506 = arith.constant 112 : index
      %parallel_loop3A_507 = tpu.vector_load %arg8[%parallel_loop3A_504, %parallel_loop3A_505, %parallel_loop3A_506] {strides = array<i32>} : memref<4x128x128xf32, #tpu.memory_space<vmem>>, vector<1x1x16xf32>,
      %parallel_loop3A_508 = vector.shape_cast %parallel_loop3A_507 : vector<1x1x16xf32> to vector<16xf32>
      %parallel_loop3A_509 = vector.shape_cast %parallel_loop3A_502 : vector<16xf32> to vector<1x1x16xf32>
      tpu.vector_store %arg8[%parallel_loop3A_504, %parallel_loop3A_505, %parallel_loop3A_506], %parallel_loop3A_509 {strides = array<i32>} : memref<4x128x128xf32, #tpu.memory_space<vmem>>, vector<1x1x16xf32>,
      %parallel_loop3A_510 = arith.constant 3 : i32
      %parallel_loop3A_511 = arith.index_cast %parallel_loop3A_510 : i32 to index
      %parallel_loop3A_512 = arith.index_cast %parallel_loop3A_222 : i32 to index
      %parallel_loop3A_513 = arith.constant 112 : index
      %parallel_loop3A_514 = tpu.vector_load %arg8[%parallel_loop3A_511, %parallel_loop3A_512, %parallel_loop3A_513] {strides = array<i32>} : memref<4x128x128xf32, #tpu.memory_space<vmem>>, vector<1x1x16xf32>,
      %parallel_loop3A_515 = vector.shape_cast %parallel_loop3A_514 : vector<1x1x16xf32> to vector<16xf32>
      %parallel_loop3A_516 = arith.constant 11.3137083 : f32
      %parallel_loop3A_517 = vector.broadcast %parallel_loop3A_516 : f32 to vector<16xf32>
      %parallel_loop3A_518 = arith.mulf %parallel_loop3A_515, %parallel_loop3A_517 : vector<16xf32>
      %parallel_loop3A_519 = arith.addf %parallel_loop3A_518, %parallel_loop3A_492 : vector<16xf32>
      %parallel_loop3A_520 = arith.constant 3 : i32
      %parallel_loop3A_521 = arith.index_cast %parallel_loop3A_520 : i32 to index
      %parallel_loop3A_522 = arith.index_cast %parallel_loop3A_222 : i32 to index
      %parallel_loop3A_523 = arith.constant 112 : index
      %parallel_loop3A_524 = tpu.vector_load %arg8[%parallel_loop3A_521, %parallel_loop3A_522, %parallel_loop3A_523] {strides = array<i32>} : memref<4x128x128xf32, #tpu.memory_space<vmem>>, vector<1x1x16xf32>,
      %parallel_loop3A_525 = vector.shape_cast %parallel_loop3A_524 : vector<1x1x16xf32> to vector<16xf32>
      %parallel_loop3A_526 = vector.shape_cast %parallel_loop3A_519 : vector<16xf32> to vector<1x1x16xf32>
      tpu.vector_store %arg8[%parallel_loop3A_521, %parallel_loop3A_522, %parallel_loop3A_523], %parallel_loop3A_526 {strides = array<i32>} : memref<4x128x128xf32, #tpu.memory_space<vmem>>, vector<1x1x16xf32>,
    } {sc.loop_unroll_factor = 8 : i64, sc.parallel_access}
    %add3A_140 = arith.constant 8192 : i32
    %add3A_141 = arith.addi %add3A_140, %mul3A_2 : i32
    %dma_start3A_142 = arith.constant 2 : i32
    %dma_start3A_143 = arith.constant 0 : i32
    %dma_start3A_144 = arith.constant 0 : i32
    %dma_start3A_145 = tpu.memref_slice %arg8[%dma_start3A_142, %dma_start3A_143, %dma_start3A_144] : memref<4x128x128xf32, #tpu.memory_space<vmem>> -> memref<1x128x128xf32, #tpu.memory_space<vmem>>
    %dma_start3A_146 = tpu.memref_squeeze %dma_start3A_145 : memref<1x128x128xf32, #tpu.memory_space<vmem>> -> memref<128x128xf32, #tpu.memory_space<vmem>>
    %dma_start3A_147 = arith.constant 0 : i32
    %dma_start3A_148 = tpu.memref_slice %arg5[%add3A_141, %dma_start3A_147] : memref<16384x128xf32, #tpu.memory_space<hbm>> -> memref<128x128xf32, #tpu.memory_space<hbm>>
    %dma_start3A_149 = arith.constant 0 : i32
    %dma_start3A_150 = tpu.memref_slice %arg5[%add3A_141, %dma_start3A_149] : memref<16384x128xf32, #tpu.memory_space<hbm>> -> memref<128x128xf32, #tpu.memory_space<hbm>>
    %dma_start3A_151 = arith.constant 0 : i32
    %dma_start3A_152 = arith.constant 0 : i32
    %dma_start3A_153 = tpu.memref_slice %arg8[%dma_start3A_142, %dma_start3A_151, %dma_start3A_152] : memref<4x128x128xf32, #tpu.memory_space<vmem>> -> memref<1x128x128xf32, #tpu.memory_space<vmem>>
    %dma_start3A_154 = tpu.memref_squeeze %dma_start3A_153 : memref<1x128x128xf32, #tpu.memory_space<vmem>> -> memref<128x128xf32, #tpu.memory_space<vmem>>
    tpu.enqueue_dma source(%dma_start3A_154 : memref<128x128xf32, #tpu.memory_space<vmem>>) target(%dma_start3A_150 : memref<128x128xf32, #tpu.memory_space<hbm>>) target_semaphore(%arg16 : memref<!tpu.dma_semaphore, #tpu.memory_space<semaphore_mem>>)
    %add3A_155 = arith.constant 12288 : i32
    %add3A_156 = arith.addi %add3A_155, %mul3A_2 : i32
    %dma_start3A_157 = arith.constant 3 : i32
    %dma_start3A_158 = arith.constant 0 : i32
    %dma_start3A_159 = arith.constant 0 : i32
    %dma_start3A_160 = tpu.memref_slice %arg8[%dma_start3A_157, %dma_start3A_158, %dma_start3A_159] : memref<4x128x128xf32, #tpu.memory_space<vmem>> -> memref<1x128x128xf32, #tpu.memory_space<vmem>>
    %dma_start3A_161 = tpu.memref_squeeze %dma_start3A_160 : memref<1x128x128xf32, #tpu.memory_space<vmem>> -> memref<128x128xf32, #tpu.memory_space<vmem>>
    %dma_start3A_162 = arith.constant 0 : i32
    %dma_start3A_163 = tpu.memref_slice %arg5[%add3A_156, %dma_start3A_162] : memref<16384x128xf32, #tpu.memory_space<hbm>> -> memref<128x128xf32, #tpu.memory_space<hbm>>
    %dma_start3A_164 = arith.constant 0 : i32
    %dma_start3A_165 = tpu.memref_slice %arg5[%add3A_156, %dma_start3A_164] : memref<16384x128xf32, #tpu.memory_space<hbm>> -> memref<128x128xf32, #tpu.memory_space<hbm>>
    %dma_start3A_166 = arith.constant 0 : i32
    %dma_start3A_167 = arith.constant 0 : i32
    %dma_start3A_168 = tpu.memref_slice %arg8[%dma_start3A_157, %dma_start3A_166, %dma_start3A_167] : memref<4x128x128xf32, #tpu.memory_space<vmem>> -> memref<1x128x128xf32, #tpu.memory_space<vmem>>
    %dma_start3A_169 = tpu.memref_squeeze %dma_start3A_168 : memref<1x128x128xf32, #tpu.memory_space<vmem>> -> memref<128x128xf32, #tpu.memory_space<vmem>>
    tpu.enqueue_dma source(%dma_start3A_169 : memref<128x128xf32, #tpu.memory_space<vmem>>) target(%dma_start3A_165 : memref<128x128xf32, #tpu.memory_space<hbm>>) target_semaphore(%arg17 : memref<!tpu.dma_semaphore, #tpu.memory_space<semaphore_mem>>)
    %dma_wait3A_170 = arith.constant 0 : i32
    %dma_wait3A_171 = arith.constant 0 : i32
    %dma_wait3A_172 = arith.constant 0 : i32
    %dma_wait3A_173 = tpu.memref_slice %arg8[%dma_wait3A_170, %dma_wait3A_171, %dma_wait3A_172] : memref<4x128x128xf32, #tpu.memory_space<vmem>> -> memref<1x128x128xf32, #tpu.memory_space<vmem>>
    %dma_wait3A_174 = tpu.memref_squeeze %dma_wait3A_173 : memref<1x128x128xf32, #tpu.memory_space<vmem>> -> memref<128x128xf32, #tpu.memory_space<vmem>>
    %dma_wait3A_175 = arith.constant 0 : i32
    %dma_wait3A_176 = tpu.memref_slice %arg5[%add3A_84, %dma_wait3A_175] : memref<16384x128xf32, #tpu.memory_space<hbm>> -> memref<128x128xf32, #tpu.memory_space<hbm>>
    %dma_wait3A_177 = arith.constant 0 : i32
    %dma_wait3A_178 = tpu.memref_slice %arg5[%add3A_84, %dma_wait3A_177] : memref<16384x128xf32, #tpu.memory_space<hbm>> -> memref<128x128xf32, #tpu.memory_space<hbm>>
    %dma_wait3A_179 = arith.constant 0 : i32
    %dma_wait3A_180 = arith.constant 0 : i32
    %dma_wait3A_181 = tpu.memref_slice %arg8[%dma_wait3A_170, %dma_wait3A_179, %dma_wait3A_180] : memref<4x128x128xf32, #tpu.memory_space<vmem>> -> memref<1x128x128xf32, #tpu.memory_space<vmem>>
    %dma_wait3A_182 = tpu.memref_squeeze %dma_wait3A_181 : memref<1x128x128xf32, #tpu.memory_space<vmem>> -> memref<128x128xf32, #tpu.memory_space<vmem>>
    tpu.wait_dma2 semaphore(%arg14 : memref<!tpu.dma_semaphore, #tpu.memory_space<semaphore_mem>>) src(%dma_wait3A_182 : memref<128x128xf32, #tpu.memory_space<vmem>>) dst(%dma_wait3A_178 : memref<128x128xf32, #tpu.memory_space<hbm>>)
    %dma_wait3A_183 = arith.constant 1 : i32
    %dma_wait3A_184 = arith.constant 0 : i32
    %dma_wait3A_185 = arith.constant 0 : i32
    %dma_wait3A_186 = tpu.memref_slice %arg8[%dma_wait3A_183, %dma_wait3A_184, %dma_wait3A_185] : memref<4x128x128xf32, #tpu.memory_space<vmem>> -> memref<1x128x128xf32, #tpu.memory_space<vmem>>
    %dma_wait3A_187 = tpu.memref_squeeze %dma_wait3A_186 : memref<1x128x128xf32, #tpu.memory_space<vmem>> -> memref<128x128xf32, #tpu.memory_space<vmem>>
    %dma_wait3A_188 = arith.constant 0 : i32
    %dma_wait3A_189 = tpu.memref_slice %arg5[%add3A_99, %dma_wait3A_188] : memref<16384x128xf32, #tpu.memory_space<hbm>> -> memref<128x128xf32, #tpu.memory_space<hbm>>
    %dma_wait3A_190 = arith.constant 0 : i32
    %dma_wait3A_191 = tpu.memref_slice %arg5[%add3A_99, %dma_wait3A_190] : memref<16384x128xf32, #tpu.memory_space<hbm>> -> memref<128x128xf32, #tpu.memory_space<hbm>>
    %dma_wait3A_192 = arith.constant 0 : i32
    %dma_wait3A_193 = arith.constant 0 : i32
    %dma_wait3A_194 = tpu.memref_slice %arg8[%dma_wait3A_183, %dma_wait3A_192, %dma_wait3A_193] : memref<4x128x128xf32, #tpu.memory_space<vmem>> -> memref<1x128x128xf32, #tpu.memory_space<vmem>>
    %dma_wait3A_195 = tpu.memref_squeeze %dma_wait3A_194 : memref<1x128x128xf32, #tpu.memory_space<vmem>> -> memref<128x128xf32, #tpu.memory_space<vmem>>
    tpu.wait_dma2 semaphore(%arg15 : memref<!tpu.dma_semaphore, #tpu.memory_space<semaphore_mem>>) src(%dma_wait3A_195 : memref<128x128xf32, #tpu.memory_space<vmem>>) dst(%dma_wait3A_191 : memref<128x128xf32, #tpu.memory_space<hbm>>)
    %dma_wait3A_196 = arith.constant 2 : i32
    %dma_wait3A_197 = arith.constant 0 : i32
    %dma_wait3A_198 = arith.constant 0 : i32
    %dma_wait3A_199 = tpu.memref_slice %arg8[%dma_wait3A_196, %dma_wait3A_197, %dma_wait3A_198] : memref<4x128x128xf32, #tpu.memory_space<vmem>> -> memref<1x128x128xf32, #tpu.memory_space<vmem>>
    %dma_wait3A_200 = tpu.memref_squeeze %dma_wait3A_199 : memref<1x128x128xf32, #tpu.memory_space<vmem>> -> memref<128x128xf32, #tpu.memory_space<vmem>>
    %dma_wait3A_201 = arith.constant 0 : i32
    %dma_wait3A_202 = tpu.memref_slice %arg5[%add3A_141, %dma_wait3A_201] : memref<16384x128xf32, #tpu.memory_space<hbm>> -> memref<128x128xf32, #tpu.memory_space<hbm>>
    %dma_wait3A_203 = arith.constant 0 : i32
    %dma_wait3A_204 = tpu.memref_slice %arg5[%add3A_141, %dma_wait3A_203] : memref<16384x128xf32, #tpu.memory_space<hbm>> -> memref<128x128xf32, #tpu.memory_space<hbm>>
    %dma_wait3A_205 = arith.constant 0 : i32
    %dma_wait3A_206 = arith.constant 0 : i32
    %dma_wait3A_207 = tpu.memref_slice %arg8[%dma_wait3A_196, %dma_wait3A_205, %dma_wait3A_206] : memref<4x128x128xf32, #tpu.memory_space<vmem>> -> memref<1x128x128xf32, #tpu.memory_space<vmem>>
    %dma_wait3A_208 = tpu.memref_squeeze %dma_wait3A_207 : memref<1x128x128xf32, #tpu.memory_space<vmem>> -> memref<128x128xf32, #tpu.memory_space<vmem>>
    tpu.wait_dma2 semaphore(%arg16 : memref<!tpu.dma_semaphore, #tpu.memory_space<semaphore_mem>>) src(%dma_wait3A_208 : memref<128x128xf32, #tpu.memory_space<vmem>>) dst(%dma_wait3A_204 : memref<128x128xf32, #tpu.memory_space<hbm>>)
    %dma_wait3A_209 = arith.constant 3 : i32
    %dma_wait3A_210 = arith.constant 0 : i32
    %dma_wait3A_211 = arith.constant 0 : i32
    %dma_wait3A_212 = tpu.memref_slice %arg8[%dma_wait3A_209, %dma_wait3A_210, %dma_wait3A_211] : memref<4x128x128xf32, #tpu.memory_space<vmem>> -> memref<1x128x128xf32, #tpu.memory_space<vmem>>
    %dma_wait3A_213 = tpu.memref_squeeze %dma_wait3A_212 : memref<1x128x128xf32, #tpu.memory_space<vmem>> -> memref<128x128xf32, #tpu.memory_space<vmem>>
    %dma_wait3A_214 = arith.constant 0 : i32
    %dma_wait3A_215 = tpu.memref_slice %arg5[%add3A_156, %dma_wait3A_214] : memref<16384x128xf32, #tpu.memory_space<hbm>> -> memref<128x128xf32, #tpu.memory_space<hbm>>
    %dma_wait3A_216 = arith.constant 0 : i32
    %dma_wait3A_217 = tpu.memref_slice %arg5[%add3A_156, %dma_wait3A_216] : memref<16384x128xf32, #tpu.memory_space<hbm>> -> memref<128x128xf32, #tpu.memory_space<hbm>>
    %dma_wait3A_218 = arith.constant 0 : i32
    %dma_wait3A_219 = arith.constant 0 : i32
    %dma_wait3A_220 = tpu.memref_slice %arg8[%dma_wait3A_209, %dma_wait3A_218, %dma_wait3A_219] : memref<4x128x128xf32, #tpu.memory_space<vmem>> -> memref<1x128x128xf32, #tpu.memory_space<vmem>>
    %dma_wait3A_221 = tpu.memref_squeeze %dma_wait3A_220 : memref<1x128x128xf32, #tpu.memory_space<vmem>> -> memref<128x128xf32, #tpu.memory_space<vmem>>
    tpu.wait_dma2 semaphore(%arg17 : memref<!tpu.dma_semaphore, #tpu.memory_space<semaphore_mem>>) src(%dma_wait3A_221 : memref<128x128xf32, #tpu.memory_space<vmem>>) dst(%dma_wait3A_217 : memref<128x128xf32, #tpu.memory_space<hbm>>)
    return
  }
}

</mosaic_0001>

<sc_bundles>
// kernel: kernel.3.cloned.1.call-start
scs
__scs_entry_jumppad:
0x0: {  	(pc) =	sbr.rel $0x88, $3  }
0x1: {  	(tag) =	ssettag $0x0;
	lr =	simm.s32 $0x1  }
0x2: {  	[smem:$0x3F9F] =	sst lr;
	_ =	strace $0xD0000000  }
0x3: {  	_ = 	snop  }
0x4: {  	_ = 	snop  }
0x5: {  	_ = 	snop  }
0x6: {  	_ = 	snop  }
0x7: {  	_ = 	snop  }
__scs_overlays_trampoline_lowered:
0x8: {  	[smem:$0x3FAE] =	sst s0  }
0x9: {  	[smem:$0x3FAF] =	sst s1  }
0xa: {  	[smem:$0x3FB0] =	sst s2  }
0xb: {  	[smem:$0x3FB1] =	sst s3  }
0xc: {  	[smem:$0x3FB2] =	sst s4  }
0xd: {  	[smem:$0x3FB3] =	sst s5  }
0xe: {  	[smem:$0x3FB4] =	sst s6  }
0xf: {  	[smem:$0x3FB5] =	sst s7  }
0x10: {  	[smem:$0x3FB6] =	sst s8  }
0x11: {  	[smem:$0x3FB7] =	sst s9;
	s0 =	simm.s32 @!p0 $0x0  }
0x12: {  	s1 =	sld [smem:$0x3F9D];
	s0 =	simm.s32 @p0 $0x1  }
0x13: {  	[smem:$0x3FB8] =	sst s0;
	s0 =	simm.s32 @!p1 $0x0  }
0x14: {  	s2 =	sld [smem:$0x3F9C];
	s0 =	simm.s32 @p1 $0x1  }
0x15: {  	[smem:$0x3FB9] =	sst s0;
	s0 =	simm.s32 @!p2 $0x0  }
0x16: {  	s3 =	sld [smem:$0x3FDB];
	s0 =	simm.s32 @p2 $0x1  }
0x17: {  	s4 =	simm.s32 $0x1BF5;
	[smem:$0x3FBB] =	sst s0  }
0x18: {  	s0 =	sld [smem:$0x3F9E];
	_ =	swait.ge [sflag:s4], $0x0  }
0x19: {  	s7 =	sld [smem:$0x3F9F]  }
0x1a: {  	s8 =	sadd.s32 $0xFFFFE003, lr  }
0x1b: {  	s9 =	sadd.s32 $0xFFFFFEF7, lr;
	s5 =	simm.s32 $0xFFFFFFFF;
	p2 =	slt.u32 s8, $0xFFFFF086  }
0x1c: {  	p1 =	slt.u32 s9, $0xF7A;
	s5 =	simm.s32 @!p2 $0x0  }
0x1d: {  	s5 =	simm.s32 @p1 $0x1;
	p0 =	seq.s32 s7, s2  }
0x1e: {  	s7 =	smul.u32 @!p0 $0xF7A, s2;
	p2 =	seq.s32 @!p0 s5, $0x0  }
0x1f: {  	s9 =	smul.u32 $0xF7A, s1;
	s8 =	simm.s32 @!p0 $0x1BF5;
	p2 =	por !p2, p0  }
0x20: {  	[sflag:s8] =	ssyncset.s32 @!p0 $0xFFFFF086;
	s6 =	sadd.s32 @!p0 s3, s7;
	s7 =	simm.s32 @!p0 $0x108  }
0x21: {  	s3 =	sadd.s32 s3, s9;
	s6 =	sadd.s32 @!p0 $0x88, s6;
	s7 =	simm.s32 @p2 $0x1082  }
0x22: {  	[simem:s7], [sflag:s8] =	dma.local @!p0 [hbm:s6], $0xF7A  }
0x23: {  	s9 =	sor.u32 $0xD0000000, s2;
	s6 =	simm.s32 $0x108;
	_ =	swait.ge @!p0 [sflag:s8], $0x0  }
0x24: {  	s3 =	sadd.s32 $0x88, s3;
	s6 =	simm.s32 @!p1 $0x1082;
	[sflag:s4] =	ssyncset.s32 $0xFFFFF086  }
0x25: {  	[simem:s6], [sflag:s4] =	dma.local [hbm:s3], $0xF7A  }
0x26: {  	[smem:$0x3F9F] =	sst s1;
	(tag) =	ssettag s2;
	_ =	strace s9  }
0x27: {  	s1 =	sld [smem:$0x3FAF]  }
0x28: {  	s2 =	sld [smem:$0x3FB0]  }
0x29: {  	s4 =	sld [smem:$0x3FB2]  }
0x2a: {  	p0 =	seq.s32 s5, $0x0;
	s5 =	sld [smem:$0x3FB3]  }
0x2b: {  	s6 =	sld [smem:$0x3FB4]  }
0x2c: {  	s7 =	sld [smem:$0x3FB5]  }
0x2d: {  	s3 =	simm.s32 $0x108;
	s8 =	sld [smem:$0x3FB6]  }
0x2e: {  	s3 =	simm.s32 @!p0 $0x1082;
	s9 =	sld [smem:$0x3FB7]  }
0x2f: {  	lr =	sadd.s32 s0, s3;
	s0 =	sld [smem:$0x3FAE]  }
0x30: {  	s3 =	sld [smem:$0x3FB1]  }
0x31: {  	[smem:$0x3FBA] =	sst s10  }
0x32: {  	s10 =	sld [smem:$0x3FB8];
	_ =	sdelay $0x3  }
0x33: {  	p0 =	seq.s32 s10, $0x1;
	s10 =	sld [smem:$0x3FBA];
	_ =	sdelay $0x3  }
0x34: {  	[smem:$0x3FBA] =	sst s10  }
0x35: {  	s10 =	sld [smem:$0x3FB9];
	_ =	sdelay $0x3  }
0x36: {  	p1 =	seq.s32 s10, $0x1;
	s10 =	sld [smem:$0x3FBA];
	_ =	sdelay $0x3  }
0x37: {  	[smem:$0x3FBA] =	sst s10  }
0x38: {  	s10 =	sld [smem:$0x3FBB]  }
0x39: {  	_ = 	snop;
	(pc) =	sbr.ind lr, $3  }
0x3a: {  	_ = 	snop  }
0x3b: {  	_ = 	snop  }
0x3c: {  	p2 =	seq.s32 s10, $0x1;
	s10 =	sld [smem:$0x3FBA]  }
0x3d: {  	_ =	shalt  }
0x3e: {  	_ =	shalt  }
0x3f: {  	_ =	shalt  }
0x40: {  	_ =	shalt  }
0x41: {  	_ =	shalt  }
0x42: {  	_ =	shalt  }
0x43: {  	_ =	shalt  }
0x44: {  	_ =	shalt  }
0x45: {  	_ =	shalt  }
0x46: {  	_ =	shalt  }
0x47: {  	_ =	shalt  }
0x48: {  	_ =	shalt  }
0x49: {  	_ =	shalt  }
0x4a: {  	_ =	shalt  }
0x4b: {  	_ =	shalt  }
0x4c: {  	_ =	shalt  }
0x4d: {  	_ =	shalt  }
0x4e: {  	_ =	shalt  }
0x4f: {  	_ =	shalt  }
0x50: {  	_ =	shalt  }
0x51: {  	_ =	shalt  }
0x52: {  	_ =	shalt  }
0x53: {  	_ =	shalt  }
0x54: {  	_ =	shalt  }
0x55: {  	_ =	shalt  }
0x56: {  	_ =	shalt  }
0x57: {  	_ =	shalt  }
0x58: {  	_ =	shalt  }
0x59: {  	_ =	shalt  }
0x5a: {  	_ =	shalt  }
0x5b: {  	_ =	shalt  }
0x5c: {  	_ =	shalt  }
0x5d: {  	_ =	shalt  }
0x5e: {  	_ =	shalt  }
0x5f: {  	_ =	shalt  }
0x60: {  	_ =	shalt  }
0x61: {  	_ =	shalt  }
0x62: {  	_ =	shalt  }
0x63: {  	_ =	shalt  }
0x64: {  	_ =	shalt  }
0x65: {  	_ =	shalt  }
0x66: {  	_ =	shalt  }
0x67: {  	_ =	shalt  }
0x68: {  	_ =	shalt  }
0x69: {  	_ =	shalt  }
0x6a: {  	_ =	shalt  }
0x6b: {  	_ =	shalt  }
0x6c: {  	_ =	shalt  }
0x6d: {  	_ =	shalt  }
0x6e: {  	_ =	shalt  }
0x6f: {  	_ =	shalt  }
0x70: {  	_ =	shalt  }
0x71: {  	_ =	shalt  }
0x72: {  	_ =	shalt  }
0x73: {  	_ =	shalt  }
0x74: {  	_ =	shalt  }
0x75: {  	_ =	shalt  }
0x76: {  	_ =	shalt  }
0x77: {  	_ =	shalt  }
0x78: {  	_ =	shalt  }
0x79: {  	_ =	shalt  }
0x7a: {  	_ =	shalt  }
0x7b: {  	_ =	shalt  }
0x7c: {  	_ =	shalt  }
0x7d: {  	_ =	shalt  }
0x7e: {  	_ =	shalt  }
0x7f: {  	_ =	shalt  }
0x80: {  	_ =	shalt  }
0x81: {  	_ =	shalt  }
0x82: {  	_ =	shalt  }
0x83: {  	_ =	shalt  }
0x84: {  	_ =	shalt  }
0x85: {  	_ =	shalt  }
0x86: {  	_ =	shalt  }
0x87: {  	_ =	shalt  }
.Lfunc_end0:
.L_simem_size_0:
called_computation_lowered:
.L_overlay_start_0:
0x88: {  	s2 =	sld [smem:$0x3FD9]  }
0x89: {  	s3 =	sld [smem:$0x3FFE];
	_ =	sdelay $0x1  }
0x8a: {  	s1 =	srdreg.scid  }
0x8b: {  	s0 =	sand.u32 $0x1, s1  }
0x8c: {  	s17 =	sshll.u32 s0, $0xA;
	s2 =	sadd.s32 s3, s2  }
0x8d: {  	s2 =	sadd.s32 s2, s17  }
0x8e: {  	[smem:$0x3FC6] =	sst s2  }
0x8f: {  	_ = 	snop  }
0x90: {  	s2 =	sld [smem:$0x3FC9]  }
0x91: {  	s18 =	sld [smem:$0x3FC8]  }
0x92: {  	s4 =	sld [smem:$0x3FD0];
	(tm) =	ssettm $0x1  }
0x93: {  	s5 =	sld [smem:$0x3FFB];
	_ =	sdelay $0x3  }
0x94: {  	_ =	strace s5  }
0x95: {  	s5 =	sld [smem:$0x3FFC];
	_ =	sdelay $0x3  }
0x96: {  	_ =	strace s5  }
0x97: {  	s5 =	sld [smem:$0x3FFD];
	_ =	sdelay $0x3  }
0x98: {  	_ =	strace s5  }
0x99: {  	_ =	strace $0x8FFFFFFF  }
0x9a: {  	s19 =	sld [smem:$0x3FDB];
	_ =	sdelay $0x1  }
0x9b: {  	s6 =	simm.s32 $_scs_section_size  }
0x9c: {  	s7 =	simm.s32 $_size__tile_overlayer_lowered;
	s8 =	simm.s32 $_tile_overlayer_lowered  }
0x9d: {  	s22 =	simm.s32 $0x1BFF;
	s21 =	sshll.u32 s8, $0x1;
	s5 =	sadd.s32 s6, s19  }
0x9e: {  	s9 =	simm.s32 $0x0;
	s20 =	sshll.u32 s7, $0x1;
	s7 =	sadd.s32 s21, s5  }
0x9f: {  	[timem:s9], [sflag:s22] =	dma.local [hbm:s7], s20  }
0xa0: {  	_ =	swait.ge [sflag:s22], s20  }
0xa1: {  	s6 =	ssub.s32 $0x0, s20;
	[sflag:s22] =	ssyncset.done $0x0  }
0xa2: {  	[sflag:s22] =	ssyncadd.s32 s6;
	_ =	sdelay $0x1  }
0xa3: {  	s23 =	simm.s32 $0x1B8B  }
0xa4: {  	_ =	swait.ge [sflag:s23], $0x1  }
0xa5: {  	[sflag:s23] =	ssyncset.done $0x0  }
0xa6: {  	s25 =	simm.s32 $0x1B8E;
	s24 =	sld [smem:$0x3FFE];
	[sflag:s23] =	ssyncadd.s32 $0xFFFFFFFF  }
0xa7: {  	s26 =	simm.s32 $execute0_lowered;
	[smem:$0x3FD2] =	sst s25  }
0xa8: {  	s7 =	sshll.u32 s26, $0x1;
	_ =	strace $0x80000046;
	[dreg:$0x1] =	wrdreg $0xFFFFFFFF  }
0xa9: {  	s28 =	simm.s32 $_size_execute0_lowered;
	s5 =	sadd.s32 s5, s7;
	[dreg:$0x0] =	wrdreg $0x0  }
0xaa: {  	s7 =	sshll.u32 s28, $0x1;
	[dreg:$0x2] =	wrdreg s5  }
0xab: {  	[dreg:$0x3] =	wrdreg s7  }
0xac: {  	[dreg:$0x4] =	wrdreg $0xC0  }
0xad: {  	_ =	task [dreg:s9], $0x5FFFF  }
0xae: {  	[dreg:$0x1] =	wrdreg $0xFFFFFFFF  }
0xaf: {  	[dreg:$0x0] =	wrdreg $0x60  }
0xb0: {  	[dreg:$0x2] =	wrdreg s2  }
0xb1: {  	[dreg:$0x3] =	wrdreg s18  }
0xb2: {  	[dreg:$0x4] =	wrdreg s24  }
0xb3: {  	[dreg:$0x5] =	wrdreg s4  }
0xb4: {  	[dreg:$0x6] =	wrdreg $0x9  }
0xb5: {  	_ =	task.clear_ibuf [dreg:s9], $0x7FFFF;
	_ =	strace $0x90000046  }
0xb6: {  	s29 =	simm.s32 $0x9;
	_ =	strace $0x80000048  }
0xb7: {  	_ =	swait.ge [sflag:s29], $0x1  }
0xb8: {  	[sflag:s29] =	ssyncadd.s32 $0xFFFFFFFF  }
0xb9: {  	_ =	strace $0x90000048  }
0xba: {  	_ =	sfence  }
0xbb: {  	s30 =	sld [smem:$0x0];
	_ =	sdelay $0x2  }
0xbc: {  	s31 =	sshll.u32 s1, $0xD;
	s1 =	sshrl.u32 s1, $0x2  }
0xbd: {  	s3 =	sand.u32 $0x4000, s31;
	s1 =	sadd.s32 s1, s30  }
0xbe: {  	s0 =	sor.u32 s3, s0;
	s1 =	sshll.u32 s1, $0x11  }
0xbf: {  	s0 =	sor.u32 s1, s0  }
0xc0: {  	s0 =	sadd.s32 $0x8F2B, s0  }
0xc1: {  	[sflag:s0] =	ssyncadd.remote.s32 $0x1  }
0xc2: {  	_ =	sfence.sel $0xFFFF  }
0xc3: {  	[dreg:$0x0] =	wrdreg $0xFFFFFFFF;
	(pc) =	sbr.abs _section_cstart, $3  }
0xc4: {  	[dreg:$0x1] =	wrdreg $0xFFFFFFFF  }
0xc5: {  	_ =	task.clear_ibuf [dreg:s9], $0x2FFFF;
	_ =	strace $0x9FFFFFFF  }
0xc6: {  	(tm) =	ssettm $0x7FFFFFFF  }
0xc7: {  	_ =	shalt  }
tec
execute0_lowered:
.L_overlay_start_1:
0x0: {  	(tag) =	ssettag $0x1  }
0x1: {  	s0 =	rddreg [dreg:$0x0]  }
0x2: {  	s2 =	rddreg [dreg:$0x1]  }
0x3: {  	s1 =	rddreg [dreg:$0x2];
	s3 =	srdreg.scid  }
0x4: {  	s5 =	rddreg [dreg:$0x3];
	s6 =	stileid.u32  }
0x5: {  	s11 =	simm.s32 $0x200;
	s12 =	simm.s32 $0xA;
	s13 =	simm.s32 $0x80  }
0x6: {  	s14 =	simm.s32 $0x4200;
	s15 =	simm.s32 $0x8200;
	s16 =	simm.s32 $0x100  }
0x7: {  	s17 =	simm.s32 $0xC200;
	s18 =	simm.s32 $0x180;
	s19 =	simm.s32 $0x10200  }
0x8: {  	s20 =	simm.s32 $0x1;
	s21 =	simm.s32 $0x2;
	s22 =	simm.s32 $0x3  }
0x9: {  	s23 =	simm.s32 $0x4;
	s24 =	simm.s32 $0x5;
	s25 =	simm.s32 $0x6  }
0xa: {  	s26 =	simm.s32 $0x7;
	s28 =	simm.s32 $0x8;
	s29 =	simm.s32 $0x9  }
0xb: {  	s30 =	simm.s32 $0x0;
	s4 =	sand.u32 $0x1, s3;
	s6 =	sshll.u32 s6, $0x8  }
0xc: {  	s3 =	simm.s32 $0x0;
	s7 =	sshll.u32 s4, $0x7;
	s4 =	ssub.s32 $0x2, s4  }
0xd: {  	[smem:$0x7FF] =	sst s3;
	s6 =	sor.u32 s7, s6;
	s8 =	sshrl.u32 s4, $0x1  }
0xe: {  	_ =	strace $0x80000047;
	s7 =	sshll.u32 s6, $0x4;
	s10 =	ssub.s32 s4, s8  }
0xf: {  	s31 =	sshrl.u32 s6, $0x1;
	s1 =	sadd.s32 s7, s1;
	s5 =	sadd.s32 s5, s7  }
0x10: {  	s6 =	sadd.s32 s0, s31;
	s10 =	smax.u32 s10, $0x1;
	s4 =	sadd.s32 $0x400, s1  }
0x11: {  	s7 =	sadd.s32 $0x10000, s5;
	s8 =	sadd.s32 $0x20000, s5;
	s9 =	sadd.s32 $0x30000, s5  }
.LBB2_1:
0x12: {  	[tilespmem:s11], [sflag:$0x1] =	stream.linear.gather [hbm4b:s4+s3], $0x4000, $0x38;
	[tilespmem:$0x14200] =	vst v63  }
0x13: {  	_ = 	snop  }
0x14: {  	[tilespmem:s3], [sflag:$0xA] =	stream.linear.gather [hbm4b:s6+s3], $0x200, $0x38;
	[tilespmem:$0x14200] =	vst v63  }
0x15: {  	_ =	swait.ge [sflag:s12], $0x200  }
0x16: {  	[sflag:s12] =	ssyncset.done $0x0  }
0x17: {  	[sflag:s12] =	ssyncadd.s32 $0xFFFFFE00  }
0x18: {  	[tilespmem:s14], [sflag:$0x2] =	stream.indirect.gather [hbm4b:s2+s13], $0x80, s3, s13, $0xb8;
	[tilespmem:$0x14200] =	vst v63  }
0x19: {  	_ = 	snop  }
0x1a: {  	[tilespmem:s15], [sflag:$0x3] =	stream.indirect.gather [hbm4b:s2+s13], $0x80, s13, s13, $0xb8;
	[tilespmem:$0x14200] =	vst v63  }
0x1b: {  	_ = 	snop  }
0x1c: {  	[tilespmem:s17], [sflag:$0x4] =	stream.indirect.gather [hbm4b:s2+s13], $0x80, s16, s13, $0xb8;
	[tilespmem:$0x14200] =	vst v63  }
0x1d: {  	_ = 	snop  }
0x1e: {  	[tilespmem:s19], [sflag:$0x5] =	stream.indirect.gather [hbm4b:s2+s13], $0x80, s18, s13, $0xb8;
	[tilespmem:$0x14200] =	vst v63  }
0x1f: {  	_ =	swait.ge [sflag:s20], $0x4000  }
0x20: {  	[sflag:s20] =	ssyncset.done $0x0  }
0x21: {  	[sflag:s20] =	ssyncadd.s32 $0xFFFFC000  }
0x22: {  	_ =	swait.ge [sflag:s21], $0x4000  }
0x23: {  	[sflag:s21] =	ssyncset.done $0x0  }
0x24: {  	[sflag:s21] =	ssyncadd.s32 $0xFFFFC000  }
0x25: {  	_ =	swait.ge [sflag:s22], $0x4000  }
0x26: {  	[sflag:s22] =	ssyncset.done $0x0  }
0x27: {  	s31 =	simm.s32 $0x0;
	[sflag:s22] =	ssyncadd.s32 $0xFFFFC000  }
0x28: {  	v46 =	vld [tilespmem:s31+$0x85F0]  }
0x29: {  	v24 =	vld [tilespmem:s31+$0x4200]  }
0x2a: {  	v49 =	vld [tilespmem:s31+$0x5F0]  }
0x2b: {  	v2 =	vld [tilespmem:s31+$0x8200]  }
0x2c: {  	v3 =	vld [tilespmem:s31+$0x4210]  }
0x2d: {  	v6 =	vld [tilespmem:s31+$0x8210]  }
0x2e: {  	v7 =	vld [tilespmem:s31+$0x4220]  }
0x2f: {  	v8 =	vld [tilespmem:s31+$0x8220]  }
0x30: {  	v11 =	vld [tilespmem:s31+$0x4230]  }
0x31: {  	v10 =	vld [tilespmem:s31+$0x8230]  }
0x32: {  	v12 =	vld [tilespmem:s31+$0x4240]  }
0x33: {  	v13 =	vld [tilespmem:s31+$0x8240]  }
0x34: {  	v15 =	vld [tilespmem:s31+$0x4250]  }
0x35: {  	v14 =	vld [tilespmem:s31+$0x8250]  }
0x36: {  	v17 =	vld [tilespmem:s31+$0x4260]  }
0x37: {  	v16 =	vld [tilespmem:s31+$0x8260]  }
0x38: {  	v19 =	vld [tilespmem:s31+$0x4270]  }
0x39: {  	v25 =	vld [tilespmem:s31+$0x8270]  }
0x3a: {  	v20 =	vld [tilespmem:s31+$0x4280]  }
0x3b: {  	v27 =	vld [tilespmem:s31+$0x8280]  }
0x3c: {  	v21 =	vld [tilespmem:s31+$0x4290]  }
0x3d: {  	v28 =	vld [tilespmem:s31+$0x8290]  }
0x3e: {  	v23 =	vld [tilespmem:s31+$0x42A0]  }
0x3f: {  	v26 =	vld [tilespmem:s31+$0x82A0]  }
0x40: {  	v29 =	vld [tilespmem:s31+$0x42B0]  }
0x41: {  	v30 =	vld [tilespmem:s31+$0x82B0]  }
0x42: {  	v31 =	vld [tilespmem:s31+$0x42C0]  }
0x43: {  	v36 =	vld [tilespmem:s31+$0x82C0]  }
0x44: {  	v32 =	vld [tilespmem:s31+$0x42D0]  }
0x45: {  	v53 =	vld [tilespmem:s31+$0x82D0]  }
0x46: {  	v33 =	vld [tilespmem:s31+$0x42E0]  }
0x47: {  	v54 =	vld [tilespmem:s31+$0x82E0]  }
0x48: {  	v34 =	vld [tilespmem:s31+$0x42F0]  }
0x49: {  	v50 =	vld [tilespmem:s31+$0x82F0]  }
0x4a: {  	v35 =	vld [tilespmem:s31+$0x4300]  }
0x4b: {  	v37 =	vld [tilespmem:s31+$0x8300]  }
0x4c: {  	v40 =	vld [tilespmem:s31+$0x4310]  }
0x4d: {  	v38 =	vld [tilespmem:s31+$0x8310]  }
0x4e: {  	v43 =	vld [tilespmem:s31+$0x4320]  }
0x4f: {  	v39 =	vld [tilespmem:s31+$0x8320]  }
0x50: {  	v51 =	vld [tilespmem:s31+$0x4330]  }
0x51: {  	v52 =	vld [tilespmem:s31+$0x8330]  }
0x52: {  	v57 =	vld [tilespmem:s31+$0x4340]  }
0x53: {  	v56 =	vld [tilespmem:s31+$0x8340]  }
0x54: {  	v60 =	vld [tilespmem:s31+$0x4350]  }
0x55: {  	v61 =	vld [tilespmem:s31+$0x8350]  }
0x56: {  	v58 =	vld [tilespmem:s31+$0x4360]  }
0x57: {  	v42 =	vld [tilespmem:s31+$0x8360]  }
0x58: {  	v62 =	vld [tilespmem:s31+$0x4370]  }
0x59: {  	v44 =	vld [tilespmem:s31+$0x8370]  }
0x5a: {  	v48 =	vld [tilespmem:s31+$0x4380]  }
0x5b: {  	v0 =	vld [tilespmem:s31+$0x43B0]  }
0x5c: {  	v45 =	vld [tilespmem:s31+$0x8380]  }
0x5d: {  	v47 =	vld [tilespmem:s31+$0x4390]  }
0x5e: {  	v59 =	vld [tilespmem:s31+$0x8390]  }
0x5f: {  	v55 =	vld [tilespmem:s31+$0x43A0]  }
0x60: {  	v63 =	vld [tilespmem:s31+$0x83A0];
	[tilespmem:$0x1FA50] =	vst v0  }
0x61: {  	v0 =	vld [tilespmem:s31+$0x83B0];
	_ =	sdelay $0x4  }
0x62: {  	[tilespmem:$0x1FA60] =	vst v0  }
0x63: {  	v0 =	vld [tilespmem:s31+$0x43C0];
	_ =	sdelay $0x4  }
0x64: {  	[tilespmem:$0x1FA70] =	vst v0  }
0x65: {  	v0 =	vld [tilespmem:s31+$0x83C0];
	_ =	sdelay $0x4  }
0x66: {  	[tilespmem:$0x1FA90] =	vst v0  }
0x67: {  	v0 =	vld [tilespmem:s31+$0x43D0];
	_ =	sdelay $0x4  }
0x68: {  	[tilespmem:$0x1FAA0] =	vst v0  }
0x69: {  	v0 =	vld [tilespmem:s31+$0x83D0];
	_ =	sdelay $0x4  }
0x6a: {  	[tilespmem:$0x1FAB0] =	vst v0  }
0x6b: {  	v0 =	vld [tilespmem:s31+$0x43E0];
	_ =	sdelay $0x4  }
0x6c: {  	[tilespmem:$0x1FAC0] =	vst v0  }
0x6d: {  	v0 =	vld [tilespmem:s31+$0x83E0];
	_ =	sdelay $0x4  }
0x6e: {  	[tilespmem:$0x1FAD0] =	vst v0  }
0x6f: {  	v0 =	vld [tilespmem:s31+$0x43F0];
	_ =	sdelay $0x4  }
0x70: {  	[tilespmem:$0x1FAF0] =	vst v0  }
0x71: {  	v0 =	vld [tilespmem:s31+$0x83F0];
	_ =	sdelay $0x4  }
0x72: {  	[tilespmem:$0x1FB20] =	vst v0  }
0x73: {  	v0 =	vld [tilespmem:s31+$0x4400];
	_ =	sdelay $0x4  }
0x74: {  	[tilespmem:$0x1FB30] =	vst v0  }
0x75: {  	v0 =	vld [tilespmem:s31+$0x8400];
	_ =	sdelay $0x4  }
0x76: {  	[tilespmem:$0x1FB40] =	vst v0  }
0x77: {  	v0 =	vld [tilespmem:s31+$0x4410];
	_ =	sdelay $0x4  }
0x78: {  	[tilespmem:$0x1FB50] =	vst v0  }
0x79: {  	v0 =	vld [tilespmem:s31+$0x8410];
	_ =	sdelay $0x4  }
0x7a: {  	[tilespmem:$0x1FB70] =	vst v0  }
0x7b: {  	v0 =	vld [tilespmem:s31+$0x4420];
	_ =	sdelay $0x4  }
0x7c: {  	[tilespmem:$0x1FBA0] =	vst v0  }
0x7d: {  	v0 =	vld [tilespmem:s31+$0x8420];
	_ =	sdelay $0x4  }
0x7e: {  	[tilespmem:$0x1FBD0] =	vst v0  }
0x7f: {  	v0 =	vld [tilespmem:s31+$0x4430];
	_ =	sdelay $0x4  }
0x80: {  	[tilespmem:$0x1FBE0] =	vst v0  }
0x81: {  	v0 =	vld [tilespmem:s31+$0x8430];
	_ =	sdelay $0x4  }
0x82: {  	[tilespmem:$0x1FBF0] =	vst v0  }
0x83: {  	v0 =	vld [tilespmem:s31+$0x4440];
	_ =	sdelay $0x4  }
0x84: {  	[tilespmem:$0x1FC00] =	vst v0  }
0x85: {  	v0 =	vld [tilespmem:s31+$0x8440];
	_ =	sdelay $0x4  }
0x86: {  	[tilespmem:$0x1FC20] =	vst v0  }
0x87: {  	v0 =	vld [tilespmem:s31+$0x4450];
	_ =	sdelay $0x4  }
0x88: {  	[tilespmem:$0x1FC40] =	vst v0  }
0x89: {  	v0 =	vld [tilespmem:s31+$0x8450];
	_ =	sdelay $0x4  }
0x8a: {  	[tilespmem:$0x1FC50] =	vst v0  }
0x8b: {  	v0 =	vld [tilespmem:s31+$0x4460];
	_ =	sdelay $0x4  }
0x8c: {  	[tilespmem:$0x1FC60] =	vst v0  }
0x8d: {  	v0 =	vld [tilespmem:s31+$0x8460];
	_ =	sdelay $0x4  }
0x8e: {  	[tilespmem:$0x1FC70] =	vst v0  }
0x8f: {  	v0 =	vld [tilespmem:s31+$0x4470];
	_ =	sdelay $0x4  }
0x90: {  	[tilespmem:$0x1FC80] =	vst v0  }
0x91: {  	v0 =	vld [tilespmem:s31+$0x8470];
	_ =	sdelay $0x4  }
0x92: {  	[tilespmem:$0x1FC90] =	vst v0  }
0x93: {  	v0 =	vld [tilespmem:s31+$0x4480];
	_ =	sdelay $0x4  }
0x94: {  	[tilespmem:$0x1FCA0] =	vst v0  }
0x95: {  	v0 =	vld [tilespmem:s31+$0x8480];
	_ =	sdelay $0x4  }
0x96: {  	[tilespmem:$0x1FCB0] =	vst v0  }
0x97: {  	v0 =	vld [tilespmem:s31+$0x4490];
	_ =	sdelay $0x4  }
0x98: {  	[tilespmem:$0x1FCC0] =	vst v0  }
0x99: {  	v0 =	vld [tilespmem:s31+$0x8490];
	_ =	sdelay $0x4  }
0x9a: {  	[tilespmem:$0x1FCD0] =	vst v0  }
0x9b: {  	v0 =	vld [tilespmem:s31+$0x44A0];
	_ =	sdelay $0x4  }
0x9c: {  	[tilespmem:$0x1FCE0] =	vst v0  }
0x9d: {  	v0 =	vld [tilespmem:s31+$0x84A0];
	_ =	sdelay $0x4  }
0x9e: {  	[tilespmem:$0x1FCF0] =	vst v0  }
0x9f: {  	v0 =	vld [tilespmem:s31+$0x44B0];
	_ =	sdelay $0x4  }
0xa0: {  	[tilespmem:$0x1FD00] =	vst v0  }
0xa1: {  	v0 =	vld [tilespmem:s31+$0x84B0];
	_ =	sdelay $0x4  }
0xa2: {  	[tilespmem:$0x1FD10] =	vst v0  }
0xa3: {  	v0 =	vld [tilespmem:s31+$0x44C0];
	_ =	sdelay $0x4  }
0xa4: {  	[tilespmem:$0x1FD20] =	vst v0  }
0xa5: {  	v0 =	vld [tilespmem:s31+$0x84C0];
	_ =	sdelay $0x4  }
0xa6: {  	[tilespmem:$0x1FD30] =	vst v0  }
0xa7: {  	v0 =	vld [tilespmem:s31+$0x44D0];
	_ =	sdelay $0x4  }
0xa8: {  	[tilespmem:$0x1FD40] =	vst v0  }
0xa9: {  	v0 =	vld [tilespmem:s31+$0x84D0];
	_ =	sdelay $0x4  }
0xaa: {  	[tilespmem:$0x1FD50] =	vst v0  }
0xab: {  	v0 =	vld [tilespmem:s31+$0x44E0];
	_ =	sdelay $0x4  }
0xac: {  	[tilespmem:$0x1FD60] =	vst v0  }
0xad: {  	v0 =	vld [tilespmem:s31+$0x84E0];
	_ =	sdelay $0x4  }
0xae: {  	[tilespmem:$0x1FD70] =	vst v0  }
0xaf: {  	v0 =	vld [tilespmem:s31+$0x44F0];
	_ =	sdelay $0x4  }
0xb0: {  	[tilespmem:$0x1FD80] =	vst v0  }
0xb1: {  	v0 =	vld [tilespmem:s31+$0x84F0];
	_ =	sdelay $0x4  }
0xb2: {  	[tilespmem:$0x1FD90] =	vst v0  }
0xb3: {  	v0 =	vld [tilespmem:s31+$0x4500];
	_ =	sdelay $0x4  }
0xb4: {  	[tilespmem:$0x1FDA0] =	vst v0  }
0xb5: {  	v0 =	vld [tilespmem:s31+$0x8500];
	_ =	sdelay $0x4  }
0xb6: {  	[tilespmem:$0x1FDB0] =	vst v0  }
0xb7: {  	v0 =	vld [tilespmem:s31+$0x4510];
	_ =	sdelay $0x4  }
0xb8: {  	[tilespmem:$0x1FDC0] =	vst v0  }
0xb9: {  	v0 =	vld [tilespmem:s31+$0x8510];
	_ =	sdelay $0x4  }
0xba: {  	[tilespmem:$0x1FDD0] =	vst v0  }
0xbb: {  	v0 =	vld [tilespmem:s31+$0x4520];
	_ =	sdelay $0x4  }
0xbc: {  	[tilespmem:$0x1FDE0] =	vst v0  }
0xbd: {  	v0 =	vld [tilespmem:s31+$0x8520];
	_ =	sdelay $0x4  }
0xbe: {  	[tilespmem:$0x1FDF0] =	vst v0  }
0xbf: {  	v0 =	vld [tilespmem:s31+$0x4530];
	_ =	sdelay $0x4  }
0xc0: {  	[tilespmem:$0x1FE00] =	vst v0  }
0xc1: {  	v0 =	vld [tilespmem:s31+$0x8530];
	_ =	sdelay $0x4  }
0xc2: {  	[tilespmem:$0x1FE10] =	vst v0  }
0xc3: {  	v4 =	vld [tilespmem:s31+$0x4540];
	_ =	sdelay $0x3  }
0xc4: {  	v0 =	vld [tilespmem:s31+$0x200]  }
0xc5: {  	v1 =	vld [tilespmem:s31+$0x210];
	[tilespmem:$0x1FE20] =	vst v4  }
0xc6: {  	v4 =	vmul.f32 $1.131370830e+01, v2;
	v2 =	vld [tilespmem:s31+$0x220];
	_ =	sdelay $0x2  }
0xc7: {  	v7 =	vmul.f32 $1.131370830e+01, v7;
	v8 =	vmul.f32 $1.131370830e+01, v8  }
0xc8: {  	v24 =	vmul.f32 $1.131370830e+01, v24;
	v5 =	vmul.f32 $1.131370830e+01, v3;
	v3 =	vld [tilespmem:s31+$0x230]  }
0xc9: {  	v7 =	vadd.f32 v7, v2;
	v2 =	vadd.f32 v8, v2;
	v8 =	vmul.f32 $1.131370830e+01, v12;
	v12 =	vld [tilespmem:s31+$0x8540]  }
0xca: {  	v9 =	vadd.f32 v4, v0;
	v4 =	vmul.f32 $1.131370830e+01, v6;
	v6 =	vld [tilespmem:s31+$0x240]  }
0xcb: {  	v24 =	vadd.f32 v24, v0  }
0xcc: {  	v5 =	vadd.f32 v5, v1;
	v4 =	vadd.f32 v4, v1;
	v1 =	vmul.f32 $1.131370830e+01, v11  }
0xcd: {  	v0 =	vld [tilespmem:s31+$0x250];
	[tilespmem:s31+$0x4200] =	vst v24  }
0xce: {  	v11 =	vld [tilespmem:s31+$0x260];
	[tilespmem:$0x1FE30] =	vst v12;
	v12 =	vadd.f32 v1, v3  }
0xcf: {  	v1 =	vmul.f32 $1.131370830e+01, v13;
	v13 =	vmul.f32 $1.131370830e+01, v15;
	v15 =	vadd.f32 v8, v6;
	v8 =	vld [tilespmem:s31+$0x4550];
	_ =	sdelay $0x2  }
0xd0: {  	v10 =	vmul.f32 $1.131370830e+01, v10  }
0xd1: {  	v14 =	vmul.f32 $1.131370830e+01, v14  }
0xd2: {  	v3 =	vadd.f32 v10, v3;
	v10 =	vld [tilespmem:s31+$0x270];
	[tilespmem:$0x1FE40] =	vst v8  }
0xd3: {  	v18 =	vadd.f32 v14, v0;
	v13 =	vadd.f32 v13, v0;
	v0 =	vld [tilespmem:s31+$0x8550];
	_ =	sdelay $0x1  }
0xd4: {  	v1 =	vadd.f32 v1, v6;
	v6 =	vmul.f32 $1.131370830e+01, v17;
	v8 =	vmul.f32 $1.131370830e+01, v16;
	v16 =	vld [tilespmem:s31+$0x280];
	_ =	sdelay $0x1  }
0xd5: {  	v14 =	vmul.f32 $1.131370830e+01, v19;
	v22 =	vadd.f32 v6, v11;
	v6 =	vmul.f32 $1.131370830e+01, v25;
	v17 =	vld [tilespmem:s31+$0x290]  }
0xd6: {  	v19 =	vmul.f32 $1.131370830e+01, v27;
	v24 =	vadd.f32 v8, v11;
	v11 =	vld [tilespmem:s31+$0x2A0];
	v8 =	vmul.f32 $1.131370830e+01, v20;
	[tilespmem:$0x1FE50] =	vst v0  }
0xd7: {  	v25 =	vadd.f32 v14, v10;
	v27 =	vadd.f32 v6, v10;
	v20 =	vld [tilespmem:s31+$0x2B0]  }
0xd8: {  	v10 =	vmul.f32 $1.131370830e+01, v28;
	v14 =	vadd.f32 v8, v16;
	v8 =	vadd.f32 v19, v16;
	v19 =	vld [tilespmem:s31+$0x2C0]  }
0xd9: {  	v6 =	vmul.f32 $1.131370830e+01, v21;
	v28 =	vmul.f32 $1.131370830e+01, v36;
	v0 =	vld [tilespmem:s31+$0x4560]  }
0xda: {  	v16 =	vmul.f32 $1.131370830e+01, v23;
	v21 =	vadd.f32 v10, v17;
	v10 =	vmul.f32 $1.131370830e+01, v26;
	v23 =	vld [tilespmem:s31+$0x2D0]  }
0xdb: {  	v41 =	vadd.f32 v6, v17;
	v17 =	vmul.f32 $1.131370830e+01, v29;
	v26 =	vmul.f32 $1.131370830e+01, v30  }
0xdc: {  	v16 =	vadd.f32 v16, v11;
	v11 =	vadd.f32 v10, v11;
	v10 =	vmul.f32 $1.131370830e+01, v31  }
0xdd: {  	v31 =	vadd.f32 v17, v20;
	v17 =	vadd.f32 v26, v20;
	v20 =	vmul.f32 $1.131370830e+01, v32  }
0xde: {  	[tilespmem:$0x1FE60] =	vst v0;
	v29 =	vadd.f32 v10, v19  }
0xdf: {  	v30 =	vadd.f32 v28, v19;
	v19 =	vadd.f32 v20, v23;
	v20 =	vld [tilespmem:s31+$0x8560]  }
0xe0: {  	v0 =	vld [tilespmem:s31+$0x2E0]  }
0xe1: {  	v36 =	vld [tilespmem:s31+$0x2F0];
	_ =	sdelay $0x1  }
0xe2: {  	v10 =	vmul.f32 $1.131370830e+01, v53  }
0xe3: {  	v53 =	vmul.f32 $1.131370830e+01, v33;
	v28 =	vld [tilespmem:s31+$0x300];
	[tilespmem:$0x1FE80] =	vst v20;
	v20 =	vmul.f32 $1.131370830e+01, v50  }
0xe4: {  	v26 =	vadd.f32 v10, v23  }
0xe5: {  	v23 =	vadd.f32 v53, v0;
	v53 =	vadd.f32 v20, v36;
	v20 =	vld [tilespmem:s31+$0x4570]  }
0xe6: {  	v54 =	vmul.f32 $1.131370830e+01, v54  }
0xe7: {  	v10 =	vmul.f32 $1.131370830e+01, v34  }
0xe8: {  	v54 =	vadd.f32 v54, v0  }
0xe9: {  	v0 =	vmul.f32 $1.131370830e+01, v35;
	v32 =	vadd.f32 v10, v36;
	v10 =	vmul.f32 $1.131370830e+01, v37;
	v34 =	vld [tilespmem:s31+$0x310]  }
0xea: {  	v35 =	vld [tilespmem:s31+$0x320];
	[tilespmem:$0x1FE90] =	vst v20  }
0xeb: {  	v37 =	vadd.f32 v0, v28;
	v20 =	vmul.f32 $1.131370830e+01, v46;
	v46 =	vadd.f32 v10, v28;
	v28 =	vld [tilespmem:s31+$0x8570];
	_ =	sdelay $0x2  }
0xec: {  	v10 =	vmul.f32 $1.131370830e+01, v38;
	v38 =	vld [tilespmem:s31+$0x340]  }
0xed: {  	v0 =	vld [tilespmem:s31+$0x330]  }
0xee: {  	v36 =	vmul.f32 $1.131370830e+01, v43;
	v43 =	vld [tilespmem:s31+$0x350];
	[tilespmem:$0x1FEB0] =	vst v28  }
0xef: {  	v57 =	vmul.f32 $1.131370830e+01, v57;
	[tilespmem:s31+$0x8200] =	vst v9;
	v9 =	vmul.f32 $1.131370830e+01, v56  }
0xf0: {  	v20 =	vadd.f32 v20, v49  }
0xf1: {  	v56 =	vadd.f32 v57, v38;
	v57 =	vadd.f32 v9, v38;
	v9 =	vld [tilespmem:s31+$0x4580]  }
0xf2: {  	v6 =	vmovc v49;
	v50 =	vmul.f32 $1.131370830e+01, v40;
	v49 =	vadd.f32 v10, v34;
	v10 =	vmul.f32 $1.131370830e+01, v51  }
0xf3: {  	v39 =	vmul.f32 $1.131370830e+01, v39;
	[tilespmem:s31+$0x85F0] =	vst v20  }
0xf4: {  	v40 =	vadd.f32 v50, v34;
	v28 =	vadd.f32 v10, v0;
	v10 =	vld [tilespmem:s31+$0x370];
	[tilespmem:s31+$0x4210] =	vst v5  }
0xf5: {  	v50 =	vadd.f32 v36, v35;
	v51 =	vadd.f32 v39, v35;
	v35 =	vld [tilespmem:s31+$0x360];
	[tilespmem:s31+$0x8210] =	vst v4  }
0xf6: {  	v5 =	vld [tilespmem:s31+$0x380];
	[tilespmem:$0x1FEC0] =	vst v9  }
0xf7: {  	[tilespmem:s31+$0x4220] =	vst v7;
	v7 =	vmul.f32 $1.131370830e+01, v62  }
0xf8: {  	v20 =	vmul.f32 $1.131370830e+01, v52  }
0xf9: {  	v4 =	vmul.f32 $1.131370830e+01, v58;
	[tilespmem:s31+$0x8220] =	vst v2;
	v2 =	vmul.f32 $1.131370830e+01, v44;
	v7 =	vadd.f32 v7, v10  }
0xfa: {  	v52 =	vadd.f32 v20, v0;
	v20 =	vmul.f32 $1.131370830e+01, v48;
	v9 =	vld [tilespmem:s31+$0x390];
	[tilespmem:s31+$0x4230] =	vst v12  }
0xfb: {  	v58 =	vadd.f32 v4, v35;
	v4 =	vld [tilespmem:s31+$0x3A0];
	v2 =	vadd.f32 v2, v10;
	[tilespmem:$0x1FE70] =	vst v7  }
0xfc: {  	[tilespmem:s31+$0x8230] =	vst v3;
	v3 =	vadd.f32 v20, v5  }
0xfd: {  	v7 =	vld [tilespmem:s31+$0x3B0];
	[tilespmem:$0x1FEA0] =	vst v2  }
0xfe: {  	v0 =	vmul.f32 $1.131370830e+01, v61;
	[tilespmem:$0x1FED0] =	vst v3  }
0xff: {  	v3 =	vld [tilespmem:s31+$0x8580]  }
0x100: {  	v61 =	vadd.f32 v0, v43;
	v0 =	vmul.f32 $1.131370830e+01, v42;
	_ =	sdelay $0x1  }
0x101: {  	v62 =	vadd.f32 v0, v35;
	v0 =	vmul.f32 $1.131370830e+01, v45;
	_ =	sdelay $0x1  }
0x102: {  	v0 =	vadd.f32 v0, v5;
	v2 =	vmul.f32 $1.131370830e+01, v47;
	[tilespmem:$0x1FEE0] =	vst v3  }
0x103: {  	[tilespmem:s31+$0x4240] =	vst v15  }
0x104: {  	v2 =	vadd.f32 v2, v9;
	[tilespmem:$0x1FF00] =	vst v0;
	v0 =	vmul.f32 $1.131370830e+01, v59  }
0x105: {  	v3 =	vmul.f32 $1.131370830e+01, v55;
	[tilespmem:s31+$0x8240] =	vst v1  }
0x106: {  	v44 =	vld [tilespmem:s31+$0x3C0];
	[tilespmem:$0x1FF10] =	vst v2;
	v0 =	vadd.f32 v0, v9  }
0x107: {  	v3 =	vadd.f32 v3, v4;
	v1 =	vmul.f32 $1.131370830e+01, v63;
	v5 =	vld [tilespmem:$0x1FA50];
	[tilespmem:s31+$0x4250] =	vst v13  }
0x108: {  	v2 =	vld [tilespmem:s31+$0x3D0];
	[tilespmem:$0x1FF20] =	vst v0  }
0x109: {  	v1 =	vadd.f32 v1, v4;
	v0 =	vld [tilespmem:$0x1FA60];
	[tilespmem:$0x1FF30] =	vst v3  }
0x10a: {  	v9 =	vld [tilespmem:s31+$0x3E0];
	[tilespmem:s31+$0x8250] =	vst v18  }
0x10b: {  	[tilespmem:$0x1FF50] =	vst v1;
	v1 =	vld [tilespmem:$0x1FA70];
	_ =	sdelay $0x2  }
0x10c: {  	v10 =	vmul.f32 $1.131370830e+01, v5;
	_ =	sdelay $0x1  }
0x10d: {  	v12 =	vmul.f32 $1.131370830e+01, v1;
	v1 =	vadd.f32 v10, v7;
	_ =	sdelay $0x1  }
0x10e: {  	[tilespmem:$0x1FFB0] =	vst v1  }
0x10f: {  	v1 =	vld [tilespmem:s31+$0x4590];
	_ =	sdelay $0x2  }
0x110: {  	v0 =	vmul.f32 $1.131370830e+01, v0;
	_ =	sdelay $0x1  }
0x111: {  	v0 =	vadd.f32 v0, v7;
	[tilespmem:$0x1FEF0] =	vst v1  }
0x112: {  	[tilespmem:s31+$0x4260] =	vst v22  }
0x113: {  	[tilespmem:$0x1FA80] =	vst v0;
	v0 =	vld [tilespmem:$0x1FA90];
	_ =	sdelay $0x4  }
0x114: {  	v3 =	vmul.f32 $1.131370830e+01, v0;
	v0 =	vld [tilespmem:$0x1FAA0];
	[tilespmem:s31+$0x8260] =	vst v24  }
0x115: {  	v1 =	vld [tilespmem:$0x1FAB0];
	_ =	sdelay $0x3  }
0x116: {  	v18 =	vld [tilespmem:s31+$0x400]  }
0x117: {  	v24 =	vld [tilespmem:s31+$0x410];
	v1 =	vmul.f32 $1.131370830e+01, v1  }
0x118: {  	v5 =	vld [tilespmem:$0x1FAC0];
	[tilespmem:s31+$0x4270] =	vst v25  }
0x119: {  	v10 =	vadd.f32 v3, v44;
	v3 =	vld [tilespmem:$0x1FAD0];
	v1 =	vadd.f32 v1, v2  }
0x11a: {  	[tilespmem:s31+$0x8270] =	vst v27;
	v4 =	vmul.f32 $1.131370830e+01, v0;
	v0 =	vld [tilespmem:s31+$0x3F0]  }
0x11b: {  	[tilespmem:$0x1FAE0] =	vst v1;
	v1 =	vld [tilespmem:$0x1FAF0];
	_ =	sdelay $0x2  }
0x11c: {  	v15 =	vmul.f32 $1.131370830e+01, v5  }
0x11d: {  	v3 =	vmul.f32 $1.131370830e+01, v3  }
0x11e: {  	v13 =	vadd.f32 v4, v2;
	v4 =	vmul.f32 $1.131370830e+01, v1;
	v1 =	vadd.f32 v15, v9;
	_ =	sdelay $0x1  }
0x11f: {  	[tilespmem:$0x1FB00] =	vst v1;
	v1 =	vadd.f32 v3, v9  }
0x120: {  	v5 =	vld [tilespmem:s31+$0x8590];
	[tilespmem:s31+$0x4280] =	vst v14  }
0x121: {  	[tilespmem:$0x1FB10] =	vst v1;
	v1 =	vld [tilespmem:$0x1FB20];
	_ =	sdelay $0x4  }
0x122: {  	v2 =	vmul.f32 $1.131370830e+01, v1;
	v1 =	vld [tilespmem:$0x1FB30]  }
0x123: {  	[tilespmem:s31+$0x8280] =	vst v8  }
0x124: {  	v3 =	vld [tilespmem:$0x1FB40];
	_ =	sdelay $0x2  }
0x125: {  	v9 =	vmul.f32 $1.131370830e+01, v1  }
0x126: {  	v14 =	vadd.f32 v4, v0;
	v25 =	vld [tilespmem:s31+$0x430];
	v0 =	vadd.f32 v2, v0  }
0x127: {  	v15 =	vmul.f32 $1.131370830e+01, v3;
	v3 =	vld [tilespmem:$0x1FB50];
	[tilespmem:s31+$0x4290] =	vst v41;
	v2 =	vadd.f32 v9, v18  }
0x128: {  	v1 =	vld [tilespmem:s31+$0x420];
	[tilespmem:$0x1FB60] =	vst v0  }
0x129: {  	v0 =	vld [tilespmem:$0x1FB70];
	[tilespmem:$0x1FB80] =	vst v2;
	v2 =	vadd.f32 v15, v18  }
0x12a: {  	v45 =	vld [tilespmem:s31+$0x440];
	[tilespmem:s31+$0x8290] =	vst v21  }
0x12b: {  	[tilespmem:$0x1FB90] =	vst v2;
	v2 =	vld [tilespmem:$0x1FBA0];
	_ =	sdelay $0x2  }
0x12c: {  	v22 =	vmul.f32 $1.131370830e+01, v3;
	_ =	sdelay $0x1  }
0x12d: {  	v0 =	vmul.f32 $1.131370830e+01, v0;
	v9 =	vmul.f32 $1.131370830e+01, v2;
	v2 =	vadd.f32 v22, v24;
	_ =	sdelay $0x1  }
0x12e: {  	v0 =	vadd.f32 v0, v24;
	[tilespmem:$0x1FBB0] =	vst v2  }
0x12f: {  	v3 =	vld [tilespmem:s31+$0x45A0];
	[tilespmem:s31+$0x42A0] =	vst v16  }
0x130: {  	[tilespmem:$0x1FBC0] =	vst v0;
	v0 =	vld [tilespmem:$0x1FBD0];
	_ =	sdelay $0x4  }
0x131: {  	v16 =	vmul.f32 $1.131370830e+01, v0;
	v0 =	vld [tilespmem:$0x1FBE0];
	_ =	sdelay $0x3  }
0x132: {  	[tilespmem:s31+$0x82A0] =	vst v11  }
0x133: {  	v18 =	vmul.f32 $1.131370830e+01, v0;
	v0 =	vld [tilespmem:$0x1FBF0];
	_ =	sdelay $0x4  }
0x134: {  	v11 =	vmul.f32 $1.131370830e+01, v0;
	v0 =	vld [tilespmem:$0x1FC00];
	_ =	sdelay $0x4  }
0x135: {  	v21 =	vld [tilespmem:s31+$0x450];
	v24 =	vmul.f32 $1.131370830e+01, v0;
	v0 =	vadd.f32 v16, v1  }
0x136: {  	v47 =	vld [tilespmem:s31+$0x460];
	[tilespmem:s31+$0x42B0] =	vst v31  }
0x137: {  	[tilespmem:$0x1FC10] =	vst v0;
	v0 =	vld [tilespmem:$0x1FC20];
	_ =	sdelay $0x2  }
0x138: {  	v15 =	vadd.f32 v9, v1;
	v1 =	vadd.f32 v11, v25  }
0x139: {  	[tilespmem:s31+$0x82B0] =	vst v17  }
0x13a: {  	v2 =	vadd.f32 v18, v25;
	v18 =	vld [tilespmem:s31+$0x470];
	[tilespmem:$0x1FC30] =	vst v1;
	v0 =	vmul.f32 $1.131370830e+01, v0  }
0x13b: {  	v1 =	vld [tilespmem:$0x1FC40];
	[tilespmem:s31+$0x42C0] =	vst v29  }
0x13c: {  	v20 =	vadd.f32 v12, v44;
	v12 =	vadd.f32 v0, v45;
	v0 =	vld [tilespmem:$0x1FC50];
	_ =	sdelay $0x4  }
0x13d: {  	v31 =	vmul.f32 $1.131370830e+01, v0;
	v0 =	vld [tilespmem:$0x1FC60];
	_ =	sdelay $0x3  }
0x13e: {  	[tilespmem:s31+$0x82C0] =	vst v30  }
0x13f: {  	v48 =	vmul.f32 $1.131370830e+01, v0;
	v0 =	vld [tilespmem:$0x1FC70];
	_ =	sdelay $0x4  }
0x140: {  	v55 =	vmul.f32 $1.131370830e+01, v0;
	v0 =	vld [tilespmem:$0x1FC80];
	_ =	sdelay $0x3  }
0x141: {  	[tilespmem:s31+$0x42D0] =	vst v19  }
0x142: {  	v59 =	vmul.f32 $1.131370830e+01, v0;
	v0 =	vld [tilespmem:$0x1FC90];
	_ =	sdelay $0x3  }
0x143: {  	[tilespmem:s31+$0x82D0] =	vst v26  }
0x144: {  	v19 =	vmul.f32 $1.131370830e+01, v0;
	v0 =	vld [tilespmem:$0x1FCA0];
	_ =	sdelay $0x3  }
0x145: {  	[tilespmem:s31+$0x42E0] =	vst v23  }
0x146: {  	v30 =	vadd.f32 v48, v47;
	v48 =	vmul.f32 $1.131370830e+01, v0;
	v0 =	vld [tilespmem:$0x1FCB0];
	_ =	sdelay $0x4  }
0x147: {  	v34 =	vadd.f32 v59, v18;
	v9 =	vadd.f32 v19, v18;
	v18 =	vmul.f32 $1.131370830e+01, v0;
	v0 =	vld [tilespmem:$0x1FCC0];
	_ =	sdelay $0x3  }
0x148: {  	[tilespmem:s31+$0x82E0] =	vst v54  }
0x149: {  	v19 =	vmul.f32 $1.131370830e+01, v0;
	v0 =	vld [tilespmem:$0x1FCD0];
	_ =	sdelay $0x4  }
0x14a: {  	v54 =	vmul.f32 $1.131370830e+01, v0;
	v0 =	vld [tilespmem:$0x1FCE0];
	_ =	sdelay $0x3  }
0x14b: {  	v38 =	vld [tilespmem:s31+$0x480];
	[tilespmem:s31+$0x42F0] =	vst v32  }
0x14c: {  	v17 =	vadd.f32 v55, v47;
	v55 =	vmul.f32 $1.131370830e+01, v0;
	v0 =	vld [tilespmem:$0x1FCF0];
	_ =	sdelay $0x3  }
0x14d: {  	[tilespmem:s31+$0x82F0] =	vst v53  }
0x14e: {  	v35 =	vadd.f32 v18, v38;
	v18 =	vmul.f32 $1.131370830e+01, v0;
	v0 =	vld [tilespmem:$0x1FD00];
	_ =	sdelay $0x3  }
0x14f: {  	v11 =	vadd.f32 v31, v21;
	v31 =	vld [tilespmem:s31+$0x4A0];
	[tilespmem:s31+$0x4300] =	vst v37  }
0x150: {  	v59 =	vmul.f32 $1.131370830e+01, v0;
	v0 =	vld [tilespmem:$0x1FD10];
	_ =	sdelay $0x4  }
0x151: {  	v39 =	vadd.f32 v18, v31;
	v18 =	vmul.f32 $1.131370830e+01, v0;
	v0 =	vld [tilespmem:$0x1FD20];
	_ =	sdelay $0x2  }
0x152: {  	v33 =	vmul.f32 $1.131370830e+01, v60  }
0x153: {  	v63 =	vld [tilespmem:s31+$0x490];
	[tilespmem:s31+$0x8300] =	vst v46  }
0x154: {  	v60 =	vadd.f32 v33, v43;
	v43 =	vadd.f32 v55, v31;
	v31 =	vmul.f32 $1.131370830e+01, v0;
	v0 =	vld [tilespmem:$0x1FD30];
	_ =	sdelay $0x3  }
0x155: {  	v41 =	vadd.f32 v48, v38  }
0x156: {  	v42 =	vadd.f32 v19, v63;
	v38 =	vadd.f32 v54, v63;
	v63 =	vmul.f32 $1.131370830e+01, v0;
	v0 =	vld [tilespmem:$0x1FD40];
	_ =	sdelay $0x3  }
0x157: {  	v23 =	vld [tilespmem:s31+$0x4B0];
	[tilespmem:s31+$0x4310] =	vst v40  }
0x158: {  	v36 =	vmul.f32 $1.131370830e+01, v0;
	v0 =	vld [tilespmem:$0x1FD50];
	_ =	sdelay $0x3  }
0x159: {  	v16 =	vadd.f32 v24, v45;
	v45 =	vld [tilespmem:s31+$0x4C0];
	[tilespmem:s31+$0x8310] =	vst v49  }
0x15a: {  	v44 =	vadd.f32 v18, v23;
	v18 =	vmul.f32 $1.131370830e+01, v0;
	v0 =	vld [tilespmem:$0x1FD60];
	_ =	sdelay $0x3  }
0x15b: {  	v19 =	vld [tilespmem:s31+$0x4D0];
	[tilespmem:s31+$0x4320] =	vst v50  }
0x15c: {  	v48 =	vadd.f32 v31, v45;
	v31 =	vmul.f32 $1.131370830e+01, v0;
	v0 =	vld [tilespmem:$0x1FD70];
	_ =	sdelay $0x4  }
0x15d: {  	v46 =	vadd.f32 v18, v19;
	v18 =	vmul.f32 $1.131370830e+01, v0;
	v0 =	vld [tilespmem:$0x1FD80];
	_ =	sdelay $0x3  }
0x15e: {  	[tilespmem:s31+$0x8320] =	vst v51  }
0x15f: {  	v49 =	vadd.f32 v36, v19;
	v19 =	vmul.f32 $1.131370830e+01, v0;
	v0 =	vld [tilespmem:$0x1FD90];
	_ =	sdelay $0x4  }
0x160: {  	v40 =	vmul.f32 $1.131370830e+01, v0;
	v0 =	vld [tilespmem:$0x1FDA0];
	_ =	sdelay $0x3  }
0x161: {  	v37 =	vld [tilespmem:s31+$0x4E0];
	[tilespmem:s31+$0x4330] =	vst v28  }
0x162: {  	v47 =	vadd.f32 v59, v23;
	v59 =	vmul.f32 $1.131370830e+01, v0;
	v0 =	vld [tilespmem:$0x1FDB0];
	_ =	sdelay $0x3  }
0x163: {  	v32 =	vld [tilespmem:s31+$0x4F0];
	[tilespmem:s31+$0x8330] =	vst v52  }
0x164: {  	v50 =	vadd.f32 v18, v37;
	v18 =	vmul.f32 $1.131370830e+01, v0;
	v0 =	vld [tilespmem:$0x1FDC0];
	_ =	sdelay $0x3  }
0x165: {  	v23 =	vld [tilespmem:s31+$0x500];
	[tilespmem:s31+$0x4340] =	vst v56  }
0x166: {  	v51 =	vadd.f32 v40, v32;
	v40 =	vmul.f32 $1.131370830e+01, v0;
	v0 =	vld [tilespmem:$0x1FDD0];
	_ =	sdelay $0x4  }
0x167: {  	v52 =	vadd.f32 v18, v23;
	v18 =	vmul.f32 $1.131370830e+01, v0;
	v0 =	vld [tilespmem:$0x1FDE0];
	_ =	sdelay $0x3  }
0x168: {  	[tilespmem:s31+$0x8340] =	vst v57  }
0x169: {  	v55 =	vadd.f32 v59, v23;
	v23 =	vmul.f32 $1.131370830e+01, v0;
	v0 =	vld [tilespmem:$0x1FDF0];
	_ =	sdelay $0x4  }
0x16a: {  	v33 =	vmul.f32 $1.131370830e+01, v0;
	v0 =	vld [tilespmem:$0x1FE00]  }
0x16b: {  	v7 =	vld [tilespmem:s31+$0x85A0];
	v25 =	vmul.f32 $1.131370830e+01, v1  }
0x16c: {  	v8 =	vld [tilespmem:s31+$0x45B0]  }
0x16d: {  	v29 =	vadd.f32 v25, v21;
	v25 =	vld [tilespmem:s31+$0x85C0]  }
0x16e: {  	v21 =	vld [tilespmem:s31+$0x85B0]  }
0x16f: {  	v22 =	vmul.f32 $1.131370830e+01, v0;
	v0 =	vld [tilespmem:s31+$0x45D0]  }
0x170: {  	v45 =	vadd.f32 v63, v45;
	v63 =	vld [tilespmem:s31+$0x510]  }
0x171: {  	v36 =	vld [tilespmem:s31+$0x45C0]  }
0x172: {  	v53 =	vadd.f32 v31, v37;
	v31 =	vld [tilespmem:s31+$0x520]  }
0x173: {  	v37 =	vld [tilespmem:s31+$0x540]  }
0x174: {  	v54 =	vadd.f32 v19, v32;
	v19 =	vld [tilespmem:s31+$0x530];
	[tilespmem:$0x1FF40] =	vst v0  }
0x175: {  	[tilespmem:s31+$0x4350] =	vst v60  }
0x176: {  	v0 =	vld [tilespmem:$0x1FE10];
	_ =	sdelay $0x3  }
0x177: {  	[tilespmem:s31+$0x8350] =	vst v61  }
0x178: {  	v56 =	vadd.f32 v18, v63;
	v18 =	vmul.f32 $1.131370830e+01, v0;
	v0 =	vld [tilespmem:$0x1FE20];
	_ =	sdelay $0x4  }
0x179: {  	v57 =	vadd.f32 v33, v31;
	v60 =	vadd.f32 v23, v31;
	v31 =	vmul.f32 $1.131370830e+01, v0;
	v0 =	vld [tilespmem:s31+$0x85D0];
	_ =	sdelay $0x4  }
0x17a: {  	v23 =	vld [tilespmem:s31+$0x550];
	[tilespmem:$0x1FF60] =	vst v0  }
0x17b: {  	[tilespmem:s31+$0x4360] =	vst v58  }
0x17c: {  	v0 =	vld [tilespmem:$0x1FE30];
	_ =	sdelay $0x4  }
0x17d: {  	v58 =	vadd.f32 v18, v19;
	v18 =	vmul.f32 $1.131370830e+01, v0;
	v0 =	vld [tilespmem:$0x1FE40];
	_ =	sdelay $0x3  }
0x17e: {  	[tilespmem:s31+$0x8360] =	vst v62  }
0x17f: {  	v61 =	vadd.f32 v22, v19;
	v19 =	vmul.f32 $1.131370830e+01, v0;
	v0 =	vld [tilespmem:$0x1FE50];
	_ =	sdelay $0x4  }
0x180: {  	v27 =	vmul.f32 $1.131370830e+01, v0;
	v0 =	vld [tilespmem:$0x1FE60];
	_ =	sdelay $0x4  }
0x181: {  	v59 =	vadd.f32 v40, v63;
	v40 =	vmul.f32 $1.131370830e+01, v0;
	v0 =	vld [tilespmem:s31+$0x45E0];
	_ =	sdelay $0x3  }
0x182: {  	v22 =	vld [tilespmem:s31+$0x560]  }
0x183: {  	[tilespmem:$0x1FF80] =	vst v0;
	v0 =	vld [tilespmem:$0x1FE70];
	_ =	sdelay $0x4  }
0x184: {  	[tilespmem:s31+$0x4370] =	vst v0  }
0x185: {  	v0 =	vld [tilespmem:$0x1FE80];
	_ =	sdelay $0x4  }
0x186: {  	v63 =	vadd.f32 v31, v37;
	v62 =	vadd.f32 v18, v37;
	v37 =	vmul.f32 $1.131370830e+01, v0;
	v0 =	vld [tilespmem:$0x1FE90];
	_ =	sdelay $0x4  }
0x187: {  	v31 =	vmul.f32 $1.131370830e+01, v0;
	v0 =	vld [tilespmem:$0x1FEA0];
	_ =	sdelay $0x4  }
0x188: {  	[tilespmem:s31+$0x8370] =	vst v0  }
0x189: {  	v0 =	vld [tilespmem:$0x1FEB0];
	_ =	sdelay $0x4  }
0x18a: {  	v33 =	vmul.f32 $1.131370830e+01, v0;
	v0 =	vld [tilespmem:$0x1FEC0];
	_ =	sdelay $0x4  }
0x18b: {  	v0 =	vmul.f32 $1.131370830e+01, v0;
	_ =	sdelay $0x1  }
0x18c: {  	v24 =	vld [tilespmem:s31+$0x570];
	[tilespmem:$0x1FFA0] =	vst v0  }
0x18d: {  	v0 =	vld [tilespmem:s31+$0x85E0];
	_ =	sdelay $0x4  }
0x18e: {  	[tilespmem:$0x1FFD0] =	vst v0;
	v0 =	vld [tilespmem:$0x1FED0];
	_ =	sdelay $0x4  }
0x18f: {  	[tilespmem:s31+$0x4380] =	vst v0  }
0x190: {  	v0 =	vld [tilespmem:$0x1FEE0];
	_ =	sdelay $0x4  }
0x191: {  	v0 =	vmul.f32 $1.131370830e+01, v0;
	_ =	sdelay $0x1  }
0x192: {  	[tilespmem:$0x1FFC0] =	vst v0;
	v0 =	vld [tilespmem:$0x1FEF0];
	_ =	sdelay $0x4  }
0x193: {  	v1 =	vmul.f32 $1.131370830e+01, v0;
	v0 =	vld [tilespmem:$0x1FF00];
	_ =	sdelay $0x4  }
0x194: {  	[tilespmem:s31+$0x8380] =	vst v0  }
0x195: {  	v0 =	vld [tilespmem:$0x1FF10];
	_ =	sdelay $0x4  }
0x196: {  	[tilespmem:s31+$0x4390] =	vst v0  }
0x197: {  	v0 =	vld [tilespmem:$0x1FF20];
	_ =	sdelay $0x4  }
0x198: {  	[tilespmem:s31+$0x8390] =	vst v0  }
0x199: {  	v0 =	vld [tilespmem:$0x1FF30];
	_ =	sdelay $0x4  }
0x19a: {  	[tilespmem:s31+$0x43A0] =	vst v0  }
0x19b: {  	v0 =	vld [tilespmem:$0x1FF40];
	_ =	sdelay $0x4  }
0x19c: {  	v26 =	vmul.f32 $1.131370830e+01, v25;
	v25 =	vmul.f32 $1.131370830e+01, v0;
	v0 =	vld [tilespmem:$0x1FF50];
	_ =	sdelay $0x4  }
0x19d: {  	[tilespmem:s31+$0x83A0] =	vst v0  }
0x19e: {  	v0 =	vld [tilespmem:$0x1FF60];
	_ =	sdelay $0x1  }
0x19f: {  	v19 =	vadd.f32 v19, v23;
	v28 =	vld [tilespmem:s31+$0x580]  }
0x1a0: {  	v4 =	vmul.f32 $1.131370830e+01, v5;
	v18 =	vadd.f32 v27, v23;
	v23 =	vadd.f32 v40, v22;
	v40 =	vld [tilespmem:s31+$0x45F0]  }
0x1a1: {  	v5 =	vmul.f32 $1.131370830e+01, v7;
	v7 =	vmul.f32 $1.131370830e+01, v8;
	v22 =	vadd.f32 v37, v22;
	v37 =	vld [tilespmem:s31+$0x590]  }
0x1a2: {  	v8 =	vmul.f32 $1.131370830e+01, v36;
	v36 =	vld [tilespmem:s31+$0x5A0];
	v0 =	vmul.f32 $1.131370830e+01, v0  }
0x1a3: {  	v27 =	vadd.f32 v31, v24;
	v24 =	vadd.f32 v33, v24;
	v33 =	vld [tilespmem:s31+$0x5B0]  }
0x1a4: {  	[tilespmem:$0x1FF70] =	vst v0;
	v0 =	vld [tilespmem:$0x1FF80];
	_ =	sdelay $0x4  }
0x1a5: {  	v0 =	vmul.f32 $1.131370830e+01, v0;
	_ =	sdelay $0x1  }
0x1a6: {  	[tilespmem:$0x1FF90] =	vst v0;
	v0 =	vld [tilespmem:$0x1FFA0];
	_ =	sdelay $0x4  }
0x1a7: {  	v31 =	vadd.f32 v0, v28;
	v0 =	vld [tilespmem:$0x1FFB0];
	_ =	sdelay $0x4  }
0x1a8: {  	[tilespmem:s31+$0x43B0] =	vst v0  }
0x1a9: {  	v0 =	vld [tilespmem:$0x1FFC0];
	_ =	sdelay $0x4  }
0x1aa: {  	v28 =	vadd.f32 v0, v28;
	v0 =	vld [tilespmem:$0x1FFD0];
	_ =	sdelay $0x4  }
0x1ab: {  	v0 =	vmul.f32 $1.131370830e+01, v0;
	_ =	sdelay $0x1  }
0x1ac: {  	v32 =	vld [tilespmem:s31+$0x5C0];
	[tilespmem:$0x1FFE0] =	vst v0;
	v0 =	vmul.f32 $1.131370830e+01, v40;
	_ =	sdelay $0x1  }
0x1ad: {  	[tilespmem:$0x1FFF0] =	vst v0  }
0x1ae: {  	s0 =	simm.s32 $0x8;
	v3 =	vmul.f32 $1.131370830e+01, v3;
	v21 =	vmul.f32 $1.131370830e+01, v21;
	v40 =	vld [tilespmem:s31+$0x5D0]  }
.LBB2_2:
0x1af: {  	v0 =	vld [tilespmem:$0x1FA80];
	_ =	sdelay $0x4  }
0x1b0: {  	[tilespmem:s31+$0x83B0] =	vst v0;
	v0 =	vadd.f32 v1, v37  }
0x1b1: {  	[tilespmem:s31+$0x43C0] =	vst v20;
	v20 =	vadd.f32 v3, v36;
	v3 =	vld [tilespmem:$0x1FB00];
	v1 =	vadd.f32 v5, v36  }
0x1b2: {  	[tilespmem:$0x1F460] =	vst v0  }
0x1b3: {  	v0 =	vadd.f32 v4, v37;
	v37 =	vld [tilespmem:s31+$0x5E0];
	[tilespmem:$0x1F480] =	vst v1;
	v1 =	vadd.f32 v21, v33  }
0x1b4: {  	v4 =	vld [tilespmem:$0x1FB10]  }
0x1b5: {  	[tilespmem:$0x1F490] =	vst v1;
	v1 =	vld [tilespmem:$0x1FAE0]  }
0x1b6: {  	[tilespmem:s31+$0x43E0] =	vst v3;
	v3 =	vld [tilespmem:$0x1FF90]  }
0x1b7: {  	s1 =	sshll.u32 s0, $0x7  }
0x1b8: {  	[tilespmem:$0x1F470] =	vst v0;
	v0 =	vld [tilespmem:s1+$0x85F0]  }
0x1b9: {  	[tilespmem:s31+$0x83E0] =	vst v4;
	v4 =	vld [tilespmem:$0x1FFF0]  }
0x1ba: {  	[tilespmem:s31+$0x83D0] =	vst v1;
	v1 =	vld [tilespmem:$0x1FF70]  }
0x1bb: {  	v21 =	vadd.f32 v3, v37;
	v3 =	vld [tilespmem:$0x1FFE0];
	_ =	sdelay $0x1  }
0x1bc: {  	[tilespmem:s31+$0x83C0] =	vst v10;
	v10 =	vadd.f32 v7, v33;
	v33 =	vld [tilespmem:s1+$0x5F0]  }
0x1bd: {  	[tilespmem:s31+$0x43D0] =	vst v13;
	v8 =	vadd.f32 v8, v32;
	v13 =	vadd.f32 v26, v32;
	v5 =	vld [tilespmem:s1+$0x4200]  }
0x1be: {  	v32 =	vadd.f32 v25, v40;
	v36 =	vadd.f32 v1, v40;
	v1 =	vld [tilespmem:s1+$0x4210]  }
0x1bf: {  	v0 =	vmul.f32 $1.131370830e+01, v0;
	v40 =	vadd.f32 v3, v37;
	v37 =	vadd.f32 v4, v6;
	v4 =	vld [tilespmem:$0x1FB60]  }
0x1c0: {  	v6 =	vld [tilespmem:$0x1FB80]  }
0x1c1: {  	v0 =	vadd.f32 v0, v33;
	v3 =	vld [tilespmem:s1+$0x8210]  }
0x1c2: {  	[tilespmem:s31+$0x43F0] =	vst v14  }
0x1c3: {  	v14 =	vld [tilespmem:s1+$0x8220];
	[tilespmem:s1+$0x85F0] =	vst v0  }
0x1c4: {  	v7 =	vld [tilespmem:s1+$0x8200];
	[tilespmem:s31+$0x83F0] =	vst v4  }
0x1c5: {  	v25 =	vmul.f32 $1.131370830e+01, v5;
	v5 =	vld [tilespmem:s1+$0x4220];
	v4 =	vmov v33;
	[tilespmem:s31+$0x4400] =	vst v6;
	v1 =	vmul.f32 $1.131370830e+01, v1  }
0x1c6: {  	v0 =	vmul.f32 $1.131370830e+01, v3;
	[tilespmem:$0x1F920] =	vst v4;
	v4 =	vld [tilespmem:s1+$0x4230]  }
0x1c7: {  	[tilespmem:$0x1F4A0] =	vst v1;
	v1 =	vld [tilespmem:s1+$0x8230]  }
0x1c8: {  	[tilespmem:$0x1F4B0] =	vst v0;
	v0 =	vld [tilespmem:s1+$0x4240]  }
0x1c9: {  	v3 =	vld [tilespmem:$0x1FB90];
	[tilespmem:s31+$0x4420] =	vst v15  }
0x1ca: {  	[tilespmem:s31+$0x4430] =	vst v2  }
0x1cb: {  	[tilespmem:s31+$0x4440] =	vst v16  }
0x1cc: {  	[tilespmem:s31+$0x8440] =	vst v12  }
0x1cd: {  	[tilespmem:s31+$0x4450] =	vst v29  }
0x1ce: {  	[tilespmem:s31+$0x8450] =	vst v11  }
0x1cf: {  	[tilespmem:s31+$0x4460] =	vst v30  }
0x1d0: {  	[tilespmem:s31+$0x8460] =	vst v17  }
0x1d1: {  	[tilespmem:s31+$0x4470] =	vst v34  }
0x1d2: {  	[tilespmem:s31+$0x8470] =	vst v9  }
0x1d3: {  	[tilespmem:s31+$0x4480] =	vst v41  }
0x1d4: {  	[tilespmem:s31+$0x8480] =	vst v35  }
0x1d5: {  	[tilespmem:s31+$0x4490] =	vst v42  }
0x1d6: {  	[tilespmem:s31+$0x8490] =	vst v38  }
0x1d7: {  	[tilespmem:s31+$0x44A0] =	vst v43;
	v0 =	vmul.f32 $1.131370830e+01, v0  }
0x1d8: {  	[tilespmem:s31+$0x8400] =	vst v3;
	v3 =	vmul.f32 $1.131370830e+01, v5;
	v5 =	vld [tilespmem:$0x1FBB0]  }
0x1d9: {  	[tilespmem:$0x1F4E0] =	vst v0;
	v0 =	vld [tilespmem:s1+$0x8260]  }
0x1da: {  	[tilespmem:$0x1F4C0] =	vst v3;
	v3 =	vld [tilespmem:s1+$0x8240]  }
0x1db: {  	[tilespmem:s31+$0x84A0] =	vst v39  }
0x1dc: {  	[tilespmem:s31+$0x44B0] =	vst v47  }
0x1dd: {  	[tilespmem:s31+$0x84B0] =	vst v44  }
0x1de: {  	[tilespmem:s31+$0x44C0] =	vst v48;
	v0 =	vmul.f32 $1.131370830e+01, v0  }
0x1df: {  	[tilespmem:s31+$0x4410] =	vst v5;
	v5 =	vld [tilespmem:s1+$0x4250];
	v2 =	vmul.f32 $1.131370830e+01, v3  }
0x1e0: {  	[tilespmem:$0x1F520] =	vst v0;
	v0 =	vld [tilespmem:s1+$0x4290]  }
0x1e1: {  	v4 =	vmul.f32 $1.131370830e+01, v4;
	[tilespmem:$0x1F4F0] =	vst v2;
	v2 =	vld [tilespmem:$0x1FC30]  }
0x1e2: {  	[tilespmem:s31+$0x84C0] =	vst v45;
	v15 =	vmul.f32 $1.131370830e+01, v1;
	v1 =	vld [tilespmem:s1+$0x4260]  }
0x1e3: {  	[tilespmem:$0x1F4D0] =	vst v4;
	v4 =	vld [tilespmem:s1+$0x8250]  }
0x1e4: {  	[tilespmem:s31+$0x44D0] =	vst v49;
	v3 =	vld [tilespmem:s1+$0x4270]  }
0x1e5: {  	[tilespmem:s31+$0x84D0] =	vst v46;
	v0 =	vmul.f32 $1.131370830e+01, v0  }
0x1e6: {  	[tilespmem:s31+$0x8430] =	vst v2;
	v2 =	vmul.f32 $1.131370830e+01, v5;
	v5 =	vld [tilespmem:s1+$0x8270]  }
0x1e7: {  	[tilespmem:$0x1F570] =	vst v0;
	v0 =	vld [tilespmem:s1+$0x82B0]  }
0x1e8: {  	[tilespmem:s31+$0x44E0] =	vst v53;
	v1 =	vmul.f32 $1.131370830e+01, v1;
	v16 =	vmul.f32 $1.131370830e+01, v4;
	v4 =	vld [tilespmem:s1+$0x4280]  }
0x1e9: {  	[tilespmem:$0x1F500] =	vst v2;
	v2 =	vmul.f32 $1.131370830e+01, v3  }
0x1ea: {  	[tilespmem:$0x1F510] =	vst v1;
	v3 =	vld [tilespmem:s1+$0x8290]  }
0x1eb: {  	v1 =	vld [tilespmem:s1+$0x8280];
	[tilespmem:$0x1F530] =	vst v2;
	v2 =	vmul.f32 $1.131370830e+01, v5  }
0x1ec: {  	[tilespmem:s31+$0x84E0] =	vst v50;
	v5 =	vld [tilespmem:s1+$0x42A0];
	v0 =	vmul.f32 $1.131370830e+01, v0  }
0x1ed: {  	[tilespmem:$0x1F540] =	vst v2;
	v2 =	vmul.f32 $1.131370830e+01, v4  }
0x1ee: {  	v4 =	vld [tilespmem:s1+$0x82A0];
	[tilespmem:$0x1F5C0] =	vst v0  }
0x1ef: {  	v0 =	vld [tilespmem:s1+$0x42E0];
	[tilespmem:$0x1F550] =	vst v2;
	v2 =	vmul.f32 $1.131370830e+01, v3  }
0x1f0: {  	[tilespmem:s31+$0x44F0] =	vst v54;
	v1 =	vmul.f32 $1.131370830e+01, v1  }
0x1f1: {  	v3 =	vld [tilespmem:s1+$0x42C0];
	[tilespmem:$0x1F580] =	vst v2;
	v2 =	vmul.f32 $1.131370830e+01, v5  }
0x1f2: {  	[tilespmem:$0x1F560] =	vst v1;
	v1 =	vld [tilespmem:s1+$0x42B0]  }
0x1f3: {  	v5 =	vld [tilespmem:s1+$0x82C0];
	[tilespmem:$0x1F590] =	vst v2;
	v2 =	vmul.f32 $1.131370830e+01, v4  }
0x1f4: {  	[tilespmem:s31+$0x84F0] =	vst v51;
	v0 =	vmul.f32 $1.131370830e+01, v0  }
0x1f5: {  	v4 =	vld [tilespmem:s1+$0x42D0];
	[tilespmem:$0x1F5A0] =	vst v2  }
0x1f6: {  	v2 =	vmul.f32 $1.131370830e+01, v3;
	[tilespmem:$0x1F610] =	vst v0;
	v0 =	vld [tilespmem:s1+$0x8300]  }
0x1f7: {  	[tilespmem:s31+$0x4500] =	vst v55;
	v1 =	vmul.f32 $1.131370830e+01, v1  }
0x1f8: {  	v3 =	vld [tilespmem:s1+$0x82E0];
	[tilespmem:$0x1F5D0] =	vst v2;
	v2 =	vmul.f32 $1.131370830e+01, v5  }
0x1f9: {  	[tilespmem:$0x1F5B0] =	vst v1;
	v1 =	vld [tilespmem:s1+$0x82D0]  }
0x1fa: {  	v5 =	vld [tilespmem:s1+$0x42F0];
	[tilespmem:$0x1F5E0] =	vst v2;
	v2 =	vmul.f32 $1.131370830e+01, v4  }
0x1fb: {  	[tilespmem:s31+$0x8500] =	vst v52;
	v0 =	vmul.f32 $1.131370830e+01, v0  }
0x1fc: {  	v4 =	vld [tilespmem:s1+$0x82F0];
	[tilespmem:$0x1F5F0] =	vst v2  }
0x1fd: {  	v2 =	vmul.f32 $1.131370830e+01, v3;
	[tilespmem:$0x1F660] =	vst v0;
	v0 =	vld [tilespmem:s1+$0x4330]  }
0x1fe: {  	[tilespmem:s31+$0x4510] =	vst v59;
	v1 =	vmul.f32 $1.131370830e+01, v1  }
0x1ff: {  	v3 =	vld [tilespmem:s1+$0x4310];
	[tilespmem:$0x1F620] =	vst v2;
	v2 =	vmul.f32 $1.131370830e+01, v5  }
0x200: {  	[tilespmem:$0x1F600] =	vst v1;
	v1 =	vld [tilespmem:s1+$0x4300]  }
0x201: {  	v5 =	vld [tilespmem:s1+$0x8310];
	[tilespmem:$0x1F630] =	vst v2;
	v2 =	vmul.f32 $1.131370830e+01, v4  }
0x202: {  	[tilespmem:s31+$0x8510] =	vst v56;
	v0 =	vmul.f32 $1.131370830e+01, v0  }
0x203: {  	v4 =	vld [tilespmem:s1+$0x4320];
	[tilespmem:$0x1F640] =	vst v2  }
0x204: {  	v2 =	vmul.f32 $1.131370830e+01, v3;
	[tilespmem:$0x1F6B0] =	vst v0;
	v0 =	vld [tilespmem:s1+$0x8350]  }
0x205: {  	[tilespmem:s31+$0x4520] =	vst v60;
	v1 =	vmul.f32 $1.131370830e+01, v1  }
0x206: {  	v3 =	vld [tilespmem:s1+$0x8330];
	[tilespmem:$0x1F670] =	vst v2;
	v2 =	vmul.f32 $1.131370830e+01, v5  }
0x207: {  	[tilespmem:$0x1F650] =	vst v1;
	v1 =	vld [tilespmem:s1+$0x8320]  }
0x208: {  	v5 =	vld [tilespmem:s1+$0x4340];
	[tilespmem:$0x1F680] =	vst v2;
	v2 =	vmul.f32 $1.131370830e+01, v4  }
0x209: {  	[tilespmem:s31+$0x8520] =	vst v57;
	v0 =	vmul.f32 $1.131370830e+01, v0  }
0x20a: {  	v4 =	vld [tilespmem:s1+$0x8340];
	[tilespmem:$0x1F690] =	vst v2  }
0x20b: {  	v2 =	vmul.f32 $1.131370830e+01, v3;
	[tilespmem:$0x1F700] =	vst v0;
	v0 =	vld [tilespmem:s1+$0x4380]  }
0x20c: {  	[tilespmem:s31+$0x4530] =	vst v61;
	v1 =	vmul.f32 $1.131370830e+01, v1  }
0x20d: {  	v3 =	vld [tilespmem:s1+$0x4360];
	[tilespmem:$0x1F6C0] =	vst v2;
	v2 =	vmul.f32 $1.131370830e+01, v5  }
0x20e: {  	[tilespmem:$0x1F6A0] =	vst v1;
	v1 =	vld [tilespmem:s1+$0x4350]  }
0x20f: {  	v5 =	vld [tilespmem:s1+$0x8360];
	[tilespmem:$0x1F6D0] =	vst v2;
	v2 =	vmul.f32 $1.131370830e+01, v4  }
0x210: {  	[tilespmem:s31+$0x8530] =	vst v58;
	v0 =	vmul.f32 $1.131370830e+01, v0  }
0x211: {  	v4 =	vld [tilespmem:s1+$0x4370];
	[tilespmem:$0x1F6E0] =	vst v2  }
0x212: {  	v2 =	vmul.f32 $1.131370830e+01, v3;
	[tilespmem:$0x1F750] =	vst v0;
	v0 =	vld [tilespmem:s1+$0x83A0]  }
0x213: {  	[tilespmem:s31+$0x4540] =	vst v63;
	v1 =	vmul.f32 $1.131370830e+01, v1;
	v3 =	vld [tilespmem:s1+$0x8380]  }
0x214: {  	[tilespmem:$0x1F710] =	vst v2;
	v2 =	vmul.f32 $1.131370830e+01, v5  }
0x215: {  	[tilespmem:$0x1F6F0] =	vst v1;
	v1 =	vld [tilespmem:s1+$0x8370]  }
0x216: {  	v5 =	vld [tilespmem:s1+$0x4390];
	[tilespmem:$0x1F720] =	vst v2;
	v2 =	vmul.f32 $1.131370830e+01, v4  }
0x217: {  	[tilespmem:s31+$0x8540] =	vst v62;
	v0 =	vmul.f32 $1.131370830e+01, v0  }
0x218: {  	[tilespmem:$0x1F730] =	vst v2;
	v2 =	vmul.f32 $1.131370830e+01, v3;
	v3 =	vld [tilespmem:s1+$0x43B0]  }
0x219: {  	[tilespmem:$0x1F7A0] =	vst v0;
	v0 =	vld [tilespmem:$0x1F470]  }
0x21a: {  	[tilespmem:s31+$0x4550] =	vst v19  }
0x21b: {  	v1 =	vmul.f32 $1.131370830e+01, v1;
	[tilespmem:$0x1F760] =	vst v2;
	v2 =	vmul.f32 $1.131370830e+01, v5;
	v5 =	vld [tilespmem:s1+$0x83B0]  }
0x21c: {  	[tilespmem:s31+$0x8550] =	vst v18;
	v4 =	vld [tilespmem:s1+$0x8390]  }
0x21d: {  	[tilespmem:$0x1F740] =	vst v1;
	v1 =	vld [tilespmem:s1+$0x43A0]  }
0x21e: {  	[tilespmem:s31+$0x8590] =	vst v0;
	v0 =	vmul.f32 $1.131370830e+01, v3  }
0x21f: {  	[tilespmem:s31+$0x4560] =	vst v23  }
0x220: {  	v6 =	vld [tilespmem:$0x1FBC0];
	[tilespmem:$0x1F7B0] =	vst v0;
	v0 =	vmul.f32 $1.131370830e+01, v5  }
0x221: {  	[tilespmem:$0x1F770] =	vst v2;
	v2 =	vmul.f32 $1.131370830e+01, v4;
	v4 =	vld [tilespmem:s1+$0x43C0]  }
0x222: {  	v1 =	vmul.f32 $1.131370830e+01, v1;
	[tilespmem:$0x1F7C0] =	vst v0;
	v0 =	vld [tilespmem:$0x1F480]  }
0x223: {  	[tilespmem:s31+$0x8560] =	vst v22  }
0x224: {  	[tilespmem:$0x1F790] =	vst v1;
	v1 =	vld [tilespmem:s1+$0x83C0]  }
0x225: {  	[tilespmem:s31+$0x8410] =	vst v6;
	v6 =	vld [tilespmem:$0x1FC10]  }
0x226: {  	[tilespmem:s31+$0x4570] =	vst v27  }
0x227: {  	[tilespmem:s31+$0x85A0] =	vst v0;
	v0 =	vmul.f32 $1.131370830e+01, v4  }
0x228: {  	[tilespmem:s31+$0x8570] =	vst v24  }
0x229: {  	[tilespmem:$0x1F7D0] =	vst v0;
	v0 =	vmul.f32 $1.131370830e+01, v1  }
0x22a: {  	[tilespmem:s31+$0x8420] =	vst v6;
	v6 =	vld [tilespmem:s1+$0x43D0]  }
0x22b: {  	[tilespmem:$0x1F7E0] =	vst v0;
	v0 =	vld [tilespmem:$0x1F490]  }
0x22c: {  	[tilespmem:s31+$0x4580] =	vst v31  }
0x22d: {  	[tilespmem:s31+$0x8580] =	vst v28;
	v3 =	vld [tilespmem:s1+$0x83D0]  }
0x22e: {  	[tilespmem:s31+$0x45A0] =	vst v20  }
0x22f: {  	[tilespmem:s31+$0x45B0] =	vst v10;
	v5 =	vld [tilespmem:s1+$0x43E0]  }
0x230: {  	[tilespmem:s31+$0x85B0] =	vst v0;
	v0 =	vmul.f32 $1.131370830e+01, v6  }
0x231: {  	[tilespmem:s31+$0x45C0] =	vst v8;
	v4 =	vld [tilespmem:s1+$0x83E0]  }
0x232: {  	[tilespmem:$0x1F7F0] =	vst v0;
	v0 =	vmul.f32 $1.131370830e+01, v3  }
0x233: {  	v26 =	vmul.f32 $1.131370830e+01, v7;
	v7 =	vld [tilespmem:s1+$0x43F0];
	[tilespmem:s31+$0x85C0] =	vst v13  }
0x234: {  	[tilespmem:$0x1F800] =	vst v0;
	v0 =	vmul.f32 $1.131370830e+01, v5  }
0x235: {  	[tilespmem:s31+$0x45D0] =	vst v32;
	v6 =	vld [tilespmem:s1+$0x83F0]  }
0x236: {  	[tilespmem:$0x1F810] =	vst v0;
	v0 =	vmul.f32 $1.131370830e+01, v4  }
0x237: {  	[tilespmem:s31+$0x85D0] =	vst v36;
	v8 =	vld [tilespmem:s1+$0x4400]  }
0x238: {  	[tilespmem:$0x1F820] =	vst v0;
	v0 =	vmul.f32 $1.131370830e+01, v7  }
0x239: {  	[tilespmem:$0x1F780] =	vst v2;
	v5 =	vld [tilespmem:s1+$0x8400]  }
0x23a: {  	v2 =	vld [tilespmem:$0x1F460];
	[tilespmem:$0x1F830] =	vst v0;
	v0 =	vmul.f32 $1.131370830e+01, v6  }
0x23b: {  	[tilespmem:s31+$0x45E0] =	vst v21;
	v9 =	vld [tilespmem:s1+$0x4410]  }
0x23c: {  	[tilespmem:$0x1F840] =	vst v0;
	v0 =	vmul.f32 $1.131370830e+01, v8  }
0x23d: {  	[tilespmem:s31+$0x85E0] =	vst v40;
	v7 =	vld [tilespmem:s1+$0x8410]  }
0x23e: {  	[tilespmem:$0x1F850] =	vst v0;
	v0 =	vmul.f32 $1.131370830e+01, v5  }
0x23f: {  	[tilespmem:s31+$0x4590] =	vst v2;
	v2 =	vld [tilespmem:s1+$0x4420]  }
0x240: {  	[tilespmem:$0x1F860] =	vst v0;
	v0 =	vmul.f32 $1.131370830e+01, v9  }
0x241: {  	[tilespmem:s31+$0x45F0] =	vst v37;
	v11 =	vld [tilespmem:s1+$0x8420]  }
0x242: {  	s31 =	smov.u32 s1;
	[tilespmem:$0x1F870] =	vst v0;
	v0 =	vmul.f32 $1.131370830e+01, v7  }
0x243: {  	v12 =	vld [tilespmem:s31+$0x4430]  }
0x244: {  	[tilespmem:$0x1F880] =	vst v0;
	v0 =	vmul.f32 $1.131370830e+01, v2  }
0x245: {  	v13 =	vld [tilespmem:s31+$0x8430]  }
0x246: {  	[tilespmem:$0x1F890] =	vst v0;
	v0 =	vmul.f32 $1.131370830e+01, v11  }
0x247: {  	v17 =	vld [tilespmem:s31+$0x4440]  }
0x248: {  	v18 =	vld [tilespmem:s31+$0x4450];
	[tilespmem:$0x1F8A0] =	vst v0;
	v0 =	vmul.f32 $1.131370830e+01, v12  }
0x249: {  	v2 =	vld [tilespmem:s31+$0x8440]  }
0x24a: {  	[tilespmem:$0x1F8B0] =	vst v0;
	v0 =	vmul.f32 $1.131370830e+01, v13  }
0x24b: {  	v19 =	vld [tilespmem:s31+$0x4460]  }
0x24c: {  	v12 =	vld [tilespmem:s31+$0x8450];
	[tilespmem:$0x1F8C0] =	vst v0;
	v0 =	vmul.f32 $1.131370830e+01, v17  }
0x24d: {  	v20 =	vld [tilespmem:s31+$0x8460]  }
0x24e: {  	v29 =	vmul.f32 $1.131370830e+01, v2;
	v2 =	vld [tilespmem:s31+$0x4470];
	[tilespmem:$0x1F8D0] =	vst v0;
	v0 =	vmul.f32 $1.131370830e+01, v18  }
0x24f: {  	v18 =	vld [tilespmem:s31+$0x8470]  }
0x250: {  	[tilespmem:$0x1F8E0] =	vst v0;
	v0 =	vmul.f32 $1.131370830e+01, v19  }
0x251: {  	v30 =	vmul.f32 $1.131370830e+01, v12;
	v12 =	vld [tilespmem:s31+$0x4480]  }
0x252: {  	[tilespmem:$0x1F8F0] =	vst v0;
	v0 =	vmul.f32 $1.131370830e+01, v20  }
0x253: {  	v20 =	vld [tilespmem:s31+$0x4490]  }
0x254: {  	v41 =	vmul.f32 $1.131370830e+01, v18;
	v18 =	vld [tilespmem:s31+$0x44A0];
	[tilespmem:$0x1F900] =	vst v0;
	v0 =	vmul.f32 $1.131370830e+01, v2  }
0x255: {  	v2 =	vld [tilespmem:s31+$0x8490]  }
0x256: {  	[tilespmem:$0x1F910] =	vst v0;
	v0 =	vmul.f32 $1.131370830e+01, v12;
	v12 =	vld [tilespmem:s31+$0x84A0];
	_ =	sdelay $0x1  }
0x257: {  	v42 =	vmul.f32 $1.131370830e+01, v20;
	v20 =	vld [tilespmem:s31+$0x84B0]  }
0x258: {  	v43 =	vmul.f32 $1.131370830e+01, v18;
	v18 =	vld [tilespmem:s31+$0x84C0]  }
0x259: {  	v38 =	vmul.f32 $1.131370830e+01, v2;
	v2 =	vld [tilespmem:s31+$0x44C0]  }
0x25a: {  	v39 =	vmul.f32 $1.131370830e+01, v12;
	v12 =	vld [tilespmem:s31+$0x44D0];
	_ =	sdelay $0x1  }
0x25b: {  	v44 =	vmul.f32 $1.131370830e+01, v20;
	v20 =	vld [tilespmem:s31+$0x44E0];
	_ =	sdelay $0x1  }
0x25c: {  	v49 =	vmul.f32 $1.131370830e+01, v18;
	v18 =	vld [tilespmem:s31+$0x44F0]  }
0x25d: {  	[tilespmem:$0x1F930] =	vst v0;
	v48 =	vmul.f32 $1.131370830e+01, v2;
	v2 =	vld [tilespmem:s31+$0x84E0];
	v0 =	vmul.f32 $1.131370830e+01, v12;
	_ =	sdelay $0x1  }
0x25e: {  	v12 =	vld [tilespmem:s31+$0x84F0];
	[tilespmem:$0x1F940] =	vst v0;
	v0 =	vmul.f32 $1.131370830e+01, v20  }
0x25f: {  	v20 =	vld [tilespmem:s31+$0x8500]  }
0x260: {  	[tilespmem:$0x1F950] =	vst v0;
	v0 =	vmul.f32 $1.131370830e+01, v18;
	v18 =	vld [tilespmem:s31+$0x8510]  }
0x261: {  	v54 =	vmul.f32 $1.131370830e+01, v2;
	v2 =	vld [tilespmem:s31+$0x4510];
	_ =	sdelay $0x1  }
0x262: {  	v51 =	vmul.f32 $1.131370830e+01, v12;
	v12 =	vld [tilespmem:s31+$0x4520]  }
0x263: {  	v59 =	vmul.f32 $1.131370830e+01, v20;
	v20 =	vld [tilespmem:s31+$0x4530]  }
0x264: {  	v56 =	vmul.f32 $1.131370830e+01, v18;
	v18 =	vld [tilespmem:s31+$0x4540]  }
0x265: {  	[tilespmem:$0x1F960] =	vst v0;
	v0 =	vmul.f32 $1.131370830e+01, v2;
	v2 =	vld [tilespmem:s31+$0x8530]  }
0x266: {  	v22 =	vld [tilespmem:s31+$0x4550];
	_ =	sdelay $0x1  }
0x267: {  	v61 =	vmul.f32 $1.131370830e+01, v20;
	v20 =	vld [tilespmem:s31+$0x8550]  }
0x268: {  	[tilespmem:$0x1F970] =	vst v0;
	v60 =	vmul.f32 $1.131370830e+01, v12;
	v12 =	vld [tilespmem:s31+$0x8540];
	v0 =	vmul.f32 $1.131370830e+01, v18  }
0x269: {  	v58 =	vmul.f32 $1.131370830e+01, v2;
	v2 =	vld [tilespmem:s31+$0x4560]  }
0x26a: {  	[tilespmem:$0x1F980] =	vst v0;
	v0 =	vmul.f32 $1.131370830e+01, v22  }
0x26b: {  	v24 =	vld [tilespmem:s31+$0x8560]  }
0x26c: {  	[tilespmem:$0x1F9A0] =	vst v0;
	v0 =	vmul.f32 $1.131370830e+01, v20  }
0x26d: {  	v62 =	vmul.f32 $1.131370830e+01, v12;
	v12 =	vld [tilespmem:s31+$0x4570]  }
0x26e: {  	[tilespmem:$0x1F9B0] =	vst v0;
	v0 =	vmul.f32 $1.131370830e+01, v2  }
0x26f: {  	v31 =	vld [tilespmem:s31+$0x8570]  }
0x270: {  	[tilespmem:$0x1F9D0] =	vst v0;
	v0 =	vmul.f32 $1.131370830e+01, v24  }
0x271: {  	v20 =	vld [tilespmem:s31+$0x4580]  }
0x272: {  	[tilespmem:$0x1F9E0] =	vst v0;
	v0 =	vmul.f32 $1.131370830e+01, v12  }
0x273: {  	v2 =	vld [tilespmem:s31+$0x8580]  }
0x274: {  	[tilespmem:$0x1FA00] =	vst v0;
	v0 =	vmul.f32 $1.131370830e+01, v31  }
0x275: {  	v36 =	vld [tilespmem:s31+$0x4590]  }
0x276: {  	[tilespmem:$0x1FA10] =	vst v0;
	v0 =	vmul.f32 $1.131370830e+01, v20  }
0x277: {  	v12 =	vld [tilespmem:s31+$0x8590]  }
0x278: {  	[tilespmem:$0x1FA30] =	vst v0;
	v0 =	vmul.f32 $1.131370830e+01, v2;
	v2 =	vld [tilespmem:s31+$0x45B0]  }
0x279: {  	v31 =	vld [tilespmem:s31+$0x45A0]  }
0x27a: {  	[tilespmem:$0x1FA40] =	vst v0;
	v0 =	vmul.f32 $1.131370830e+01, v36  }
0x27b: {  	v20 =	vld [tilespmem:s31+$0x85A0]  }
0x27c: {  	[tilespmem:$0x1F990] =	vst v0;
	v0 =	vmul.f32 $1.131370830e+01, v12;
	v12 =	vld [tilespmem:s31+$0x45C0]  }
0x27d: {  	v45 =	vmul.f32 $1.131370830e+01, v2;
	v2 =	vld [tilespmem:s31+$0x85D0]  }
0x27e: {  	[tilespmem:$0x1F9C0] =	vst v0;
	v0 =	vmul.f32 $1.131370830e+01, v31;
	v31 =	vld [tilespmem:s31+$0x85C0]  }
0x27f: {  	v40 =	vld [tilespmem:s31+$0x45E0]  }
0x280: {  	[tilespmem:$0x1FA20] =	vst v0;
	v0 =	vmul.f32 $1.131370830e+01, v20  }
0x281: {  	v52 =	vmul.f32 $1.131370830e+01, v12;
	v12 =	vld [tilespmem:s31+$0x85E0]  }
0x282: {  	[tilespmem:$0x1F9F0] =	vst v0;
	v0 =	vmul.f32 $1.131370830e+01, v2  }
0x283: {  	v50 =	vmul.f32 $1.131370830e+01, v31;
	v31 =	vld [tilespmem:s31+$0x45F0]  }
0x284: {  	v20 =	vld [tilespmem:s31+$0x45D0];
	[tilespmem:$0x1FF70] =	vst v0;
	v0 =	vmul.f32 $1.131370830e+01, v40;
	_ =	sdelay $0x1  }
0x285: {  	[tilespmem:$0x1FF90] =	vst v0;
	v0 =	vmul.f32 $1.131370830e+01, v12;
	_ =	sdelay $0x1  }
0x286: {  	v37 =	vld [tilespmem:s31+$0x85B0];
	[tilespmem:$0x1FFE0] =	vst v0;
	v0 =	vmul.f32 $1.131370830e+01, v31  }
0x287: {  	v46 =	vmul.f32 $1.131370830e+01, v20;
	v20 =	vld [tilespmem:s31+$0x210]  }
0x288: {  	[tilespmem:$0x1FFF0] =	vst v0;
	v0 =	vld [tilespmem:$0x1F4A0];
	_ =	sdelay $0x4  }
0x289: {  	v34 =	vmul.f32 $1.131370830e+01, v37;
	v37 =	vadd.f32 v0, v20;
	v0 =	vld [tilespmem:$0x1F4B0];
	_ =	sdelay $0x2  }
0x28a: {  	v63 =	vld [tilespmem:s31+$0x200]  }
0x28b: {  	v2 =	vld [tilespmem:s31+$0x220]  }
0x28c: {  	v20 =	vadd.f32 v0, v20;
	v0 =	vld [tilespmem:$0x1F4C0];
	_ =	sdelay $0x1  }
0x28d: {  	v1 =	vld [tilespmem:$0x1F4E0]  }
0x28e: {  	v32 =	vld [tilespmem:s31+$0x230];
	v31 =	vadd.f32 v25, v63  }
0x28f: {  	v12 =	vld [tilespmem:s31+$0x240]  }
0x290: {  	[tilespmem:s31+$0x4200] =	vst v31;
	v31 =	vadd.f32 v0, v2;
	v0 =	vld [tilespmem:$0x1F4D0]  }
0x291: {  	v10 =	vld [tilespmem:$0x1F5D0]  }
0x292: {  	v6 =	vld [tilespmem:$0x1F550]  }
0x293: {  	v33 =	vadd.f32 v26, v63;
	v7 =	vld [tilespmem:$0x1F570]  }
0x294: {  	v14 =	vmul.f32 $1.131370830e+01, v14;
	[tilespmem:s31+$0x4210] =	vst v37;
	v37 =	vadd.f32 v1, v12;
	v1 =	vld [tilespmem:$0x1F4F0]  }
0x295: {  	[tilespmem:s31+$0x8200] =	vst v33;
	v33 =	vadd.f32 v0, v32;
	v0 =	vld [tilespmem:s31+$0x280]  }
0x296: {  	v11 =	vld [tilespmem:$0x1F5F0];
	v4 =	vadd.f32 v14, v2  }
0x297: {  	v63 =	vld [tilespmem:s31+$0x270]  }
0x298: {  	[tilespmem:s31+$0x8220] =	vst v4;
	v4 =	vld [tilespmem:$0x1F530]  }
0x299: {  	v12 =	vadd.f32 v1, v12;
	v1 =	vld [tilespmem:s31+$0x290]  }
0x29a: {  	[tilespmem:s31+$0x4230] =	vst v33;
	v33 =	vadd.f32 v6, v0;
	v6 =	vld [tilespmem:$0x1F560]  }
0x29b: {  	v13 =	vld [tilespmem:$0x1F600]  }
0x29c: {  	v19 =	vld [tilespmem:s31+$0x8480];
	v32 =	vadd.f32 v15, v32  }
0x29d: {  	v5 =	vadd.f32 v4, v63;
	v4 =	vld [tilespmem:$0x1F540]  }
0x29e: {  	[tilespmem:s31+$0x8230] =	vst v32;
	v32 =	vadd.f32 v7, v1;
	v7 =	vld [tilespmem:$0x1F580]  }
0x29f: {  	v6 =	vadd.f32 v6, v0;
	v0 =	vld [tilespmem:s31+$0x2D0]  }
0x2a0: {  	v36 =	vld [tilespmem:s31+$0x250]  }
0x2a1: {  	v2 =	vld [tilespmem:$0x1F500]  }
0x2a2: {  	v63 =	vadd.f32 v4, v63;
	v4 =	vld [tilespmem:s31+$0x2C0]  }
0x2a3: {  	v7 =	vadd.f32 v7, v1;
	v1 =	vld [tilespmem:s31+$0x2E0]  }
0x2a4: {  	v11 =	vadd.f32 v11, v0;
	v13 =	vadd.f32 v13, v0;
	v0 =	vld [tilespmem:$0x1F610]  }
0x2a5: {  	v35 =	vmul.f32 $1.131370830e+01, v19;
	v19 =	vld [tilespmem:s31+$0x44B0]  }
0x2a6: {  	[tilespmem:s31+$0x8210] =	vst v20;
	v20 =	vadd.f32 v2, v36;
	_ =	sdelay $0x1  }
0x2a7: {  	[tilespmem:s31+$0x4250] =	vst v20;
	v20 =	vadd.f32 v10, v4;
	v10 =	vld [tilespmem:$0x1F5E0]  }
0x2a8: {  	v14 =	vadd.f32 v0, v1;
	v0 =	vld [tilespmem:$0x1F620]  }
0x2a9: {  	v47 =	vmul.f32 $1.131370830e+01, v19;
	v19 =	vld [tilespmem:s31+$0x84D0];
	_ =	sdelay $0x2  }
0x2aa: {  	v10 =	vadd.f32 v10, v4;
	v4 =	vld [tilespmem:s31+$0x310]  }
0x2ab: {  	v15 =	vadd.f32 v0, v1;
	v1 =	vld [tilespmem:$0x1F670]  }
0x2ac: {  	v53 =	vmul.f32 $1.131370830e+01, v19;
	v19 =	vld [tilespmem:s31+$0x4500];
	_ =	sdelay $0x1  }
0x2ad: {  	v3 =	vld [tilespmem:$0x1F510]  }
0x2ae: {  	v8 =	vld [tilespmem:$0x1F590]  }
0x2af: {  	v18 =	vadd.f32 v1, v4;
	v1 =	vld [tilespmem:$0x1F680]  }
0x2b0: {  	v55 =	vmul.f32 $1.131370830e+01, v19;
	v19 =	vld [tilespmem:s31+$0x8520]  }
0x2b1: {  	v40 =	vld [tilespmem:s31+$0x260];
	v36 =	vadd.f32 v16, v36  }
0x2b2: {  	v2 =	vld [tilespmem:s31+$0x2A0]  }
0x2b3: {  	[tilespmem:s31+$0x8250] =	vst v36;
	v36 =	vld [tilespmem:s31+$0x320]  }
0x2b4: {  	v4 =	vadd.f32 v1, v4;
	v1 =	vld [tilespmem:$0x1F690];
	_ =	sdelay $0x1  }
0x2b5: {  	[tilespmem:s31+$0x4220] =	vst v31;
	v31 =	vadd.f32 v3, v40;
	v3 =	vld [tilespmem:$0x1F520]  }
0x2b6: {  	[tilespmem:s31+$0x4240] =	vst v37;
	v37 =	vadd.f32 v8, v2;
	v8 =	vld [tilespmem:$0x1F5A0]  }
0x2b7: {  	v9 =	vld [tilespmem:$0x1F5B0]  }
0x2b8: {  	v57 =	vmul.f32 $1.131370830e+01, v19;
	v19 =	vadd.f32 v1, v36;
	v1 =	vld [tilespmem:$0x1F6A0]  }
0x2b9: {  	[tilespmem:s31+$0x4260] =	vst v31;
	v31 =	vld [tilespmem:s31+$0x330]  }
0x2ba: {  	v40 =	vadd.f32 v3, v40;
	v3 =	vld [tilespmem:s31+$0x2B0]  }
0x2bb: {  	v8 =	vadd.f32 v8, v2;
	v2 =	vld [tilespmem:s31+$0x2F0]  }
0x2bc: {  	v0 =	vld [tilespmem:$0x1F630]  }
0x2bd: {  	v21 =	vadd.f32 v1, v36;
	v1 =	vld [tilespmem:$0x1F6B0];
	_ =	sdelay $0x2  }
0x2be: {  	[tilespmem:s31+$0x8240] =	vst v12;
	v12 =	vadd.f32 v9, v3;
	v9 =	vld [tilespmem:$0x1F5C0]  }
0x2bf: {  	v16 =	vadd.f32 v0, v2;
	v0 =	vld [tilespmem:$0x1F640]  }
0x2c0: {  	[tilespmem:s31+$0x8280] =	vst v6;
	v6 =	vadd.f32 v1, v31;
	v1 =	vld [tilespmem:$0x1F6C0];
	_ =	sdelay $0x1  }
0x2c1: {  	[tilespmem:s31+$0x8260] =	vst v40;
	v40 =	vld [tilespmem:s31+$0x340]  }
0x2c2: {  	v9 =	vadd.f32 v9, v3;
	v3 =	vld [tilespmem:s31+$0x300]  }
0x2c3: {  	v17 =	vadd.f32 v0, v2;
	v0 =	vld [tilespmem:$0x1F650]  }
0x2c4: {  	v22 =	vadd.f32 v1, v31;
	v1 =	vld [tilespmem:$0x1F6D0];
	_ =	sdelay $0x3  }
0x2c5: {  	[tilespmem:s31+$0x4270] =	vst v5;
	v5 =	vadd.f32 v0, v3;
	v0 =	vld [tilespmem:$0x1F660]  }
0x2c6: {  	v23 =	vadd.f32 v1, v40;
	v1 =	vld [tilespmem:$0x1F6E0];
	_ =	sdelay $0x3  }
0x2c7: {  	v3 =	vadd.f32 v0, v3;
	v0 =	vld [tilespmem:s31+$0x350]  }
0x2c8: {  	v24 =	vadd.f32 v1, v40;
	v1 =	vld [tilespmem:$0x1F6F0];
	_ =	sdelay $0x2  }
0x2c9: {  	[tilespmem:s31+$0x42B0] =	vst v12;
	v12 =	vld [tilespmem:$0x1F750]  }
0x2ca: {  	v31 =	vld [tilespmem:s31+$0x380]  }
0x2cb: {  	[tilespmem:s31+$0x8290] =	vst v7;
	v7 =	vadd.f32 v1, v0;
	v1 =	vld [tilespmem:$0x1F700]  }
0x2cc: {  	[tilespmem:s31+$0x8270] =	vst v63;
	v63 =	vld [tilespmem:s31+$0x360]  }
0x2cd: {  	[tilespmem:s31+$0x4290] =	vst v32;
	v32 =	vld [tilespmem:s31+$0x390]  }
0x2ce: {  	[tilespmem:s31+$0x82B0] =	vst v9;
	v9 =	vld [tilespmem:$0x1F770]  }
0x2cf: {  	v40 =	vadd.f32 v12, v31;
	v12 =	vld [tilespmem:$0x1F760]  }
0x2d0: {  	v25 =	vadd.f32 v1, v0;
	v1 =	vld [tilespmem:$0x1F710]  }
0x2d1: {  	[tilespmem:s31+$0x42D0] =	vst v11;
	v11 =	vld [tilespmem:$0x1F7F0]  }
0x2d2: {  	v2 =	vld [tilespmem:$0x1F730]  }
0x2d3: {  	v36 =	vld [tilespmem:s31+$0x370]  }
0x2d4: {  	[tilespmem:s31+$0x42A0] =	vst v37;
	v37 =	vadd.f32 v12, v31;
	v12 =	vld [tilespmem:s31+$0x3D0]  }
0x2d5: {  	v26 =	vadd.f32 v1, v63;
	v1 =	vld [tilespmem:$0x1F720];
	_ =	sdelay $0x2  }
0x2d6: {  	[tilespmem:s31+$0x82A0] =	vst v8;
	v8 =	vadd.f32 v2, v36;
	v2 =	vld [tilespmem:$0x1F740]  }
0x2d7: {  	[tilespmem:s31+$0x82D0] =	vst v13;
	v13 =	vadd.f32 v11, v12;
	v11 =	vld [tilespmem:$0x1F800]  }
0x2d8: {  	v27 =	vadd.f32 v1, v63;
	v63 =	vadd.f32 v9, v32;
	v9 =	vld [tilespmem:$0x1F780];
	_ =	sdelay $0x2  }
0x2d9: {  	[tilespmem:s31+$0x42C0] =	vst v20;
	v20 =	vld [tilespmem:$0x1F790]  }
0x2da: {  	v11 =	vadd.f32 v11, v12;
	v12 =	vld [tilespmem:$0x1F810]  }
0x2db: {  	v28 =	vadd.f32 v2, v36;
	v36 =	vadd.f32 v9, v32;
	v9 =	vld [tilespmem:s31+$0x3E0]  }
0x2dc: {  	v0 =	vld [tilespmem:s31+$0x3A0];
	_ =	sdelay $0x3  }
0x2dd: {  	v12 =	vadd.f32 v12, v9  }
0x2de: {  	[tilespmem:s31+$0x4280] =	vst v33;
	v33 =	vadd.f32 v20, v0;
	v20 =	vld [tilespmem:$0x1F7A0]  }
0x2df: {  	[tilespmem:$0x1FB00] =	vst v12;
	v12 =	vld [tilespmem:$0x1F820]  }
0x2e0: {  	[tilespmem:s31+$0x82C0] =	vst v10;
	v10 =	vld [tilespmem:$0x1F7B0]  }
0x2e1: {  	v1 =	vld [tilespmem:s31+$0x3B0];
	_ =	sdelay $0x1  }
0x2e2: {  	v32 =	vadd.f32 v20, v0;
	v0 =	vld [tilespmem:s31+$0x3F0]  }
0x2e3: {  	v9 =	vadd.f32 v12, v9;
	v12 =	vld [tilespmem:$0x1F830];
	_ =	sdelay $0x1  }
0x2e4: {  	v31 =	vadd.f32 v10, v1;
	v10 =	vld [tilespmem:$0x1F7C0];
	_ =	sdelay $0x2  }
0x2e5: {  	[tilespmem:s31+$0x42E0] =	vst v14;
	v14 =	vadd.f32 v12, v0;
	v12 =	vld [tilespmem:$0x1F840];
	_ =	sdelay $0x1  }
0x2e6: {  	v1 =	vadd.f32 v10, v1  }
0x2e7: {  	v2 =	vld [tilespmem:s31+$0x3C0]  }
0x2e8: {  	[tilespmem:$0x1FA80] =	vst v1;
	v1 =	vld [tilespmem:s31+$0x400]  }
0x2e9: {  	v0 =	vadd.f32 v12, v0;
	v12 =	vld [tilespmem:$0x1F850]  }
0x2ea: {  	v10 =	vld [tilespmem:$0x1F7D0];
	_ =	sdelay $0x3  }
0x2eb: {  	v12 =	vadd.f32 v12, v1  }
0x2ec: {  	v20 =	vadd.f32 v10, v2;
	v10 =	vld [tilespmem:$0x1F7E0]  }
0x2ed: {  	[tilespmem:$0x1FB80] =	vst v12;
	v12 =	vld [tilespmem:$0x1F860];
	_ =	sdelay $0x3  }
0x2ee: {  	v10 =	vadd.f32 v10, v2;
	v2 =	vld [tilespmem:s31+$0x410]  }
0x2ef: {  	v1 =	vadd.f32 v12, v1;
	v12 =	vld [tilespmem:$0x1F870];
	_ =	sdelay $0x4  }
0x2f0: {  	v12 =	vadd.f32 v12, v2;
	_ =	sdelay $0x1  }
0x2f1: {  	[tilespmem:$0x1FBB0] =	vst v12;
	v12 =	vld [tilespmem:$0x1F880];
	_ =	sdelay $0x4  }
0x2f2: {  	v2 =	vadd.f32 v12, v2  }
0x2f3: {  	[tilespmem:$0x1FAE0] =	vst v11;
	v11 =	vld [tilespmem:s31+$0x420]  }
0x2f4: {  	[tilespmem:$0x1FBC0] =	vst v2;
	v2 =	vld [tilespmem:$0x1F890];
	_ =	sdelay $0x4  }
0x2f5: {  	[tilespmem:s31+$0x82E0] =	vst v15;
	v15 =	vadd.f32 v2, v11;
	v2 =	vld [tilespmem:$0x1F8A0];
	_ =	sdelay $0x4  }
0x2f6: {  	[tilespmem:s31+$0x8300] =	vst v3;
	v3 =	vld [tilespmem:$0x1F8C0];
	v2 =	vadd.f32 v2, v11  }
0x2f7: {  	[tilespmem:$0x1FB10] =	vst v9;
	v9 =	vld [tilespmem:s31+$0x430]  }
0x2f8: {  	[tilespmem:$0x1FC10] =	vst v2;
	v2 =	vld [tilespmem:$0x1F8B0];
	_ =	sdelay $0x2  }
0x2f9: {  	[tilespmem:s31+$0x4310] =	vst v18;
	v18 =	vld [tilespmem:$0x1F930]  }
0x2fa: {  	[tilespmem:$0x1FB60] =	vst v0;
	v0 =	vld [tilespmem:s31+$0x440]  }
0x2fb: {  	v3 =	vadd.f32 v3, v9;
	v2 =	vadd.f32 v2, v9;
	v9 =	vld [tilespmem:$0x1F8D0]  }
0x2fc: {  	[tilespmem:s31+$0x82F0] =	vst v17;
	v17 =	vld [tilespmem:s31+$0x460]  }
0x2fd: {  	[tilespmem:s31+$0x8310] =	vst v4;
	v4 =	vld [tilespmem:$0x1F8E0]  }
0x2fe: {  	[tilespmem:$0x1FB90] =	vst v1;
	v1 =	vld [tilespmem:s31+$0x450]  }
0x2ff: {  	[tilespmem:s31+$0x4300] =	vst v5;
	v5 =	vld [tilespmem:s31+$0x470]  }
0x300: {  	[tilespmem:s31+$0x42F0] =	vst v16;
	v16 =	vadd.f32 v9, v0;
	v9 =	vld [tilespmem:$0x1F910]  }
0x301: {  	[tilespmem:$0x1FC30] =	vst v3;
	v3 =	vld [tilespmem:s31+$0x480]  }
0x302: {  	[tilespmem:s31+$0x4330] =	vst v6;
	v6 =	vld [tilespmem:$0x1F920]  }
0x303: {  	v12 =	vadd.f32 v29, v0;
	v29 =	vadd.f32 v4, v1;
	v4 =	vld [tilespmem:$0x1F8F0]  }
0x304: {  	v0 =	vld [tilespmem:s31+$0x490]  }
0x305: {  	[tilespmem:s31+$0x8320] =	vst v21;
	v21 =	vmov v34;
	v34 =	vadd.f32 v9, v5;
	v9 =	vadd.f32 v41, v5;
	v5 =	vld [tilespmem:s31+$0x4C0]  }
0x306: {  	v35 =	vadd.f32 v35, v3;
	v41 =	vadd.f32 v18, v3;
	v3 =	vld [tilespmem:s31+$0x4D0]  }
0x307: {  	v18 =	vld [tilespmem:$0x1F940]  }
0x308: {  	[tilespmem:s31+$0x8330] =	vst v22;
	v22 =	vld [tilespmem:$0x1F9D0]  }
0x309: {  	v11 =	vadd.f32 v30, v1;
	v1 =	vld [tilespmem:s31+$0x4A0]  }
0x30a: {  	v30 =	vadd.f32 v4, v17;
	v4 =	vld [tilespmem:$0x1F900]  }
0x30b: {  	v42 =	vadd.f32 v42, v0;
	v38 =	vadd.f32 v38, v0;
	v0 =	vld [tilespmem:s31+$0x4E0]  }
0x30c: {  	[tilespmem:s31+$0x4350] =	vst v7;
	v7 =	vmov v45;
	v45 =	vadd.f32 v49, v5;
	v49 =	vadd.f32 v18, v3;
	v18 =	vld [tilespmem:$0x1F950]  }
0x30d: {  	[tilespmem:s31+$0x8370] =	vst v28;
	v28 =	vld [tilespmem:$0x1FA30]  }
0x30e: {  	[tilespmem:s31+$0x8340] =	vst v24;
	v24 =	vld [tilespmem:$0x1FA00]  }
0x30f: {  	v17 =	vadd.f32 v4, v17;
	v4 =	vld [tilespmem:s31+$0x4B0]  }
0x310: {  	v43 =	vadd.f32 v43, v1;
	v39 =	vadd.f32 v39, v1;
	v1 =	vld [tilespmem:s31+$0x4F0]  }
0x311: {  	[tilespmem:s31+$0x8350] =	vst v25;
	v25 =	vmov v46;
	v46 =	vadd.f32 v53, v3;
	v53 =	vadd.f32 v18, v0;
	v18 =	vld [tilespmem:$0x1F960]  }
0x312: {  	[tilespmem:s31+$0x4380] =	vst v40;
	v40 =	vld [tilespmem:s31+$0x5D0]  }
0x313: {  	[tilespmem:s31+$0x8380] =	vst v37;
	v37 =	vld [tilespmem:s31+$0x590]  }
0x314: {  	v47 =	vadd.f32 v47, v4;
	v44 =	vadd.f32 v44, v4;
	v4 =	vld [tilespmem:s31+$0x500]  }
0x315: {  	v48 =	vadd.f32 v48, v5;
	v5 =	vld [tilespmem:s31+$0x510]  }
0x316: {  	[tilespmem:s31+$0x4360] =	vst v26;
	v26 =	vmov v50;
	v50 =	vadd.f32 v54, v0;
	v54 =	vadd.f32 v18, v1;
	v18 =	vld [tilespmem:$0x1F970]  }
0x317: {  	[tilespmem:s31+$0x43A0] =	vst v33;
	v33 =	vld [tilespmem:s31+$0x5B0]  }
0x318: {  	v3 =	vld [tilespmem:s31+$0x520]  }
0x319: {  	v0 =	vld [tilespmem:s31+$0x530]  }
0x31a: {  	v51 =	vadd.f32 v51, v1;
	v1 =	vld [tilespmem:s31+$0x540]  }
0x31b: {  	[tilespmem:s31+$0x4370] =	vst v8;
	v8 =	vmov v52;
	v52 =	vadd.f32 v59, v4;
	v59 =	vadd.f32 v18, v5;
	v18 =	vld [tilespmem:$0x1F980]  }
0x31c: {  	v55 =	vadd.f32 v55, v4;
	v4 =	vld [tilespmem:s31+$0x550]  }
0x31d: {  	v60 =	vadd.f32 v60, v3;
	v57 =	vadd.f32 v57, v3;
	v3 =	vld [tilespmem:s31+$0x570]  }
0x31e: {  	v61 =	vadd.f32 v61, v0;
	v58 =	vadd.f32 v58, v0;
	v0 =	vld [tilespmem:s31+$0x580]  }
0x31f: {  	v56 =	vadd.f32 v56, v5;
	v5 =	vld [tilespmem:s31+$0x560]  }
0x320: {  	[tilespmem:s31+$0x4390] =	vst v63;
	v63 =	vadd.f32 v18, v1;
	v18 =	vld [tilespmem:$0x1F9A0]  }
0x321: {  	[tilespmem:s31+$0x8390] =	vst v36;
	v36 =	vld [tilespmem:s31+$0x5A0]  }
0x322: {  	[tilespmem:s31+$0x8360] =	vst v27;
	v27 =	vadd.f32 v24, v3;
	v24 =	vld [tilespmem:$0x1FA10]  }
0x323: {  	[tilespmem:s31+$0x43B0] =	vst v31;
	v31 =	vadd.f32 v28, v0;
	v28 =	vld [tilespmem:$0x1FA40]  }
0x324: {  	[tilespmem:s31+$0x4340] =	vst v23;
	v23 =	vadd.f32 v22, v5;
	v22 =	vld [tilespmem:$0x1F9E0]  }
0x325: {  	p0 =	slt.u32 s0, $0x78;
	[tilespmem:s31+$0x4320] =	vst v19;
	v19 =	vadd.f32 v18, v4;
	v18 =	vld [tilespmem:$0x1F9B0]  }
.Ltmp0:
0x326: {  	[tilespmem:s31+$0x83A0] =	vst v32;
	v32 =	vld [tilespmem:s31+$0x5C0];
	(pc) =	sbr.rel @p0 .LBB2_2-.Ltmp0, $4  }
0x327: {  	v24 =	vadd.f32 v24, v3;
	v3 =	vld [tilespmem:$0x1FA20]  }
0x328: {  	v62 =	vadd.f32 v62, v1;
	v1 =	vld [tilespmem:$0x1F990]  }
0x329: {  	v22 =	vadd.f32 v22, v5;
	v5 =	vld [tilespmem:$0x1F9F0]  }
0x32a: {  	s0 =	sadd.s32 $0x8, s0;
	v28 =	vadd.f32 v28, v0;
	v18 =	vadd.f32 v18, v4;
	v4 =	vld [tilespmem:$0x1F9C0]  }
0x32b: {  	v0 =	vld [tilespmem:$0x1FA80];
	_ =	sdelay $0x1  }
0x32c: {  	[tilespmem:s31+$0x43C0] =	vst v20  }
0x32d: {  	[tilespmem:s31+$0x83C0] =	vst v10  }
0x32e: {  	[tilespmem:s31+$0x43D0] =	vst v13  }
0x32f: {  	[tilespmem:s31+$0x83B0] =	vst v0  }
0x330: {  	v0 =	vld [tilespmem:$0x1FAE0];
	_ =	sdelay $0x4  }
0x331: {  	[tilespmem:s31+$0x83D0] =	vst v0  }
0x332: {  	v0 =	vld [tilespmem:$0x1FB00];
	_ =	sdelay $0x4  }
0x333: {  	[tilespmem:s31+$0x43E0] =	vst v0  }
0x334: {  	v0 =	vld [tilespmem:$0x1FB10];
	_ =	sdelay $0x3  }
0x335: {  	[tilespmem:s31+$0x43F0] =	vst v14  }
0x336: {  	[tilespmem:s31+$0x83E0] =	vst v0  }
0x337: {  	v0 =	vld [tilespmem:$0x1FB60];
	_ =	sdelay $0x4  }
0x338: {  	[tilespmem:s31+$0x83F0] =	vst v0  }
0x339: {  	v0 =	vld [tilespmem:$0x1FB80];
	_ =	sdelay $0x4  }
0x33a: {  	[tilespmem:s31+$0x4400] =	vst v0  }
0x33b: {  	v0 =	vld [tilespmem:$0x1FB90];
	_ =	sdelay $0x4  }
0x33c: {  	[tilespmem:s31+$0x8400] =	vst v0  }
0x33d: {  	v0 =	vld [tilespmem:$0x1FBB0];
	_ =	sdelay $0x4  }
0x33e: {  	[tilespmem:s31+$0x4410] =	vst v0  }
0x33f: {  	v0 =	vld [tilespmem:$0x1FBC0];
	_ =	sdelay $0x3  }
0x340: {  	[tilespmem:s31+$0x4420] =	vst v15  }
0x341: {  	[tilespmem:s31+$0x8410] =	vst v0  }
0x342: {  	v0 =	vld [tilespmem:$0x1FC10];
	_ =	sdelay $0x3  }
0x343: {  	[tilespmem:s31+$0x4430] =	vst v2  }
0x344: {  	[tilespmem:s31+$0x8420] =	vst v0  }
0x345: {  	v0 =	vld [tilespmem:$0x1FC30];
	[tilespmem:s31+$0x4440] =	vst v16  }
0x346: {  	[tilespmem:s31+$0x8440] =	vst v12  }
0x347: {  	[tilespmem:s31+$0x4450] =	vst v29  }
0x348: {  	[tilespmem:s31+$0x8450] =	vst v11  }
0x349: {  	[tilespmem:s31+$0x4460] =	vst v30  }
0x34a: {  	[tilespmem:s31+$0x8460] =	vst v17  }
0x34b: {  	[tilespmem:s31+$0x4470] =	vst v34  }
0x34c: {  	[tilespmem:s31+$0x8470] =	vst v9  }
0x34d: {  	[tilespmem:s31+$0x4480] =	vst v41  }
0x34e: {  	[tilespmem:s31+$0x8480] =	vst v35  }
0x34f: {  	[tilespmem:s31+$0x4490] =	vst v42  }
0x350: {  	[tilespmem:s31+$0x8490] =	vst v38  }
0x351: {  	[tilespmem:s31+$0x44A0] =	vst v43  }
0x352: {  	[tilespmem:s31+$0x84A0] =	vst v39  }
0x353: {  	[tilespmem:s31+$0x44B0] =	vst v47  }
0x354: {  	[tilespmem:s31+$0x84B0] =	vst v44  }
0x355: {  	[tilespmem:s31+$0x44C0] =	vst v48  }
0x356: {  	[tilespmem:s31+$0x84C0] =	vst v45  }
0x357: {  	[tilespmem:s31+$0x44D0] =	vst v49  }
0x358: {  	[tilespmem:s31+$0x84D0] =	vst v46  }
0x359: {  	[tilespmem:s31+$0x44E0] =	vst v53  }
0x35a: {  	[tilespmem:s31+$0x84E0] =	vst v50  }
0x35b: {  	[tilespmem:s31+$0x44F0] =	vst v54  }
0x35c: {  	[tilespmem:s31+$0x84F0] =	vst v51  }
0x35d: {  	[tilespmem:s31+$0x4500] =	vst v55  }
0x35e: {  	[tilespmem:s31+$0x8500] =	vst v52  }
0x35f: {  	[tilespmem:s31+$0x4510] =	vst v59  }
0x360: {  	[tilespmem:s31+$0x8510] =	vst v56  }
0x361: {  	[tilespmem:s31+$0x4520] =	vst v60  }
0x362: {  	[tilespmem:s31+$0x8520] =	vst v57  }
0x363: {  	[tilespmem:s31+$0x4530] =	vst v61  }
0x364: {  	[tilespmem:s31+$0x8530] =	vst v58  }
0x365: {  	[tilespmem:s31+$0x4540] =	vst v63  }
0x366: {  	[tilespmem:s31+$0x8540] =	vst v62  }
0x367: {  	[tilespmem:s31+$0x4550] =	vst v19  }
0x368: {  	[tilespmem:s31+$0x8550] =	vst v18  }
0x369: {  	[tilespmem:s31+$0x4560] =	vst v23  }
0x36a: {  	[tilespmem:s31+$0x8560] =	vst v22  }
0x36b: {  	[tilespmem:s31+$0x4570] =	vst v27  }
0x36c: {  	[tilespmem:s31+$0x8570] =	vst v24  }
0x36d: {  	v1 =	vadd.f32 v1, v37;
	[tilespmem:s31+$0x4580] =	vst v31  }
0x36e: {  	v2 =	vadd.f32 v4, v37;
	[tilespmem:s31+$0x8580] =	vst v28  }
0x36f: {  	v3 =	vadd.f32 v3, v36;
	[tilespmem:s31+$0x4590] =	vst v1  }
0x370: {  	v1 =	vadd.f32 v5, v36;
	[tilespmem:s31+$0x8590] =	vst v2  }
0x371: {  	v2 =	vadd.f32 v7, v33;
	[tilespmem:s31+$0x45A0] =	vst v3  }
0x372: {  	v3 =	vadd.f32 v21, v33;
	[tilespmem:s31+$0x85A0] =	vst v1  }
0x373: {  	v1 =	vadd.f32 v8, v32;
	[tilespmem:s31+$0x45B0] =	vst v2  }
0x374: {  	[tilespmem:s31+$0x85B0] =	vst v3  }
0x375: {  	[tilespmem:s31+$0x45C0] =	vst v1  }
0x376: {  	[tilespmem:s31+$0x8430] =	vst v0  }
0x377: {  	v1 =	vld [tilespmem:$0x1FF70];
	_ =	sdelay $0x2  }
0x378: {  	v2 =	vadd.f32 v26, v32  }
0x379: {  	v3 =	vadd.f32 v25, v40  }
0x37a: {  	v0 =	vld [tilespmem:s31+$0x5E0];
	[tilespmem:s31+$0x85C0] =	vst v2;
	v1 =	vadd.f32 v1, v40  }
0x37b: {  	v2 =	vld [tilespmem:$0x1FF90];
	[tilespmem:s31+$0x45D0] =	vst v3  }
0x37c: {  	v3 =	vld [tilespmem:$0x1FFE0];
	[tilespmem:s31+$0x85D0] =	vst v1  }
0x37d: {  	v1 =	vld [tilespmem:$0x1FFF0];
	_ =	sdelay $0x2  }
0x37e: {  	v2 =	vadd.f32 v2, v0  }
0x37f: {  	v0 =	vadd.f32 v3, v0  }
0x380: {  	[tilespmem:s31+$0x45E0] =	vst v2;
	v1 =	vadd.f32 v1, v6  }
0x381: {  	[tilespmem:s31+$0x85E0] =	vst v0  }
0x382: {  	s0 =	simm.s32 $0x0;
	[tilespmem:s31+$0x45F0] =	vst v1  }
0x383: {  	[hbm4b:s5+s0] =	stream.linear.scatter [tilespmem:s14], [sflag:$0x6], $0x4000, $0x38;
	[tilespmem:$0x14200] =	vst v63  }
0x384: {  	_ = 	snop  }
0x385: {  	[hbm4b:s7+s0] =	stream.linear.scatter [tilespmem:s15], [sflag:$0x7], $0x4000, $0x38;
	[tilespmem:$0x14200] =	vst v63  }
0x386: {  	_ =	swait.ge [sflag:s23], $0x4000  }
0x387: {  	[sflag:s23] =	ssyncset.done $0x0  }
0x388: {  	[sflag:s23] =	ssyncadd.s32 $0xFFFFC000  }
0x389: {  	_ =	swait.ge [sflag:s24], $0x4000  }
0x38a: {  	[sflag:s24] =	ssyncset.done $0x0  }
0x38b: {  	s31 =	simm.s32 $0x0;
	[sflag:s24] =	ssyncadd.s32 $0xFFFFC000  }
0x38c: {  	v44 =	vld [tilespmem:s31+$0x105F0]  }
0x38d: {  	v24 =	vld [tilespmem:s31+$0xC200]  }
0x38e: {  	v45 =	vld [tilespmem:s31+$0x5F0]  }
0x38f: {  	v2 =	vld [tilespmem:s31+$0x10200]  }
0x390: {  	v3 =	vld [tilespmem:s31+$0xC210]  }
0x391: {  	v6 =	vld [tilespmem:s31+$0x10210]  }
0x392: {  	v7 =	vld [tilespmem:s31+$0xC220]  }
0x393: {  	v8 =	vld [tilespmem:s31+$0x10220]  }
0x394: {  	v11 =	vld [tilespmem:s31+$0xC230]  }
0x395: {  	v10 =	vld [tilespmem:s31+$0x10230]  }
0x396: {  	v12 =	vld [tilespmem:s31+$0xC240]  }
0x397: {  	v13 =	vld [tilespmem:s31+$0x10240]  }
0x398: {  	v15 =	vld [tilespmem:s31+$0xC250]  }
0x399: {  	v14 =	vld [tilespmem:s31+$0x10250]  }
0x39a: {  	v17 =	vld [tilespmem:s31+$0xC260]  }
0x39b: {  	v16 =	vld [tilespmem:s31+$0x10260]  }
0x39c: {  	v19 =	vld [tilespmem:s31+$0xC270]  }
0x39d: {  	v25 =	vld [tilespmem:s31+$0x10270]  }
0x39e: {  	v20 =	vld [tilespmem:s31+$0xC280]  }
0x39f: {  	v27 =	vld [tilespmem:s31+$0x10280]  }
0x3a0: {  	v33 =	vld [tilespmem:s31+$0xC290]  }
0x3a1: {  	v28 =	vld [tilespmem:s31+$0x10290]  }
0x3a2: {  	v23 =	vld [tilespmem:s31+$0xC2A0]  }
0x3a3: {  	v26 =	vld [tilespmem:s31+$0x102A0]  }
0x3a4: {  	v29 =	vld [tilespmem:s31+$0xC2B0]  }
0x3a5: {  	v30 =	vld [tilespmem:s31+$0x102B0]  }
0x3a6: {  	v31 =	vld [tilespmem:s31+$0xC2C0]  }
0x3a7: {  	v36 =	vld [tilespmem:s31+$0x102C0]  }
0x3a8: {  	v32 =	vld [tilespmem:s31+$0xC2D0]  }
0x3a9: {  	v53 =	vld [tilespmem:s31+$0x102D0]  }
0x3aa: {  	v51 =	vld [tilespmem:s31+$0xC2E0]  }
0x3ab: {  	v54 =	vld [tilespmem:s31+$0x102E0]  }
0x3ac: {  	v34 =	vld [tilespmem:s31+$0xC2F0]  }
0x3ad: {  	v50 =	vld [tilespmem:s31+$0x102F0]  }
0x3ae: {  	v35 =	vld [tilespmem:s31+$0xC300]  }
0x3af: {  	v37 =	vld [tilespmem:s31+$0x10300]  }
0x3b0: {  	v40 =	vld [tilespmem:s31+$0xC310]  }
0x3b1: {  	v38 =	vld [tilespmem:s31+$0x10310]  }
0x3b2: {  	v43 =	vld [tilespmem:s31+$0xC320]  }
0x3b3: {  	v39 =	vld [tilespmem:s31+$0x10320]  }
0x3b4: {  	v41 =	vld [tilespmem:s31+$0xC330]  }
0x3b5: {  	v52 =	vld [tilespmem:s31+$0x10330]  }
0x3b6: {  	v57 =	vld [tilespmem:s31+$0xC340]  }
0x3b7: {  	v56 =	vld [tilespmem:s31+$0x10340]  }
0x3b8: {  	v60 =	vld [tilespmem:s31+$0xC350]  }
0x3b9: {  	v61 =	vld [tilespmem:s31+$0x10350]  }
0x3ba: {  	v58 =	vld [tilespmem:s31+$0xC360]  }
0x3bb: {  	v42 =	vld [tilespmem:s31+$0x10360]  }
0x3bc: {  	v62 =	vld [tilespmem:s31+$0xC370]  }
0x3bd: {  	v47 =	vld [tilespmem:s31+$0x10370]  }
0x3be: {  	v0 =	vld [tilespmem:s31+$0x103A0]  }
0x3bf: {  	v48 =	vld [tilespmem:s31+$0xC380]  }
0x3c0: {  	v49 =	vld [tilespmem:s31+$0x10380]  }
0x3c1: {  	v55 =	vld [tilespmem:s31+$0xC390]  }
0x3c2: {  	v59 =	vld [tilespmem:s31+$0x10390]  }
0x3c3: {  	v63 =	vld [tilespmem:s31+$0xC3A0];
	[tilespmem:$0x1EEC0] =	vst v0  }
0x3c4: {  	v0 =	vld [tilespmem:s31+$0xC3B0];
	_ =	sdelay $0x4  }
0x3c5: {  	[tilespmem:$0x1EED0] =	vst v0  }
0x3c6: {  	v0 =	vld [tilespmem:s31+$0x103B0];
	_ =	sdelay $0x4  }
0x3c7: {  	[tilespmem:$0x1EEE0] =	vst v0  }
0x3c8: {  	v0 =	vld [tilespmem:s31+$0xC3C0];
	_ =	sdelay $0x4  }
0x3c9: {  	[tilespmem:$0x1EEF0] =	vst v0  }
0x3ca: {  	v0 =	vld [tilespmem:s31+$0x103C0];
	_ =	sdelay $0x4  }
0x3cb: {  	[tilespmem:$0x1EF10] =	vst v0  }
0x3cc: {  	v0 =	vld [tilespmem:s31+$0xC3D0];
	_ =	sdelay $0x4  }
0x3cd: {  	[tilespmem:$0x1EF20] =	vst v0  }
0x3ce: {  	v0 =	vld [tilespmem:s31+$0x103D0];
	_ =	sdelay $0x4  }
0x3cf: {  	[tilespmem:$0x1EF30] =	vst v0  }
0x3d0: {  	v0 =	vld [tilespmem:s31+$0xC3E0];
	_ =	sdelay $0x4  }
0x3d1: {  	[tilespmem:$0x1EF40] =	vst v0  }
0x3d2: {  	v0 =	vld [tilespmem:s31+$0x103E0];
	_ =	sdelay $0x4  }
0x3d3: {  	[tilespmem:$0x1EF50] =	vst v0  }
0x3d4: {  	v0 =	vld [tilespmem:s31+$0xC3F0];
	_ =	sdelay $0x4  }
0x3d5: {  	[tilespmem:$0x1EF70] =	vst v0  }
0x3d6: {  	v0 =	vld [tilespmem:s31+$0x103F0];
	_ =	sdelay $0x4  }
0x3d7: {  	[tilespmem:$0x1EFA0] =	vst v0  }
0x3d8: {  	v0 =	vld [tilespmem:s31+$0xC400];
	_ =	sdelay $0x4  }
0x3d9: {  	[tilespmem:$0x1EFB0] =	vst v0  }
0x3da: {  	v0 =	vld [tilespmem:s31+$0x10400];
	_ =	sdelay $0x4  }
0x3db: {  	[tilespmem:$0x1EFC0] =	vst v0  }
0x3dc: {  	v0 =	vld [tilespmem:s31+$0xC410];
	_ =	sdelay $0x4  }
0x3dd: {  	[tilespmem:$0x1EFD0] =	vst v0  }
0x3de: {  	v0 =	vld [tilespmem:s31+$0x10410];
	_ =	sdelay $0x4  }
0x3df: {  	[tilespmem:$0x1EFF0] =	vst v0  }
0x3e0: {  	v0 =	vld [tilespmem:s31+$0xC420];
	_ =	sdelay $0x4  }
0x3e1: {  	[tilespmem:$0x1F020] =	vst v0  }
0x3e2: {  	v0 =	vld [tilespmem:s31+$0x10420];
	_ =	sdelay $0x4  }
0x3e3: {  	[tilespmem:$0x1F050] =	vst v0  }
0x3e4: {  	v0 =	vld [tilespmem:s31+$0xC430];
	_ =	sdelay $0x4  }
0x3e5: {  	[tilespmem:$0x1F060] =	vst v0  }
0x3e6: {  	v0 =	vld [tilespmem:s31+$0x10430];
	_ =	sdelay $0x4  }
0x3e7: {  	[tilespmem:$0x1F070] =	vst v0  }
0x3e8: {  	v0 =	vld [tilespmem:s31+$0xC440];
	_ =	sdelay $0x4  }
0x3e9: {  	[tilespmem:$0x1F080] =	vst v0  }
0x3ea: {  	v0 =	vld [tilespmem:s31+$0x10440];
	_ =	sdelay $0x4  }
0x3eb: {  	[tilespmem:$0x1F0A0] =	vst v0  }
0x3ec: {  	v0 =	vld [tilespmem:s31+$0xC450];
	_ =	sdelay $0x4  }
0x3ed: {  	[tilespmem:$0x1F0C0] =	vst v0  }
0x3ee: {  	v0 =	vld [tilespmem:s31+$0x10450];
	_ =	sdelay $0x4  }
0x3ef: {  	[tilespmem:$0x1F0D0] =	vst v0  }
0x3f0: {  	v0 =	vld [tilespmem:s31+$0xC460];
	_ =	sdelay $0x4  }
0x3f1: {  	[tilespmem:$0x1F0E0] =	vst v0  }
0x3f2: {  	v0 =	vld [tilespmem:s31+$0x10460];
	_ =	sdelay $0x4  }
0x3f3: {  	[tilespmem:$0x1F0F0] =	vst v0  }
0x3f4: {  	v0 =	vld [tilespmem:s31+$0xC470];
	_ =	sdelay $0x4  }
0x3f5: {  	[tilespmem:$0x1F100] =	vst v0  }
0x3f6: {  	v0 =	vld [tilespmem:s31+$0x10470];
	_ =	sdelay $0x4  }
0x3f7: {  	[tilespmem:$0x1F110] =	vst v0  }
0x3f8: {  	v0 =	vld [tilespmem:s31+$0xC480];
	_ =	sdelay $0x4  }
0x3f9: {  	[tilespmem:$0x1F120] =	vst v0  }
0x3fa: {  	v0 =	vld [tilespmem:s31+$0x10480];
	_ =	sdelay $0x4  }
0x3fb: {  	[tilespmem:$0x1F130] =	vst v0  }
0x3fc: {  	v0 =	vld [tilespmem:s31+$0xC490];
	_ =	sdelay $0x4  }
0x3fd: {  	[tilespmem:$0x1F140] =	vst v0  }
0x3fe: {  	v0 =	vld [tilespmem:s31+$0x10490];
	_ =	sdelay $0x4  }
0x3ff: {  	[tilespmem:$0x1F150] =	vst v0  }
0x400: {  	v0 =	vld [tilespmem:s31+$0xC4A0];
	_ =	sdelay $0x4  }
0x401: {  	[tilespmem:$0x1F160] =	vst v0  }
0x402: {  	v0 =	vld [tilespmem:s31+$0x104A0];
	_ =	sdelay $0x4  }
0x403: {  	[tilespmem:$0x1F170] =	vst v0  }
0x404: {  	v0 =	vld [tilespmem:s31+$0xC4B0];
	_ =	sdelay $0x4  }
0x405: {  	[tilespmem:$0x1F180] =	vst v0  }
0x406: {  	v0 =	vld [tilespmem:s31+$0x104B0];
	_ =	sdelay $0x4  }
0x407: {  	[tilespmem:$0x1F190] =	vst v0  }
0x408: {  	v0 =	vld [tilespmem:s31+$0xC4C0];
	_ =	sdelay $0x4  }
0x409: {  	[tilespmem:$0x1F1A0] =	vst v0  }
0x40a: {  	v0 =	vld [tilespmem:s31+$0x104C0];
	_ =	sdelay $0x4  }
0x40b: {  	[tilespmem:$0x1F1B0] =	vst v0  }
0x40c: {  	v0 =	vld [tilespmem:s31+$0xC4D0];
	_ =	sdelay $0x4  }
0x40d: {  	[tilespmem:$0x1F1C0] =	vst v0  }
0x40e: {  	v0 =	vld [tilespmem:s31+$0x104D0];
	_ =	sdelay $0x4  }
0x40f: {  	[tilespmem:$0x1F1D0] =	vst v0  }
0x410: {  	v0 =	vld [tilespmem:s31+$0xC4E0];
	_ =	sdelay $0x4  }
0x411: {  	[tilespmem:$0x1F1E0] =	vst v0  }
0x412: {  	v0 =	vld [tilespmem:s31+$0x104E0];
	_ =	sdelay $0x4  }
0x413: {  	[tilespmem:$0x1F1F0] =	vst v0  }
0x414: {  	v0 =	vld [tilespmem:s31+$0xC4F0];
	_ =	sdelay $0x4  }
0x415: {  	[tilespmem:$0x1F200] =	vst v0  }
0x416: {  	v0 =	vld [tilespmem:s31+$0x104F0];
	_ =	sdelay $0x4  }
0x417: {  	[tilespmem:$0x1F210] =	vst v0  }
0x418: {  	v0 =	vld [tilespmem:s31+$0xC500];
	_ =	sdelay $0x4  }
0x419: {  	[tilespmem:$0x1F220] =	vst v0  }
0x41a: {  	v0 =	vld [tilespmem:s31+$0x10500];
	_ =	sdelay $0x4  }
0x41b: {  	[tilespmem:$0x1F230] =	vst v0  }
0x41c: {  	v0 =	vld [tilespmem:s31+$0xC510];
	_ =	sdelay $0x4  }
0x41d: {  	[tilespmem:$0x1F240] =	vst v0  }
0x41e: {  	v0 =	vld [tilespmem:s31+$0x10510];
	_ =	sdelay $0x4  }
0x41f: {  	[tilespmem:$0x1F250] =	vst v0  }
0x420: {  	v0 =	vld [tilespmem:s31+$0xC520];
	_ =	sdelay $0x4  }
0x421: {  	[tilespmem:$0x1F260] =	vst v0  }
0x422: {  	v0 =	vld [tilespmem:s31+$0x10520];
	_ =	sdelay $0x4  }
0x423: {  	[tilespmem:$0x1F270] =	vst v0  }
0x424: {  	v0 =	vld [tilespmem:s31+$0xC530];
	_ =	sdelay $0x4  }
0x425: {  	[tilespmem:$0x1F280] =	vst v0  }
0x426: {  	v0 =	vld [tilespmem:s31+$0x10530];
	_ =	sdelay $0x4  }
0x427: {  	[tilespmem:$0x1F290] =	vst v0  }
0x428: {  	v4 =	vld [tilespmem:s31+$0xC540];
	_ =	sdelay $0x3  }
0x429: {  	v0 =	vld [tilespmem:s31+$0x200]  }
0x42a: {  	v1 =	vld [tilespmem:s31+$0x210];
	[tilespmem:$0x1F2A0] =	vst v4  }
0x42b: {  	v4 =	vmul.f32 $1.131370830e+01, v2;
	v2 =	vld [tilespmem:s31+$0x220];
	_ =	sdelay $0x2  }
0x42c: {  	v7 =	vmul.f32 $1.131370830e+01, v7;
	v8 =	vmul.f32 $1.131370830e+01, v8  }
0x42d: {  	v24 =	vmul.f32 $1.131370830e+01, v24;
	v5 =	vmul.f32 $1.131370830e+01, v3;
	v3 =	vld [tilespmem:s31+$0x230]  }
0x42e: {  	v7 =	vadd.f32 v7, v2;
	v2 =	vadd.f32 v8, v2;
	v8 =	vmul.f32 $1.131370830e+01, v12;
	v12 =	vld [tilespmem:s31+$0x10540]  }
0x42f: {  	v9 =	vadd.f32 v4, v0;
	v4 =	vmul.f32 $1.131370830e+01, v6;
	v6 =	vld [tilespmem:s31+$0x240]  }
0x430: {  	v24 =	vadd.f32 v24, v0  }
0x431: {  	v5 =	vadd.f32 v5, v1;
	v4 =	vadd.f32 v4, v1;
	v1 =	vmul.f32 $1.131370830e+01, v11  }
0x432: {  	v0 =	vld [tilespmem:s31+$0x250];
	[tilespmem:s31+$0xC200] =	vst v24  }
0x433: {  	v11 =	vld [tilespmem:s31+$0x260];
	[tilespmem:$0x1F2B0] =	vst v12;
	v12 =	vadd.f32 v1, v3  }
0x434: {  	v1 =	vmul.f32 $1.131370830e+01, v13;
	v13 =	vmul.f32 $1.131370830e+01, v15;
	v15 =	vadd.f32 v8, v6;
	v8 =	vld [tilespmem:s31+$0xC550];
	_ =	sdelay $0x2  }
0x435: {  	v10 =	vmul.f32 $1.131370830e+01, v10  }
0x436: {  	v14 =	vmul.f32 $1.131370830e+01, v14  }
0x437: {  	v3 =	vadd.f32 v10, v3;
	v10 =	vld [tilespmem:s31+$0x270];
	[tilespmem:$0x1F2C0] =	vst v8  }
0x438: {  	v21 =	vadd.f32 v14, v0;
	v13 =	vadd.f32 v13, v0;
	v0 =	vld [tilespmem:s31+$0x10550];
	_ =	sdelay $0x2  }
0x439: {  	v18 =	vadd.f32 v1, v6;
	v6 =	vmul.f32 $1.131370830e+01, v17;
	v8 =	vmul.f32 $1.131370830e+01, v16;
	v16 =	vld [tilespmem:s31+$0x280]  }
0x43a: {  	v17 =	vld [tilespmem:s31+$0x290]  }
0x43b: {  	v22 =	vadd.f32 v6, v11;
	v24 =	vadd.f32 v8, v11;
	v11 =	vld [tilespmem:s31+$0x2A0];
	[tilespmem:$0x1F2D0] =	vst v0  }
0x43c: {  	v0 =	vld [tilespmem:s31+$0xC560]  }
0x43d: {  	v14 =	vmul.f32 $1.131370830e+01, v19  }
0x43e: {  	v19 =	vmul.f32 $1.131370830e+01, v27;
	v8 =	vmul.f32 $1.131370830e+01, v20  }
0x43f: {  	v6 =	vmul.f32 $1.131370830e+01, v25;
	v25 =	vadd.f32 v14, v10;
	v20 =	vld [tilespmem:s31+$0x2B0]  }
0x440: {  	v14 =	vadd.f32 v8, v16;
	v8 =	vadd.f32 v19, v16;
	v19 =	vld [tilespmem:s31+$0x2C0]  }
0x441: {  	v27 =	vadd.f32 v6, v10;
	v6 =	vmul.f32 $1.131370830e+01, v33;
	v16 =	vmul.f32 $1.131370830e+01, v23;
	v23 =	vld [tilespmem:s31+$0x2D0];
	[tilespmem:$0x1F2E0] =	vst v0  }
0x442: {  	v10 =	vmul.f32 $1.131370830e+01, v28;
	v1 =	vld [tilespmem:s31+$0x10560]  }
0x443: {  	v46 =	vadd.f32 v6, v17  }
0x444: {  	v33 =	vadd.f32 v10, v17;
	v10 =	vmul.f32 $1.131370830e+01, v26;
	v17 =	vmul.f32 $1.131370830e+01, v29  }
0x445: {  	v28 =	vmul.f32 $1.131370830e+01, v36;
	v26 =	vmul.f32 $1.131370830e+01, v30;
	v16 =	vadd.f32 v16, v11;
	v29 =	vld [tilespmem:s31+$0x2E0]  }
0x446: {  	v11 =	vadd.f32 v10, v11;
	v10 =	vmul.f32 $1.131370830e+01, v31;
	v17 =	vadd.f32 v17, v20;
	v0 =	vld [tilespmem:s31+$0x2F0]  }
0x447: {  	v26 =	vadd.f32 v26, v20;
	v31 =	vadd.f32 v28, v19;
	v28 =	vld [tilespmem:s31+$0x300];
	[tilespmem:$0x1F300] =	vst v1  }
0x448: {  	v20 =	vmul.f32 $1.131370830e+01, v32;
	v30 =	vadd.f32 v10, v19;
	v10 =	vmul.f32 $1.131370830e+01, v53;
	v1 =	vld [tilespmem:s31+$0xC570]  }
0x449: {  	v53 =	vmul.f32 $1.131370830e+01, v51  }
0x44a: {  	v19 =	vadd.f32 v20, v23;
	v23 =	vadd.f32 v10, v23;
	v10 =	vmul.f32 $1.131370830e+01, v34  }
0x44b: {  	v20 =	vmul.f32 $1.131370830e+01, v50  }
0x44c: {  	v54 =	vmul.f32 $1.131370830e+01, v54;
	v32 =	vadd.f32 v53, v29;
	v36 =	vadd.f32 v10, v0;
	v34 =	vld [tilespmem:s31+$0x310]  }
0x44d: {  	v53 =	vadd.f32 v20, v0;
	v0 =	vmul.f32 $1.131370830e+01, v37;
	v10 =	vmul.f32 $1.131370830e+01, v44;
	v50 =	vld [tilespmem:s31+$0x320];
	[tilespmem:$0x1F310] =	vst v1  }
0x44e: {  	v51 =	vmul.f32 $1.131370830e+01, v43;
	v20 =	vmul.f32 $1.131370830e+01, v40;
	v1 =	vld [tilespmem:s31+$0x330]  }
0x44f: {  	v44 =	vadd.f32 v0, v28;
	v0 =	vmul.f32 $1.131370830e+01, v38;
	v10 =	vadd.f32 v10, v45;
	v43 =	vld [tilespmem:s31+$0x340];
	[tilespmem:$0x1EEB0] =	vst v45  }
0x450: {  	v39 =	vmul.f32 $1.131370830e+01, v39;
	v54 =	vadd.f32 v54, v29;
	v29 =	vmul.f32 $1.131370830e+01, v35;
	v6 =	vld [tilespmem:s31+$0xC580]  }
0x451: {  	v40 =	vadd.f32 v20, v34;
	v45 =	vadd.f32 v0, v34;
	v0 =	vmul.f32 $1.131370830e+01, v41;
	v20 =	vld [tilespmem:s31+$0x350];
	[tilespmem:s31+$0x105F0] =	vst v10  }
0x452: {  	v37 =	vadd.f32 v29, v28;
	v28 =	vadd.f32 v51, v50;
	v29 =	vld [tilespmem:s31+$0x10570];
	[tilespmem:s31+$0x10200] =	vst v9  }
0x453: {  	v51 =	vadd.f32 v39, v50;
	[tilespmem:s31+$0xC210] =	vst v5;
	v50 =	vadd.f32 v0, v1;
	v0 =	vld [tilespmem:s31+$0x370]  }
0x454: {  	v35 =	vld [tilespmem:s31+$0x360];
	[tilespmem:s31+$0x10210] =	vst v4  }
0x455: {  	v57 =	vmul.f32 $1.131370830e+01, v57;
	v5 =	vld [tilespmem:s31+$0x380];
	[tilespmem:$0x1F330] =	vst v6  }
0x456: {  	v10 =	vmul.f32 $1.131370830e+01, v52;
	[tilespmem:s31+$0xC220] =	vst v7;
	v7 =	vmul.f32 $1.131370830e+01, v62  }
0x457: {  	v9 =	vmul.f32 $1.131370830e+01, v56;
	v4 =	vmul.f32 $1.131370830e+01, v58  }
0x458: {  	v52 =	vadd.f32 v10, v1;
	[tilespmem:s31+$0x10220] =	vst v2;
	v2 =	vmul.f32 $1.131370830e+01, v47;
	v6 =	vadd.f32 v7, v0  }
0x459: {  	v56 =	vadd.f32 v57, v43;
	v57 =	vadd.f32 v9, v43;
	v10 =	vmul.f32 $1.131370830e+01, v48;
	v9 =	vld [tilespmem:s31+$0x390];
	[tilespmem:s31+$0xC230] =	vst v12  }
0x45a: {  	v58 =	vadd.f32 v4, v35;
	v4 =	vld [tilespmem:s31+$0x3A0];
	v0 =	vadd.f32 v2, v0;
	[tilespmem:$0x1F2F0] =	vst v6  }
0x45b: {  	v2 =	vadd.f32 v10, v5;
	[tilespmem:s31+$0x10230] =	vst v3  }
0x45c: {  	v7 =	vld [tilespmem:s31+$0x3B0];
	[tilespmem:$0x1F320] =	vst v0  }
0x45d: {  	v1 =	vmul.f32 $1.131370830e+01, v61;
	[tilespmem:$0x1F340] =	vst v2  }
0x45e: {  	v2 =	vld [tilespmem:s31+$0x10580]  }
0x45f: {  	v61 =	vadd.f32 v1, v20;
	v1 =	vmul.f32 $1.131370830e+01, v42;
	_ =	sdelay $0x1  }
0x460: {  	v62 =	vadd.f32 v1, v35;
	v1 =	vmul.f32 $1.131370830e+01, v49;
	_ =	sdelay $0x1  }
0x461: {  	v1 =	vadd.f32 v1, v5;
	[tilespmem:$0x1F350] =	vst v2  }
0x462: {  	[tilespmem:s31+$0xC240] =	vst v15  }
0x463: {  	[tilespmem:$0x1F370] =	vst v1  }
0x464: {  	[tilespmem:s31+$0x10240] =	vst v18  }
0x465: {  	v0 =	vmul.f32 $1.131370830e+01, v55;
	v5 =	vld [tilespmem:$0x1EEC0];
	_ =	sdelay $0x1  }
0x466: {  	v0 =	vadd.f32 v0, v9;
	v1 =	vmul.f32 $1.131370830e+01, v59  }
0x467: {  	v2 =	vmul.f32 $1.131370830e+01, v63  }
0x468: {  	v3 =	vld [tilespmem:s31+$0x3C0];
	[tilespmem:$0x1F380] =	vst v0;
	v0 =	vadd.f32 v1, v9  }
0x469: {  	v6 =	vld [tilespmem:$0x1EED0];
	v1 =	vadd.f32 v2, v4;
	[tilespmem:s31+$0xC250] =	vst v13;
	v5 =	vmul.f32 $1.131370830e+01, v5  }
0x46a: {  	v15 =	vld [tilespmem:s31+$0x3D0];
	[tilespmem:$0x1F390] =	vst v0  }
0x46b: {  	v0 =	vld [tilespmem:$0x1EEE0];
	[tilespmem:$0x1F3A0] =	vst v1;
	v1 =	vadd.f32 v5, v4  }
0x46c: {  	v12 =	vld [tilespmem:s31+$0x3E0];
	[tilespmem:s31+$0x10250] =	vst v21  }
0x46d: {  	[tilespmem:$0x1F3C0] =	vst v1;
	v1 =	vld [tilespmem:$0x1EEF0];
	_ =	sdelay $0x2  }
0x46e: {  	v10 =	vmul.f32 $1.131370830e+01, v6;
	_ =	sdelay $0x1  }
0x46f: {  	v2 =	vmul.f32 $1.131370830e+01, v1;
	v1 =	vadd.f32 v10, v7;
	_ =	sdelay $0x1  }
0x470: {  	[tilespmem:$0x1F410] =	vst v1  }
0x471: {  	v1 =	vld [tilespmem:s31+$0xC590];
	_ =	sdelay $0x2  }
0x472: {  	v0 =	vmul.f32 $1.131370830e+01, v0;
	_ =	sdelay $0x1  }
0x473: {  	v0 =	vadd.f32 v0, v7;
	[tilespmem:$0x1F360] =	vst v1  }
0x474: {  	[tilespmem:s31+$0xC260] =	vst v22  }
0x475: {  	[tilespmem:$0x1EF00] =	vst v0;
	v0 =	vld [tilespmem:$0x1EF10];
	_ =	sdelay $0x4  }
0x476: {  	v4 =	vmul.f32 $1.131370830e+01, v0;
	v0 =	vld [tilespmem:$0x1EF20];
	_ =	sdelay $0x3  }
0x477: {  	[tilespmem:s31+$0x10260] =	vst v24  }
0x478: {  	v6 =	vmul.f32 $1.131370830e+01, v0;
	v0 =	vld [tilespmem:$0x1EF30];
	_ =	sdelay $0x4  }
0x479: {  	v9 =	vmul.f32 $1.131370830e+01, v0;
	v0 =	vld [tilespmem:$0x1EF40];
	[tilespmem:s31+$0xC270] =	vst v25  }
0x47a: {  	v1 =	vld [tilespmem:$0x1EF50];
	_ =	sdelay $0x3  }
0x47b: {  	v0 =	vmul.f32 $1.131370830e+01, v0  }
0x47c: {  	v5 =	vld [tilespmem:s31+$0x3F0];
	v10 =	vadd.f32 v4, v3;
	v4 =	vmul.f32 $1.131370830e+01, v1;
	v1 =	vadd.f32 v9, v15  }
0x47d: {  	v18 =	vld [tilespmem:s31+$0x400];
	[tilespmem:s31+$0x10270] =	vst v27;
	v0 =	vadd.f32 v0, v12  }
0x47e: {  	v41 =	vmul.f32 $1.131370830e+01, v60;
	v21 =	vld [tilespmem:s31+$0x410];
	[tilespmem:$0x1EF60] =	vst v1  }
0x47f: {  	v1 =	vld [tilespmem:$0x1EF70];
	[tilespmem:$0x1EF80] =	vst v0;
	v0 =	vadd.f32 v4, v12  }
0x480: {  	v60 =	vadd.f32 v41, v20;
	v20 =	vadd.f32 v2, v3;
	v3 =	vld [tilespmem:s31+$0x10590];
	[tilespmem:s31+$0xC280] =	vst v14  }
0x481: {  	[tilespmem:$0x1EF90] =	vst v0;
	v0 =	vld [tilespmem:$0x1EFA0];
	_ =	sdelay $0x4  }
0x482: {  	v4 =	vmul.f32 $1.131370830e+01, v0;
	v0 =	vld [tilespmem:$0x1EFB0];
	_ =	sdelay $0x3  }
0x483: {  	[tilespmem:s31+$0x10280] =	vst v8  }
0x484: {  	v9 =	vmul.f32 $1.131370830e+01, v0;
	v0 =	vld [tilespmem:$0x1EFC0];
	_ =	sdelay $0x4  }
0x485: {  	v13 =	vadd.f32 v6, v15;
	v15 =	vmul.f32 $1.131370830e+01, v0;
	v0 =	vld [tilespmem:$0x1EFD0];
	_ =	sdelay $0x1  }
0x486: {  	v2 =	vmul.f32 $1.131370830e+01, v1;
	_ =	sdelay $0x1  }
0x487: {  	v14 =	vadd.f32 v2, v5;
	v2 =	vadd.f32 v9, v18  }
0x488: {  	v24 =	vld [tilespmem:s31+$0x430];
	[tilespmem:s31+$0xC290] =	vst v46;
	v22 =	vmul.f32 $1.131370830e+01, v0;
	v0 =	vadd.f32 v4, v5  }
0x489: {  	v1 =	vld [tilespmem:s31+$0x420];
	[tilespmem:$0x1F000] =	vst v2  }
0x48a: {  	v2 =	vadd.f32 v15, v18;
	[tilespmem:$0x1EFE0] =	vst v0;
	v0 =	vld [tilespmem:$0x1EFF0]  }
0x48b: {  	v25 =	vld [tilespmem:s31+$0x440];
	[tilespmem:s31+$0x10290] =	vst v33  }
0x48c: {  	[tilespmem:$0x1F010] =	vst v2;
	v2 =	vld [tilespmem:$0x1F020];
	_ =	sdelay $0x4  }
0x48d: {  	v0 =	vmul.f32 $1.131370830e+01, v0;
	v9 =	vmul.f32 $1.131370830e+01, v2;
	v2 =	vadd.f32 v22, v21;
	_ =	sdelay $0x1  }
0x48e: {  	v0 =	vadd.f32 v0, v21;
	[tilespmem:$0x1F030] =	vst v2  }
0x48f: {  	v4 =	vld [tilespmem:s31+$0xC5A0];
	[tilespmem:s31+$0xC2A0] =	vst v16  }
0x490: {  	[tilespmem:$0x1F040] =	vst v0;
	v0 =	vld [tilespmem:$0x1F050];
	_ =	sdelay $0x4  }
0x491: {  	v16 =	vmul.f32 $1.131370830e+01, v0;
	v0 =	vld [tilespmem:$0x1F060];
	_ =	sdelay $0x3  }
0x492: {  	[tilespmem:s31+$0x102A0] =	vst v11  }
0x493: {  	v18 =	vmul.f32 $1.131370830e+01, v0;
	v0 =	vld [tilespmem:$0x1F070];
	_ =	sdelay $0x4  }
0x494: {  	v11 =	vmul.f32 $1.131370830e+01, v0;
	v0 =	vld [tilespmem:$0x1F080];
	_ =	sdelay $0x4  }
0x495: {  	v21 =	vld [tilespmem:s31+$0x450];
	v59 =	vmul.f32 $1.131370830e+01, v0;
	v0 =	vadd.f32 v16, v1  }
0x496: {  	v63 =	vld [tilespmem:s31+$0x460];
	[tilespmem:s31+$0xC2B0] =	vst v17  }
0x497: {  	[tilespmem:$0x1F090] =	vst v0;
	v0 =	vld [tilespmem:$0x1F0A0];
	_ =	sdelay $0x2  }
0x498: {  	v15 =	vadd.f32 v9, v1;
	v1 =	vadd.f32 v11, v24  }
0x499: {  	[tilespmem:s31+$0x102B0] =	vst v26  }
0x49a: {  	v2 =	vadd.f32 v18, v24;
	v18 =	vld [tilespmem:s31+$0x470];
	[tilespmem:$0x1F0B0] =	vst v1;
	v0 =	vmul.f32 $1.131370830e+01, v0  }
0x49b: {  	v1 =	vld [tilespmem:$0x1F0C0];
	[tilespmem:s31+$0xC2C0] =	vst v30  }
0x49c: {  	v12 =	vadd.f32 v0, v25;
	v0 =	vld [tilespmem:$0x1F0D0];
	_ =	sdelay $0x4  }
0x49d: {  	v16 =	vadd.f32 v59, v25;
	v25 =	vmul.f32 $1.131370830e+01, v0;
	v0 =	vld [tilespmem:$0x1F0E0];
	_ =	sdelay $0x3  }
0x49e: {  	[tilespmem:s31+$0x102C0] =	vst v31  }
0x49f: {  	v46 =	vmul.f32 $1.131370830e+01, v0;
	v0 =	vld [tilespmem:$0x1F0F0];
	_ =	sdelay $0x4  }
0x4a0: {  	v48 =	vmul.f32 $1.131370830e+01, v0;
	v0 =	vld [tilespmem:$0x1F100];
	_ =	sdelay $0x3  }
0x4a1: {  	[tilespmem:s31+$0xC2D0] =	vst v19  }
0x4a2: {  	v49 =	vmul.f32 $1.131370830e+01, v0;
	v0 =	vld [tilespmem:$0x1F110];
	_ =	sdelay $0x3  }
0x4a3: {  	[tilespmem:s31+$0x102D0] =	vst v23  }
0x4a4: {  	v19 =	vmul.f32 $1.131370830e+01, v0;
	v0 =	vld [tilespmem:$0x1F120];
	_ =	sdelay $0x3  }
0x4a5: {  	[tilespmem:s31+$0xC2E0] =	vst v32  }
0x4a6: {  	v23 =	vmul.f32 $1.131370830e+01, v0;
	v0 =	vld [tilespmem:$0x1F130];
	_ =	sdelay $0x4  }
0x4a7: {  	v34 =	vadd.f32 v49, v18;
	v9 =	vadd.f32 v19, v18;
	v18 =	vmul.f32 $1.131370830e+01, v0;
	v0 =	vld [tilespmem:$0x1F140];
	_ =	sdelay $0x3  }
0x4a8: {  	[tilespmem:s31+$0x102E0] =	vst v54  }
0x4a9: {  	v19 =	vmul.f32 $1.131370830e+01, v0;
	v0 =	vld [tilespmem:$0x1F150];
	_ =	sdelay $0x4  }
0x4aa: {  	v31 =	vadd.f32 v46, v63;
	v17 =	vadd.f32 v48, v63;
	v63 =	vmul.f32 $1.131370830e+01, v0;
	v0 =	vld [tilespmem:$0x1F160];
	_ =	sdelay $0x3  }
0x4ab: {  	v47 =	vld [tilespmem:s31+$0x480];
	[tilespmem:s31+$0xC2F0] =	vst v36  }
0x4ac: {  	v46 =	vmul.f32 $1.131370830e+01, v0;
	v0 =	vld [tilespmem:$0x1F170];
	_ =	sdelay $0x3  }
0x4ad: {  	[tilespmem:s31+$0x102F0] =	vst v53  }
0x4ae: {  	v35 =	vadd.f32 v18, v47;
	v18 =	vmul.f32 $1.131370830e+01, v0;
	v0 =	vld [tilespmem:$0x1F180];
	_ =	sdelay $0x3  }
0x4af: {  	v59 =	vld [tilespmem:s31+$0x4A0];
	[tilespmem:s31+$0xC300] =	vst v37  }
0x4b0: {  	v41 =	vadd.f32 v23, v47;
	v47 =	vmul.f32 $1.131370830e+01, v0;
	v0 =	vld [tilespmem:$0x1F190];
	_ =	sdelay $0x4  }
0x4b1: {  	v39 =	vadd.f32 v18, v59;
	v18 =	vmul.f32 $1.131370830e+01, v0;
	v0 =	vld [tilespmem:$0x1F1A0];
	_ =	sdelay $0x3  }
0x4b2: {  	[tilespmem:s31+$0x10300] =	vst v44  }
0x4b3: {  	v43 =	vadd.f32 v46, v59;
	v59 =	vmul.f32 $1.131370830e+01, v0;
	v0 =	vld [tilespmem:$0x1F1B0];
	_ =	sdelay $0x3  }
0x4b4: {  	v55 =	vld [tilespmem:s31+$0x490]  }
0x4b5: {  	v49 =	vmul.f32 $1.131370830e+01, v0;
	v0 =	vld [tilespmem:$0x1F1C0];
	_ =	sdelay $0x3  }
0x4b6: {  	v32 =	vld [tilespmem:s31+$0x4B0];
	[tilespmem:s31+$0xC310] =	vst v40  }
0x4b7: {  	v38 =	vadd.f32 v63, v55;
	v63 =	vmul.f32 $1.131370830e+01, v0;
	v0 =	vld [tilespmem:$0x1F1D0];
	_ =	sdelay $0x3  }
0x4b8: {  	v23 =	vld [tilespmem:s31+$0x4C0];
	[tilespmem:s31+$0x10310] =	vst v45  }
0x4b9: {  	v44 =	vadd.f32 v18, v32;
	v18 =	vmul.f32 $1.131370830e+01, v0;
	v0 =	vld [tilespmem:$0x1F1E0];
	_ =	sdelay $0x3  }
0x4ba: {  	v42 =	vadd.f32 v19, v55;
	v19 =	vld [tilespmem:s31+$0x4D0];
	[tilespmem:s31+$0xC320] =	vst v28  }
0x4bb: {  	v48 =	vadd.f32 v59, v23;
	v45 =	vadd.f32 v49, v23;
	v23 =	vmul.f32 $1.131370830e+01, v0;
	v0 =	vld [tilespmem:$0x1F1F0];
	_ =	sdelay $0x4  }
0x4bc: {  	v46 =	vadd.f32 v18, v19;
	v18 =	vmul.f32 $1.131370830e+01, v0;
	v0 =	vld [tilespmem:$0x1F200];
	_ =	sdelay $0x3  }
0x4bd: {  	[tilespmem:s31+$0x10320] =	vst v51  }
0x4be: {  	v49 =	vadd.f32 v63, v19;
	v19 =	vmul.f32 $1.131370830e+01, v0;
	v0 =	vld [tilespmem:$0x1F210];
	_ =	sdelay $0x4  }
0x4bf: {  	v63 =	vmul.f32 $1.131370830e+01, v0;
	v0 =	vld [tilespmem:$0x1F220];
	_ =	sdelay $0x3  }
0x4c0: {  	v37 =	vld [tilespmem:s31+$0x4E0];
	[tilespmem:s31+$0xC330] =	vst v50  }
0x4c1: {  	v33 =	vmul.f32 $1.131370830e+01, v0;
	v0 =	vld [tilespmem:$0x1F230];
	_ =	sdelay $0x3  }
0x4c2: {  	v36 =	vld [tilespmem:s31+$0x4F0];
	[tilespmem:s31+$0x10330] =	vst v52  }
0x4c3: {  	v50 =	vadd.f32 v18, v37;
	v18 =	vmul.f32 $1.131370830e+01, v0;
	v0 =	vld [tilespmem:$0x1F240];
	_ =	sdelay $0x3  }
0x4c4: {  	v59 =	vld [tilespmem:s31+$0x500];
	[tilespmem:s31+$0xC340] =	vst v56  }
0x4c5: {  	v54 =	vadd.f32 v19, v36;
	v51 =	vadd.f32 v63, v36;
	v36 =	vmul.f32 $1.131370830e+01, v0;
	v0 =	vld [tilespmem:$0x1F250];
	_ =	sdelay $0x4  }
0x4c6: {  	v52 =	vadd.f32 v18, v59;
	v18 =	vmul.f32 $1.131370830e+01, v0;
	v0 =	vld [tilespmem:$0x1F260];
	_ =	sdelay $0x3  }
0x4c7: {  	[tilespmem:s31+$0x10340] =	vst v57  }
0x4c8: {  	v47 =	vadd.f32 v47, v32;
	v32 =	vmul.f32 $1.131370830e+01, v0;
	v0 =	vld [tilespmem:$0x1F270];
	_ =	sdelay $0x4  }
0x4c9: {  	v57 =	vmul.f32 $1.131370830e+01, v0;
	v0 =	vld [tilespmem:$0x1F280]  }
0x4ca: {  	v6 =	vld [tilespmem:s31+$0x105A0];
	v26 =	vmul.f32 $1.131370830e+01, v1  }
0x4cb: {  	v8 =	vld [tilespmem:s31+$0xC5B0]  }
0x4cc: {  	v30 =	vadd.f32 v26, v21;
	v26 =	vld [tilespmem:s31+$0x105C0]  }
0x4cd: {  	v11 =	vadd.f32 v25, v21;
	v21 =	vld [tilespmem:s31+$0x105B0]  }
0x4ce: {  	v63 =	vmul.f32 $1.131370830e+01, v0;
	v0 =	vld [tilespmem:s31+$0xC5D0]  }
0x4cf: {  	v25 =	vld [tilespmem:s31+$0xC5C0]  }
0x4d0: {  	v40 =	vld [tilespmem:s31+$0x510]  }
0x4d1: {  	v53 =	vadd.f32 v23, v37;
	v23 =	vld [tilespmem:s31+$0x520]  }
0x4d2: {  	v19 =	vld [tilespmem:s31+$0x530]  }
0x4d3: {  	v37 =	vld [tilespmem:s31+$0x540];
	[tilespmem:$0x1F3B0] =	vst v0  }
0x4d4: {  	[tilespmem:s31+$0xC350] =	vst v60  }
0x4d5: {  	v0 =	vld [tilespmem:$0x1F290];
	_ =	sdelay $0x3  }
0x4d6: {  	[tilespmem:s31+$0x10350] =	vst v61  }
0x4d7: {  	v56 =	vadd.f32 v18, v40;
	v18 =	vmul.f32 $1.131370830e+01, v0;
	v0 =	vld [tilespmem:$0x1F2A0];
	_ =	sdelay $0x4  }
0x4d8: {  	v57 =	vadd.f32 v57, v23;
	v60 =	vadd.f32 v32, v23;
	v23 =	vmul.f32 $1.131370830e+01, v0;
	v0 =	vld [tilespmem:s31+$0x105D0];
	_ =	sdelay $0x4  }
0x4d9: {  	v55 =	vadd.f32 v33, v59;
	v59 =	vadd.f32 v36, v40;
	v40 =	vld [tilespmem:s31+$0x550];
	[tilespmem:$0x1F3D0] =	vst v0  }
0x4da: {  	[tilespmem:s31+$0xC360] =	vst v58  }
0x4db: {  	v0 =	vld [tilespmem:$0x1F2B0];
	_ =	sdelay $0x4  }
0x4dc: {  	v58 =	vadd.f32 v18, v19;
	v18 =	vmul.f32 $1.131370830e+01, v0;
	v0 =	vld [tilespmem:$0x1F2C0];
	_ =	sdelay $0x3  }
0x4dd: {  	[tilespmem:s31+$0x10360] =	vst v62  }
0x4de: {  	v61 =	vadd.f32 v63, v19;
	v19 =	vmul.f32 $1.131370830e+01, v0;
	v0 =	vld [tilespmem:$0x1F2D0];
	_ =	sdelay $0x4  }
0x4df: {  	v22 =	vmul.f32 $1.131370830e+01, v0;
	v0 =	vld [tilespmem:$0x1F2E0];
	_ =	sdelay $0x4  }
0x4e0: {  	v27 =	vmul.f32 $1.131370830e+01, v0;
	v0 =	vld [tilespmem:s31+$0xC5E0];
	_ =	sdelay $0x3  }
0x4e1: {  	v36 =	vld [tilespmem:s31+$0x560]  }
0x4e2: {  	[tilespmem:$0x1F3F0] =	vst v0;
	v0 =	vld [tilespmem:$0x1F2F0];
	_ =	sdelay $0x4  }
0x4e3: {  	[tilespmem:s31+$0xC370] =	vst v0  }
0x4e4: {  	v0 =	vld [tilespmem:$0x1F300];
	_ =	sdelay $0x4  }
0x4e5: {  	v63 =	vadd.f32 v23, v37;
	v62 =	vadd.f32 v18, v37;
	v37 =	vmul.f32 $1.131370830e+01, v0;
	v0 =	vld [tilespmem:$0x1F310];
	_ =	sdelay $0x4  }
0x4e6: {  	v33 =	vmul.f32 $1.131370830e+01, v0;
	v0 =	vld [tilespmem:$0x1F320];
	_ =	sdelay $0x4  }
0x4e7: {  	[tilespmem:s31+$0x10370] =	vst v0  }
0x4e8: {  	v0 =	vld [tilespmem:$0x1F330];
	_ =	sdelay $0x4  }
0x4e9: {  	v0 =	vmul.f32 $1.131370830e+01, v0;
	_ =	sdelay $0x1  }
0x4ea: {  	v24 =	vld [tilespmem:s31+$0x570];
	[tilespmem:$0x1F400] =	vst v0  }
0x4eb: {  	v0 =	vld [tilespmem:s31+$0x105E0];
	_ =	sdelay $0x4  }
0x4ec: {  	[tilespmem:$0x1F430] =	vst v0;
	v0 =	vld [tilespmem:$0x1F340];
	_ =	sdelay $0x4  }
0x4ed: {  	[tilespmem:s31+$0xC380] =	vst v0  }
0x4ee: {  	v0 =	vld [tilespmem:$0x1F350];
	_ =	sdelay $0x4  }
0x4ef: {  	v0 =	vmul.f32 $1.131370830e+01, v0;
	_ =	sdelay $0x1  }
0x4f0: {  	[tilespmem:$0x1F420] =	vst v0;
	v0 =	vld [tilespmem:$0x1F360];
	_ =	sdelay $0x4  }
0x4f1: {  	v1 =	vmul.f32 $1.131370830e+01, v0;
	v0 =	vld [tilespmem:$0x1F370];
	_ =	sdelay $0x4  }
0x4f2: {  	[tilespmem:s31+$0x10380] =	vst v0  }
0x4f3: {  	v0 =	vld [tilespmem:$0x1F380];
	_ =	sdelay $0x4  }
0x4f4: {  	[tilespmem:s31+$0xC390] =	vst v0  }
0x4f5: {  	v0 =	vld [tilespmem:$0x1F390];
	_ =	sdelay $0x4  }
0x4f6: {  	[tilespmem:s31+$0x10390] =	vst v0  }
0x4f7: {  	v0 =	vld [tilespmem:$0x1F3A0];
	_ =	sdelay $0x4  }
0x4f8: {  	[tilespmem:s31+$0xC3A0] =	vst v0  }
0x4f9: {  	v0 =	vld [tilespmem:$0x1F3B0];
	_ =	sdelay $0x2  }
0x4fa: {  	v5 =	vmul.f32 $1.131370830e+01, v3  }
0x4fb: {  	v3 =	vmul.f32 $1.131370830e+01, v4;
	v4 =	vmul.f32 $1.131370830e+01, v8  }
0x4fc: {  	v8 =	vmul.f32 $1.131370830e+01, v21;
	v21 =	vmul.f32 $1.131370830e+01, v0;
	v0 =	vld [tilespmem:$0x1F3C0];
	_ =	sdelay $0x4  }
0x4fd: {  	[tilespmem:s31+$0x103A0] =	vst v0  }
0x4fe: {  	v0 =	vld [tilespmem:$0x1F3D0];
	_ =	sdelay $0x1  }
0x4ff: {  	v28 =	vld [tilespmem:s31+$0x580]  }
0x500: {  	v19 =	vadd.f32 v19, v40;
	v18 =	vadd.f32 v22, v40;
	v40 =	vld [tilespmem:s31+$0xC5F0]  }
0x501: {  	v22 =	vadd.f32 v37, v36;
	v37 =	vld [tilespmem:s31+$0x590]  }
0x502: {  	v23 =	vadd.f32 v27, v36;
	v36 =	vld [tilespmem:s31+$0x5A0];
	v0 =	vmul.f32 $1.131370830e+01, v0  }
0x503: {  	v27 =	vadd.f32 v33, v24;
	v33 =	vld [tilespmem:s31+$0x5B0]  }
0x504: {  	[tilespmem:$0x1F3E0] =	vst v0;
	v0 =	vld [tilespmem:$0x1F3F0];
	_ =	sdelay $0x3  }
0x505: {  	v7 =	vmul.f32 $1.131370830e+01, v6  }
0x506: {  	v6 =	vmul.f32 $1.131370830e+01, v25;
	v25 =	vmul.f32 $1.131370830e+01, v0;
	v0 =	vld [tilespmem:$0x1F400];
	_ =	sdelay $0x2  }
0x507: {  	v29 =	vmul.f32 $1.131370830e+01, v29;
	_ =	sdelay $0x1  }
0x508: {  	v24 =	vadd.f32 v29, v24;
	v29 =	vadd.f32 v0, v28;
	v0 =	vld [tilespmem:$0x1F410];
	_ =	sdelay $0x4  }
0x509: {  	[tilespmem:s31+$0xC3B0] =	vst v0  }
0x50a: {  	v0 =	vld [tilespmem:$0x1F420];
	_ =	sdelay $0x4  }
0x50b: {  	v28 =	vadd.f32 v0, v28;
	v0 =	vld [tilespmem:$0x1F430];
	_ =	sdelay $0x4  }
0x50c: {  	v0 =	vmul.f32 $1.131370830e+01, v0;
	_ =	sdelay $0x1  }
0x50d: {  	v32 =	vld [tilespmem:s31+$0x5C0];
	[tilespmem:$0x1F440] =	vst v0;
	v0 =	vmul.f32 $1.131370830e+01, v40;
	_ =	sdelay $0x1  }
0x50e: {  	[tilespmem:$0x1F450] =	vst v0  }
0x50f: {  	s0 =	simm.s32 $0x8;
	v26 =	vmul.f32 $1.131370830e+01, v26;
	v40 =	vld [tilespmem:s31+$0x5D0]  }
.LBB2_4:
0x510: {  	v0 =	vld [tilespmem:$0x1EF00];
	_ =	sdelay $0x3  }
0x511: {  	[tilespmem:s31+$0xC3C0] =	vst v20  }
0x512: {  	[tilespmem:s31+$0x103B0] =	vst v0;
	v0 =	vadd.f32 v1, v37  }
0x513: {  	[tilespmem:s31+$0x103C0] =	vst v10;
	v20 =	vadd.f32 v3, v36;
	v3 =	vld [tilespmem:$0x1EF80];
	v1 =	vadd.f32 v7, v36  }
0x514: {  	v10 =	vadd.f32 v4, v33;
	v4 =	vld [tilespmem:$0x1EF90];
	[tilespmem:$0x1E8C0] =	vst v0  }
0x515: {  	v0 =	vadd.f32 v5, v37;
	v37 =	vld [tilespmem:s31+$0x5E0];
	[tilespmem:$0x1E8E0] =	vst v1;
	v1 =	vadd.f32 v8, v33  }
0x516: {  	v8 =	vadd.f32 v6, v32;
	v6 =	vld [tilespmem:$0x1F450]  }
0x517: {  	[tilespmem:$0x1E8F0] =	vst v1;
	v1 =	vld [tilespmem:$0x1EF60]  }
0x518: {  	[tilespmem:s31+$0xC3E0] =	vst v3;
	v3 =	vld [tilespmem:$0x1F440]  }
0x519: {  	[tilespmem:s31+$0x103E0] =	vst v4;
	v4 =	vld [tilespmem:$0x1EEB0]  }
0x51a: {  	s1 =	sshll.u32 s0, $0x7  }
0x51b: {  	[tilespmem:s31+$0xC3D0] =	vst v13;
	v5 =	vld [tilespmem:s1+$0x5F0]  }
0x51c: {  	v13 =	vadd.f32 v26, v32;
	[tilespmem:$0x1E8D0] =	vst v0;
	v0 =	vld [tilespmem:s1+$0x105F0]  }
0x51d: {  	v33 =	vadd.f32 v21, v40;
	v21 =	vadd.f32 v25, v37;
	[tilespmem:s31+$0x103D0] =	vst v1;
	v1 =	vld [tilespmem:$0x1F3E0]  }
0x51e: {  	v32 =	vadd.f32 v3, v37;
	v37 =	vadd.f32 v6, v4;
	v4 =	vld [tilespmem:$0x1EFE0];
	_ =	sdelay $0x1  }
0x51f: {  	v36 =	vld [tilespmem:s1+$0xC200]  }
0x520: {  	v3 =	vld [tilespmem:s1+$0x10210];
	v0 =	vmul.f32 $1.131370830e+01, v0  }
0x521: {  	v40 =	vadd.f32 v1, v40;
	v1 =	vld [tilespmem:s1+$0xC210]  }
0x522: {  	v0 =	vadd.f32 v0, v5;
	[tilespmem:s31+$0x103F0] =	vst v4;
	v4 =	vmov v5;
	v5 =	vld [tilespmem:$0x1F000]  }
0x523: {  	[tilespmem:$0x1EEB0] =	vst v4;
	v4 =	vld [tilespmem:s1+$0xC230]  }
0x524: {  	[tilespmem:s31+$0xC3F0] =	vst v14  }
0x525: {  	v14 =	vld [tilespmem:s1+$0x10220];
	[tilespmem:s1+$0x105F0] =	vst v0;
	v0 =	vmul.f32 $1.131370830e+01, v3  }
0x526: {  	v7 =	vld [tilespmem:s1+$0x10200]  }
0x527: {  	v25 =	vmul.f32 $1.131370830e+01, v36;
	v36 =	vld [tilespmem:s1+$0xC220];
	[tilespmem:$0x1E910] =	vst v0;
	v1 =	vmul.f32 $1.131370830e+01, v1  }
0x528: {  	v0 =	vld [tilespmem:s1+$0xC240];
	[tilespmem:s31+$0xC400] =	vst v5;
	v4 =	vmul.f32 $1.131370830e+01, v4  }
0x529: {  	[tilespmem:$0x1E900] =	vst v1;
	v1 =	vld [tilespmem:s1+$0x10230]  }
0x52a: {  	v3 =	vld [tilespmem:$0x1F010];
	[tilespmem:$0x1E930] =	vst v4  }
0x52b: {  	[tilespmem:s31+$0xC420] =	vst v15  }
0x52c: {  	[tilespmem:s31+$0xC430] =	vst v2  }
0x52d: {  	[tilespmem:s31+$0xC440] =	vst v16  }
0x52e: {  	[tilespmem:s31+$0x10440] =	vst v12  }
0x52f: {  	[tilespmem:s31+$0xC450] =	vst v30  }
0x530: {  	[tilespmem:s31+$0x10450] =	vst v11  }
0x531: {  	[tilespmem:s31+$0xC460] =	vst v31  }
0x532: {  	[tilespmem:s31+$0x10460] =	vst v17  }
0x533: {  	[tilespmem:s31+$0xC470] =	vst v34  }
0x534: {  	[tilespmem:s31+$0x10470] =	vst v9  }
0x535: {  	[tilespmem:s31+$0xC480] =	vst v41  }
0x536: {  	v0 =	vmul.f32 $1.131370830e+01, v0;
	[tilespmem:s31+$0x10480] =	vst v35  }
0x537: {  	[tilespmem:s31+$0xC490] =	vst v42  }
0x538: {  	[tilespmem:$0x1E940] =	vst v0;
	v0 =	vld [tilespmem:s1+$0x10260]  }
0x539: {  	[tilespmem:s31+$0x10490] =	vst v38  }
0x53a: {  	[tilespmem:s31+$0xC4A0] =	vst v43  }
0x53b: {  	[tilespmem:s31+$0x104A0] =	vst v39  }
0x53c: {  	[tilespmem:s31+$0x10400] =	vst v3;
	v3 =	vmul.f32 $1.131370830e+01, v36  }
0x53d: {  	v5 =	vld [tilespmem:$0x1F030];
	[tilespmem:s31+$0xC4B0] =	vst v47;
	v0 =	vmul.f32 $1.131370830e+01, v0  }
0x53e: {  	[tilespmem:$0x1E920] =	vst v3;
	v3 =	vld [tilespmem:s1+$0x10240]  }
0x53f: {  	[tilespmem:$0x1E980] =	vst v0;
	v0 =	vld [tilespmem:s1+$0xC290]  }
0x540: {  	[tilespmem:s31+$0x104B0] =	vst v44  }
0x541: {  	[tilespmem:s31+$0xC4C0] =	vst v48  }
0x542: {  	[tilespmem:s31+$0x104C0] =	vst v45;
	v15 =	vmul.f32 $1.131370830e+01, v1;
	v1 =	vld [tilespmem:s1+$0xC260]  }
0x543: {  	[tilespmem:s31+$0xC4D0] =	vst v49;
	v2 =	vmul.f32 $1.131370830e+01, v3  }
0x544: {  	[tilespmem:s31+$0xC410] =	vst v5;
	v5 =	vld [tilespmem:s1+$0xC250];
	v0 =	vmul.f32 $1.131370830e+01, v0  }
0x545: {  	[tilespmem:$0x1E950] =	vst v2;
	v2 =	vld [tilespmem:$0x1F0B0]  }
0x546: {  	[tilespmem:$0x1E9D0] =	vst v0;
	v0 =	vld [tilespmem:s1+$0x102B0]  }
0x547: {  	v4 =	vld [tilespmem:s1+$0x10250];
	[tilespmem:s31+$0x104D0] =	vst v46;
	v1 =	vmul.f32 $1.131370830e+01, v1  }
0x548: {  	[tilespmem:s31+$0xC4E0] =	vst v53;
	v3 =	vld [tilespmem:s1+$0xC270]  }
0x549: {  	[tilespmem:$0x1E970] =	vst v1;
	v1 =	vld [tilespmem:s1+$0x10280]  }
0x54a: {  	[tilespmem:s31+$0x10430] =	vst v2;
	v2 =	vmul.f32 $1.131370830e+01, v5;
	v5 =	vld [tilespmem:s1+$0x10270]  }
0x54b: {  	[tilespmem:s31+$0x104E0] =	vst v50;
	v0 =	vmul.f32 $1.131370830e+01, v0  }
0x54c: {  	v16 =	vmul.f32 $1.131370830e+01, v4;
	v4 =	vld [tilespmem:s1+$0xC280];
	[tilespmem:$0x1E960] =	vst v2  }
0x54d: {  	v2 =	vmul.f32 $1.131370830e+01, v3;
	[tilespmem:$0x1EA20] =	vst v0;
	v0 =	vld [tilespmem:s1+$0xC2E0]  }
0x54e: {  	[tilespmem:s31+$0xC4F0] =	vst v54;
	v1 =	vmul.f32 $1.131370830e+01, v1;
	v3 =	vld [tilespmem:s1+$0x10290]  }
0x54f: {  	[tilespmem:$0x1E990] =	vst v2;
	v2 =	vmul.f32 $1.131370830e+01, v5  }
0x550: {  	[tilespmem:$0x1E9C0] =	vst v1;
	v5 =	vld [tilespmem:s1+$0xC2A0]  }
0x551: {  	v1 =	vld [tilespmem:s1+$0xC2B0];
	[tilespmem:$0x1E9A0] =	vst v2;
	v2 =	vmul.f32 $1.131370830e+01, v4  }
0x552: {  	[tilespmem:s31+$0x104F0] =	vst v51;
	v4 =	vld [tilespmem:s1+$0x102A0];
	v0 =	vmul.f32 $1.131370830e+01, v0  }
0x553: {  	[tilespmem:$0x1E9B0] =	vst v2;
	v2 =	vmul.f32 $1.131370830e+01, v3  }
0x554: {  	v3 =	vld [tilespmem:s1+$0xC2C0];
	[tilespmem:$0x1EA70] =	vst v0  }
0x555: {  	v0 =	vld [tilespmem:s1+$0x10300];
	[tilespmem:$0x1E9E0] =	vst v2;
	v2 =	vmul.f32 $1.131370830e+01, v5  }
0x556: {  	[tilespmem:s31+$0xC500] =	vst v55;
	v1 =	vmul.f32 $1.131370830e+01, v1  }
0x557: {  	v5 =	vld [tilespmem:s1+$0x102C0];
	[tilespmem:$0x1E9F0] =	vst v2;
	v2 =	vmul.f32 $1.131370830e+01, v4  }
0x558: {  	[tilespmem:$0x1EA10] =	vst v1;
	v1 =	vld [tilespmem:s1+$0x102D0]  }
0x559: {  	v4 =	vld [tilespmem:s1+$0xC2D0];
	[tilespmem:$0x1EA00] =	vst v2;
	v2 =	vmul.f32 $1.131370830e+01, v3  }
0x55a: {  	[tilespmem:s31+$0x10500] =	vst v52;
	v0 =	vmul.f32 $1.131370830e+01, v0  }
0x55b: {  	v3 =	vld [tilespmem:s1+$0x102E0];
	[tilespmem:$0x1EA30] =	vst v2  }
0x55c: {  	v2 =	vmul.f32 $1.131370830e+01, v5;
	[tilespmem:$0x1EAC0] =	vst v0;
	v0 =	vld [tilespmem:s1+$0xC330]  }
0x55d: {  	[tilespmem:s31+$0xC510] =	vst v59;
	v1 =	vmul.f32 $1.131370830e+01, v1;
	v5 =	vld [tilespmem:s1+$0xC2F0]  }
0x55e: {  	[tilespmem:$0x1EA40] =	vst v2;
	v2 =	vmul.f32 $1.131370830e+01, v4  }
0x55f: {  	[tilespmem:$0x1EA60] =	vst v1;
	v4 =	vld [tilespmem:s1+$0x102F0]  }
0x560: {  	v1 =	vld [tilespmem:s1+$0xC300];
	[tilespmem:$0x1EA50] =	vst v2;
	v2 =	vmul.f32 $1.131370830e+01, v3  }
0x561: {  	[tilespmem:s31+$0x10510] =	vst v56;
	v3 =	vld [tilespmem:s1+$0xC310];
	v0 =	vmul.f32 $1.131370830e+01, v0  }
0x562: {  	[tilespmem:$0x1EA80] =	vst v2;
	v2 =	vmul.f32 $1.131370830e+01, v5  }
0x563: {  	v5 =	vld [tilespmem:s1+$0x10310];
	[tilespmem:$0x1EB10] =	vst v0  }
0x564: {  	v0 =	vld [tilespmem:s1+$0x10350];
	[tilespmem:$0x1EA90] =	vst v2;
	v2 =	vmul.f32 $1.131370830e+01, v4  }
0x565: {  	[tilespmem:s31+$0xC520] =	vst v60;
	v1 =	vmul.f32 $1.131370830e+01, v1  }
0x566: {  	v4 =	vld [tilespmem:s1+$0xC320];
	[tilespmem:$0x1EAA0] =	vst v2;
	v2 =	vmul.f32 $1.131370830e+01, v3  }
0x567: {  	[tilespmem:$0x1EAB0] =	vst v1;
	v1 =	vld [tilespmem:s1+$0x10320]  }
0x568: {  	v3 =	vld [tilespmem:s1+$0x10330];
	[tilespmem:$0x1EAD0] =	vst v2;
	v2 =	vmul.f32 $1.131370830e+01, v5  }
0x569: {  	[tilespmem:s31+$0x10520] =	vst v57;
	v0 =	vmul.f32 $1.131370830e+01, v0  }
0x56a: {  	v5 =	vld [tilespmem:s1+$0xC340];
	[tilespmem:$0x1EAE0] =	vst v2  }
0x56b: {  	v2 =	vmul.f32 $1.131370830e+01, v4;
	[tilespmem:$0x1EB60] =	vst v0;
	v0 =	vld [tilespmem:s1+$0xC380]  }
0x56c: {  	[tilespmem:s31+$0xC530] =	vst v61;
	v1 =	vmul.f32 $1.131370830e+01, v1;
	v4 =	vld [tilespmem:s1+$0x10340]  }
0x56d: {  	[tilespmem:$0x1EAF0] =	vst v2;
	v2 =	vmul.f32 $1.131370830e+01, v3  }
0x56e: {  	[tilespmem:$0x1EB00] =	vst v1;
	v3 =	vld [tilespmem:s1+$0xC360]  }
0x56f: {  	v1 =	vld [tilespmem:s1+$0xC350];
	[tilespmem:$0x1EB20] =	vst v2;
	v2 =	vmul.f32 $1.131370830e+01, v5  }
0x570: {  	[tilespmem:s31+$0x10530] =	vst v58;
	v5 =	vld [tilespmem:s1+$0x10360];
	v0 =	vmul.f32 $1.131370830e+01, v0  }
0x571: {  	[tilespmem:$0x1EB30] =	vst v2;
	v2 =	vmul.f32 $1.131370830e+01, v4  }
0x572: {  	v4 =	vld [tilespmem:s1+$0xC370];
	[tilespmem:$0x1EBB0] =	vst v0  }
0x573: {  	v0 =	vld [tilespmem:s1+$0x103A0];
	[tilespmem:$0x1EB40] =	vst v2;
	v2 =	vmul.f32 $1.131370830e+01, v3  }
0x574: {  	[tilespmem:s31+$0xC540] =	vst v63;
	v1 =	vmul.f32 $1.131370830e+01, v1;
	v3 =	vld [tilespmem:s1+$0x10380]  }
0x575: {  	[tilespmem:$0x1EB70] =	vst v2;
	v2 =	vmul.f32 $1.131370830e+01, v5  }
0x576: {  	[tilespmem:$0x1EB50] =	vst v1;
	v1 =	vld [tilespmem:s1+$0x10370]  }
0x577: {  	v5 =	vld [tilespmem:s1+$0xC390];
	[tilespmem:$0x1EB80] =	vst v2;
	v2 =	vmul.f32 $1.131370830e+01, v4  }
0x578: {  	[tilespmem:s31+$0x10540] =	vst v62;
	v0 =	vmul.f32 $1.131370830e+01, v0  }
0x579: {  	[tilespmem:$0x1EB90] =	vst v2;
	v2 =	vmul.f32 $1.131370830e+01, v3;
	v3 =	vld [tilespmem:s1+$0xC3B0]  }
0x57a: {  	[tilespmem:$0x1EC00] =	vst v0;
	v0 =	vld [tilespmem:$0x1E8D0]  }
0x57b: {  	[tilespmem:s31+$0xC550] =	vst v19  }
0x57c: {  	v1 =	vmul.f32 $1.131370830e+01, v1;
	[tilespmem:$0x1EBC0] =	vst v2;
	v2 =	vmul.f32 $1.131370830e+01, v5;
	v5 =	vld [tilespmem:s1+$0x103B0]  }
0x57d: {  	[tilespmem:s31+$0x10550] =	vst v18;
	v4 =	vld [tilespmem:s1+$0x10390]  }
0x57e: {  	[tilespmem:$0x1EBA0] =	vst v1;
	v1 =	vld [tilespmem:s1+$0xC3A0]  }
0x57f: {  	[tilespmem:s31+$0x10590] =	vst v0;
	v0 =	vmul.f32 $1.131370830e+01, v3  }
0x580: {  	[tilespmem:s31+$0xC560] =	vst v23  }
0x581: {  	v6 =	vld [tilespmem:$0x1F040];
	[tilespmem:$0x1EC10] =	vst v0;
	v0 =	vmul.f32 $1.131370830e+01, v5  }
0x582: {  	[tilespmem:$0x1EBD0] =	vst v2;
	v2 =	vmul.f32 $1.131370830e+01, v4;
	v4 =	vld [tilespmem:s1+$0xC3C0]  }
0x583: {  	v1 =	vmul.f32 $1.131370830e+01, v1;
	[tilespmem:$0x1EC20] =	vst v0;
	v0 =	vld [tilespmem:$0x1E8E0]  }
0x584: {  	[tilespmem:s31+$0x10560] =	vst v22  }
0x585: {  	[tilespmem:$0x1EBF0] =	vst v1;
	v1 =	vld [tilespmem:s1+$0x103C0]  }
0x586: {  	[tilespmem:s31+$0x10410] =	vst v6;
	v6 =	vld [tilespmem:$0x1F090]  }
0x587: {  	[tilespmem:s31+$0xC570] =	vst v27  }
0x588: {  	[tilespmem:s31+$0x105A0] =	vst v0;
	v0 =	vmul.f32 $1.131370830e+01, v4  }
0x589: {  	[tilespmem:s31+$0x10570] =	vst v24  }
0x58a: {  	[tilespmem:$0x1EC30] =	vst v0;
	v0 =	vmul.f32 $1.131370830e+01, v1  }
0x58b: {  	[tilespmem:s31+$0x10420] =	vst v6;
	v6 =	vld [tilespmem:s1+$0xC3D0]  }
0x58c: {  	[tilespmem:$0x1EC40] =	vst v0;
	v0 =	vld [tilespmem:$0x1E8F0]  }
0x58d: {  	[tilespmem:s31+$0xC580] =	vst v29  }
0x58e: {  	[tilespmem:s31+$0x10580] =	vst v28;
	v3 =	vld [tilespmem:s1+$0x103D0]  }
0x58f: {  	[tilespmem:s31+$0xC5A0] =	vst v20  }
0x590: {  	[tilespmem:s31+$0xC5B0] =	vst v10;
	v5 =	vld [tilespmem:s1+$0xC3E0]  }
0x591: {  	[tilespmem:s31+$0x105B0] =	vst v0;
	v0 =	vmul.f32 $1.131370830e+01, v6  }
0x592: {  	[tilespmem:s31+$0xC5C0] =	vst v8;
	v4 =	vld [tilespmem:s1+$0x103E0]  }
0x593: {  	[tilespmem:$0x1EC50] =	vst v0;
	v0 =	vmul.f32 $1.131370830e+01, v3  }
0x594: {  	v26 =	vmul.f32 $1.131370830e+01, v7;
	v7 =	vld [tilespmem:s1+$0xC3F0];
	[tilespmem:s31+$0x105C0] =	vst v13  }
0x595: {  	[tilespmem:$0x1EC60] =	vst v0;
	v0 =	vmul.f32 $1.131370830e+01, v5  }
0x596: {  	[tilespmem:s31+$0xC5D0] =	vst v33;
	v6 =	vld [tilespmem:s1+$0x103F0]  }
0x597: {  	[tilespmem:$0x1EC70] =	vst v0;
	v0 =	vmul.f32 $1.131370830e+01, v4  }
0x598: {  	[tilespmem:s31+$0x105D0] =	vst v40;
	v8 =	vld [tilespmem:s1+$0xC400]  }
0x599: {  	[tilespmem:$0x1EC80] =	vst v0;
	v0 =	vmul.f32 $1.131370830e+01, v7  }
0x59a: {  	[tilespmem:$0x1EBE0] =	vst v2;
	v5 =	vld [tilespmem:s1+$0x10400]  }
0x59b: {  	v2 =	vld [tilespmem:$0x1E8C0];
	[tilespmem:$0x1EC90] =	vst v0;
	v0 =	vmul.f32 $1.131370830e+01, v6  }
0x59c: {  	[tilespmem:s31+$0xC5E0] =	vst v21;
	v9 =	vld [tilespmem:s1+$0xC410]  }
0x59d: {  	[tilespmem:$0x1ECA0] =	vst v0;
	v0 =	vmul.f32 $1.131370830e+01, v8  }
0x59e: {  	[tilespmem:s31+$0x105E0] =	vst v32;
	v7 =	vld [tilespmem:s1+$0x10410]  }
0x59f: {  	[tilespmem:$0x1ECB0] =	vst v0;
	v0 =	vmul.f32 $1.131370830e+01, v5  }
0x5a0: {  	[tilespmem:s31+$0xC590] =	vst v2;
	v2 =	vld [tilespmem:s1+$0xC420]  }
0x5a1: {  	[tilespmem:$0x1ECC0] =	vst v0;
	v0 =	vmul.f32 $1.131370830e+01, v9  }
0x5a2: {  	[tilespmem:s31+$0xC5F0] =	vst v37;
	v11 =	vld [tilespmem:s1+$0x10420]  }
0x5a3: {  	s31 =	smov.u32 s1;
	[tilespmem:$0x1ECD0] =	vst v0;
	v0 =	vmul.f32 $1.131370830e+01, v7  }
0x5a4: {  	v12 =	vld [tilespmem:s31+$0xC430]  }
0x5a5: {  	[tilespmem:$0x1ECE0] =	vst v0;
	v0 =	vmul.f32 $1.131370830e+01, v2  }
0x5a6: {  	v13 =	vld [tilespmem:s31+$0x10430]  }
0x5a7: {  	[tilespmem:$0x1ECF0] =	vst v0;
	v0 =	vmul.f32 $1.131370830e+01, v11  }
0x5a8: {  	v17 =	vld [tilespmem:s31+$0xC440]  }
0x5a9: {  	v18 =	vld [tilespmem:s31+$0xC450];
	[tilespmem:$0x1ED00] =	vst v0;
	v0 =	vmul.f32 $1.131370830e+01, v12  }
0x5aa: {  	v2 =	vld [tilespmem:s31+$0x10440]  }
0x5ab: {  	[tilespmem:$0x1ED10] =	vst v0;
	v0 =	vmul.f32 $1.131370830e+01, v13  }
0x5ac: {  	v19 =	vld [tilespmem:s31+$0xC460]  }
0x5ad: {  	v12 =	vld [tilespmem:s31+$0x10450];
	[tilespmem:$0x1ED20] =	vst v0;
	v0 =	vmul.f32 $1.131370830e+01, v17  }
0x5ae: {  	v20 =	vld [tilespmem:s31+$0x10460]  }
0x5af: {  	v30 =	vmul.f32 $1.131370830e+01, v2;
	v2 =	vld [tilespmem:s31+$0xC470];
	[tilespmem:$0x1ED30] =	vst v0;
	v0 =	vmul.f32 $1.131370830e+01, v18  }
0x5b0: {  	v18 =	vld [tilespmem:s31+$0x10470]  }
0x5b1: {  	[tilespmem:$0x1ED40] =	vst v0;
	v0 =	vmul.f32 $1.131370830e+01, v19  }
0x5b2: {  	v31 =	vmul.f32 $1.131370830e+01, v12;
	v12 =	vld [tilespmem:s31+$0xC480]  }
0x5b3: {  	[tilespmem:$0x1ED50] =	vst v0;
	v0 =	vmul.f32 $1.131370830e+01, v20  }
0x5b4: {  	v20 =	vld [tilespmem:s31+$0xC490]  }
0x5b5: {  	v41 =	vmul.f32 $1.131370830e+01, v18;
	v18 =	vld [tilespmem:s31+$0xC4A0];
	[tilespmem:$0x1ED60] =	vst v0;
	v0 =	vmul.f32 $1.131370830e+01, v2  }
0x5b6: {  	v2 =	vld [tilespmem:s31+$0x10490]  }
0x5b7: {  	[tilespmem:$0x1ED70] =	vst v0;
	v0 =	vmul.f32 $1.131370830e+01, v12;
	v12 =	vld [tilespmem:s31+$0x104A0];
	_ =	sdelay $0x1  }
0x5b8: {  	[tilespmem:$0x1ED80] =	vst v0;
	v0 =	vmul.f32 $1.131370830e+01, v20;
	v20 =	vld [tilespmem:s31+$0x104B0]  }
0x5b9: {  	v43 =	vmul.f32 $1.131370830e+01, v18;
	v18 =	vld [tilespmem:s31+$0x104C0]  }
0x5ba: {  	v38 =	vmul.f32 $1.131370830e+01, v2;
	v2 =	vld [tilespmem:s31+$0xC4C0]  }
0x5bb: {  	v39 =	vmul.f32 $1.131370830e+01, v12;
	v12 =	vld [tilespmem:s31+$0xC4D0];
	_ =	sdelay $0x1  }
0x5bc: {  	v44 =	vmul.f32 $1.131370830e+01, v20;
	v20 =	vld [tilespmem:s31+$0xC4E0];
	_ =	sdelay $0x1  }
0x5bd: {  	v49 =	vmul.f32 $1.131370830e+01, v18;
	v18 =	vld [tilespmem:s31+$0xC4F0]  }
0x5be: {  	[tilespmem:$0x1ED90] =	vst v0;
	v48 =	vmul.f32 $1.131370830e+01, v2;
	v2 =	vld [tilespmem:s31+$0x104E0];
	v0 =	vmul.f32 $1.131370830e+01, v12;
	_ =	sdelay $0x1  }
0x5bf: {  	v12 =	vld [tilespmem:s31+$0x104F0];
	[tilespmem:$0x1EDA0] =	vst v0;
	v0 =	vmul.f32 $1.131370830e+01, v20  }
0x5c0: {  	v20 =	vld [tilespmem:s31+$0x10500]  }
0x5c1: {  	[tilespmem:$0x1EDB0] =	vst v0;
	v0 =	vmul.f32 $1.131370830e+01, v18;
	v18 =	vld [tilespmem:s31+$0x10510]  }
0x5c2: {  	v54 =	vmul.f32 $1.131370830e+01, v2;
	v2 =	vld [tilespmem:s31+$0xC510];
	_ =	sdelay $0x1  }
0x5c3: {  	v51 =	vmul.f32 $1.131370830e+01, v12;
	v12 =	vld [tilespmem:s31+$0xC520]  }
0x5c4: {  	v59 =	vmul.f32 $1.131370830e+01, v20;
	v20 =	vld [tilespmem:s31+$0xC530]  }
0x5c5: {  	v56 =	vmul.f32 $1.131370830e+01, v18;
	v18 =	vld [tilespmem:s31+$0xC540]  }
0x5c6: {  	[tilespmem:$0x1EDC0] =	vst v0;
	v0 =	vmul.f32 $1.131370830e+01, v2;
	v2 =	vld [tilespmem:s31+$0x10530]  }
0x5c7: {  	v22 =	vld [tilespmem:s31+$0xC550];
	_ =	sdelay $0x1  }
0x5c8: {  	v61 =	vmul.f32 $1.131370830e+01, v20;
	v20 =	vld [tilespmem:s31+$0x10550]  }
0x5c9: {  	[tilespmem:$0x1EDD0] =	vst v0;
	v60 =	vmul.f32 $1.131370830e+01, v12;
	v12 =	vld [tilespmem:s31+$0x10540];
	v0 =	vmul.f32 $1.131370830e+01, v18  }
0x5ca: {  	v58 =	vmul.f32 $1.131370830e+01, v2;
	v2 =	vld [tilespmem:s31+$0xC560]  }
0x5cb: {  	[tilespmem:$0x1EDE0] =	vst v0;
	v0 =	vmul.f32 $1.131370830e+01, v22  }
0x5cc: {  	v24 =	vld [tilespmem:s31+$0x10560]  }
0x5cd: {  	[tilespmem:$0x1EE00] =	vst v0;
	v0 =	vmul.f32 $1.131370830e+01, v20  }
0x5ce: {  	v62 =	vmul.f32 $1.131370830e+01, v12;
	v12 =	vld [tilespmem:s31+$0xC570]  }
0x5cf: {  	[tilespmem:$0x1EE10] =	vst v0;
	v0 =	vmul.f32 $1.131370830e+01, v2  }
0x5d0: {  	v29 =	vld [tilespmem:s31+$0x10570]  }
0x5d1: {  	[tilespmem:$0x1EE30] =	vst v0;
	v0 =	vmul.f32 $1.131370830e+01, v24  }
0x5d2: {  	v20 =	vld [tilespmem:s31+$0xC580]  }
0x5d3: {  	[tilespmem:$0x1EE40] =	vst v0;
	v0 =	vmul.f32 $1.131370830e+01, v12  }
0x5d4: {  	v2 =	vld [tilespmem:s31+$0x10580]  }
0x5d5: {  	[tilespmem:$0x1EE60] =	vst v0;
	v0 =	vmul.f32 $1.131370830e+01, v29  }
0x5d6: {  	v32 =	vld [tilespmem:s31+$0xC590]  }
0x5d7: {  	[tilespmem:$0x1EE70] =	vst v0;
	v0 =	vmul.f32 $1.131370830e+01, v20  }
0x5d8: {  	v12 =	vld [tilespmem:s31+$0x10590]  }
0x5d9: {  	[tilespmem:$0x1EE90] =	vst v0;
	v0 =	vmul.f32 $1.131370830e+01, v2  }
0x5da: {  	v29 =	vld [tilespmem:s31+$0xC5A0]  }
0x5db: {  	[tilespmem:$0x1EEA0] =	vst v0;
	v0 =	vmul.f32 $1.131370830e+01, v32  }
0x5dc: {  	v2 =	vld [tilespmem:s31+$0xC5B0]  }
0x5dd: {  	[tilespmem:$0x1EDF0] =	vst v0;
	v0 =	vmul.f32 $1.131370830e+01, v12  }
0x5de: {  	v12 =	vld [tilespmem:s31+$0xC5C0]  }
0x5df: {  	v20 =	vld [tilespmem:s31+$0x105A0];
	[tilespmem:$0x1EE50] =	vst v0;
	v0 =	vmul.f32 $1.131370830e+01, v29  }
0x5e0: {  	v29 =	vld [tilespmem:s31+$0x105C0]  }
0x5e1: {  	[tilespmem:$0x1EE80] =	vst v0;
	v0 =	vmul.f32 $1.131370830e+01, v2;
	v2 =	vld [tilespmem:s31+$0x105D0];
	_ =	sdelay $0x1  }
0x5e2: {  	v35 =	vmul.f32 $1.131370830e+01, v12;
	v12 =	vld [tilespmem:s31+$0x105E0];
	_ =	sdelay $0x1  }
0x5e3: {  	v50 =	vmul.f32 $1.131370830e+01, v29;
	v29 =	vld [tilespmem:s31+$0xC5F0]  }
0x5e4: {  	v45 =	vmul.f32 $1.131370830e+01, v20;
	v20 =	vld [tilespmem:s31+$0xC5D0];
	[tilespmem:$0x1EE20] =	vst v0;
	v0 =	vmul.f32 $1.131370830e+01, v2;
	_ =	sdelay $0x1  }
0x5e5: {  	[tilespmem:$0x1F3E0] =	vst v0;
	v0 =	vmul.f32 $1.131370830e+01, v12;
	_ =	sdelay $0x1  }
0x5e6: {  	[tilespmem:$0x1F440] =	vst v0;
	v0 =	vmul.f32 $1.131370830e+01, v29  }
0x5e7: {  	v34 =	vmul.f32 $1.131370830e+01, v20;
	v20 =	vld [tilespmem:s31+$0x210]  }
0x5e8: {  	[tilespmem:$0x1F450] =	vst v0;
	v0 =	vld [tilespmem:$0x1E900];
	_ =	sdelay $0x4  }
0x5e9: {  	v37 =	vadd.f32 v0, v20;
	v0 =	vld [tilespmem:$0x1E910];
	_ =	sdelay $0x2  }
0x5ea: {  	v63 =	vld [tilespmem:s31+$0x200]  }
0x5eb: {  	v2 =	vld [tilespmem:s31+$0x220]  }
0x5ec: {  	v20 =	vadd.f32 v0, v20;
	v0 =	vld [tilespmem:$0x1E920];
	_ =	sdelay $0x1  }
0x5ed: {  	v1 =	vld [tilespmem:$0x1E940]  }
0x5ee: {  	v32 =	vld [tilespmem:s31+$0x230];
	v29 =	vadd.f32 v25, v63  }
0x5ef: {  	v12 =	vld [tilespmem:s31+$0x240]  }
0x5f0: {  	[tilespmem:s31+$0xC200] =	vst v29;
	v29 =	vadd.f32 v0, v2;
	v0 =	vld [tilespmem:$0x1E930]  }
0x5f1: {  	v10 =	vld [tilespmem:$0x1EA30]  }
0x5f2: {  	v36 =	vld [tilespmem:s31+$0x250]  }
0x5f3: {  	v33 =	vadd.f32 v26, v63;
	v6 =	vld [tilespmem:$0x1E9B0]  }
0x5f4: {  	v14 =	vmul.f32 $1.131370830e+01, v14;
	[tilespmem:s31+$0xC210] =	vst v37;
	v37 =	vadd.f32 v1, v12;
	v1 =	vld [tilespmem:$0x1E950]  }
0x5f5: {  	[tilespmem:s31+$0x10200] =	vst v33;
	v33 =	vadd.f32 v0, v32;
	v0 =	vld [tilespmem:s31+$0x280]  }
0x5f6: {  	v7 =	vld [tilespmem:$0x1E9D0];
	v4 =	vadd.f32 v14, v2  }
0x5f7: {  	v63 =	vld [tilespmem:s31+$0x270]  }
0x5f8: {  	[tilespmem:s31+$0x10220] =	vst v4;
	v4 =	vld [tilespmem:$0x1E990]  }
0x5f9: {  	v12 =	vadd.f32 v1, v12;
	v1 =	vld [tilespmem:s31+$0x290]  }
0x5fa: {  	[tilespmem:s31+$0xC230] =	vst v33;
	v33 =	vadd.f32 v6, v0;
	v6 =	vld [tilespmem:$0x1E9C0]  }
0x5fb: {  	v11 =	vld [tilespmem:$0x1EA50]  }
0x5fc: {  	v13 =	vld [tilespmem:$0x1EA60];
	v32 =	vadd.f32 v15, v32  }
0x5fd: {  	v5 =	vadd.f32 v4, v63;
	v4 =	vld [tilespmem:$0x1E9A0]  }
0x5fe: {  	[tilespmem:s31+$0x10230] =	vst v32;
	v32 =	vadd.f32 v7, v1;
	v7 =	vld [tilespmem:$0x1E9E0]  }
0x5ff: {  	v6 =	vadd.f32 v6, v0;
	v0 =	vld [tilespmem:s31+$0x2D0]  }
0x600: {  	v19 =	vld [tilespmem:s31+$0x10480]  }
0x601: {  	v2 =	vld [tilespmem:$0x1E960]  }
0x602: {  	v63 =	vadd.f32 v4, v63;
	v4 =	vld [tilespmem:s31+$0x2C0]  }
0x603: {  	v7 =	vadd.f32 v7, v1;
	v1 =	vld [tilespmem:s31+$0x2E0]  }
0x604: {  	v11 =	vadd.f32 v11, v0;
	v13 =	vadd.f32 v13, v0;
	v0 =	vld [tilespmem:$0x1EA70];
	_ =	sdelay $0x1  }
0x605: {  	v42 =	vmul.f32 $1.131370830e+01, v19;
	v19 =	vld [tilespmem:s31+$0xC4B0];
	[tilespmem:s31+$0x10210] =	vst v20;
	v20 =	vadd.f32 v2, v36;
	_ =	sdelay $0x1  }
0x606: {  	[tilespmem:s31+$0xC250] =	vst v20;
	v20 =	vadd.f32 v10, v4;
	v10 =	vld [tilespmem:$0x1EA40]  }
0x607: {  	v14 =	vadd.f32 v0, v1;
	v0 =	vld [tilespmem:$0x1EA80];
	_ =	sdelay $0x1  }
0x608: {  	v47 =	vmul.f32 $1.131370830e+01, v19;
	v19 =	vld [tilespmem:s31+$0x104D0]  }
0x609: {  	v40 =	vld [tilespmem:s31+$0x105B0]  }
0x60a: {  	v10 =	vadd.f32 v10, v4;
	v4 =	vld [tilespmem:s31+$0x310]  }
0x60b: {  	v15 =	vadd.f32 v0, v1;
	v1 =	vld [tilespmem:$0x1EAD0];
	_ =	sdelay $0x1  }
0x60c: {  	v53 =	vmul.f32 $1.131370830e+01, v19;
	v19 =	vld [tilespmem:s31+$0xC500]  }
0x60d: {  	v3 =	vld [tilespmem:$0x1E970]  }
0x60e: {  	v52 =	vmul.f32 $1.131370830e+01, v40;
	v40 =	vld [tilespmem:s31+$0x260]  }
0x60f: {  	v18 =	vadd.f32 v1, v4;
	v1 =	vld [tilespmem:$0x1EAE0]  }
0x610: {  	v8 =	vld [tilespmem:$0x1E9F0]  }
0x611: {  	v55 =	vmul.f32 $1.131370830e+01, v19;
	v19 =	vld [tilespmem:s31+$0x10520];
	v36 =	vadd.f32 v16, v36  }
0x612: {  	v2 =	vld [tilespmem:s31+$0x2A0]  }
0x613: {  	[tilespmem:s31+$0x10250] =	vst v36;
	v36 =	vld [tilespmem:s31+$0x320]  }
0x614: {  	v4 =	vadd.f32 v1, v4;
	v1 =	vld [tilespmem:$0x1EAF0];
	_ =	sdelay $0x1  }
0x615: {  	[tilespmem:s31+$0xC220] =	vst v29;
	v29 =	vadd.f32 v3, v40;
	v3 =	vld [tilespmem:$0x1E980]  }
0x616: {  	[tilespmem:s31+$0xC240] =	vst v37;
	v37 =	vadd.f32 v8, v2;
	v8 =	vld [tilespmem:$0x1EA00]  }
0x617: {  	v9 =	vld [tilespmem:$0x1EA10]  }
0x618: {  	v57 =	vmul.f32 $1.131370830e+01, v19;
	v19 =	vadd.f32 v1, v36;
	v1 =	vld [tilespmem:$0x1EB00]  }
0x619: {  	[tilespmem:s31+$0xC260] =	vst v29;
	v29 =	vld [tilespmem:s31+$0x330]  }
0x61a: {  	v40 =	vadd.f32 v3, v40;
	v3 =	vld [tilespmem:s31+$0x2B0]  }
0x61b: {  	v8 =	vadd.f32 v8, v2;
	v2 =	vld [tilespmem:s31+$0x2F0]  }
0x61c: {  	v0 =	vld [tilespmem:$0x1EA90]  }
0x61d: {  	v21 =	vadd.f32 v1, v36;
	v1 =	vld [tilespmem:$0x1EB10];
	_ =	sdelay $0x2  }
0x61e: {  	[tilespmem:s31+$0x10240] =	vst v12;
	v12 =	vadd.f32 v9, v3;
	v9 =	vld [tilespmem:$0x1EA20]  }
0x61f: {  	v16 =	vadd.f32 v0, v2;
	v0 =	vld [tilespmem:$0x1EAA0]  }
0x620: {  	[tilespmem:s31+$0x10280] =	vst v6;
	v6 =	vadd.f32 v1, v29;
	v1 =	vld [tilespmem:$0x1EB20];
	_ =	sdelay $0x1  }
0x621: {  	[tilespmem:s31+$0x10260] =	vst v40;
	v40 =	vld [tilespmem:s31+$0x340]  }
0x622: {  	v9 =	vadd.f32 v9, v3;
	v3 =	vld [tilespmem:s31+$0x300]  }
0x623: {  	v17 =	vadd.f32 v0, v2;
	v0 =	vld [tilespmem:$0x1EAB0]  }
0x624: {  	v22 =	vadd.f32 v1, v29;
	v1 =	vld [tilespmem:$0x1EB30];
	_ =	sdelay $0x3  }
0x625: {  	[tilespmem:s31+$0xC270] =	vst v5;
	v5 =	vadd.f32 v0, v3;
	v0 =	vld [tilespmem:$0x1EAC0]  }
0x626: {  	v23 =	vadd.f32 v1, v40;
	v1 =	vld [tilespmem:$0x1EB40];
	_ =	sdelay $0x3  }
0x627: {  	v3 =	vadd.f32 v0, v3;
	v0 =	vld [tilespmem:s31+$0x350]  }
0x628: {  	v24 =	vadd.f32 v1, v40;
	v1 =	vld [tilespmem:$0x1EB50];
	_ =	sdelay $0x2  }
0x629: {  	[tilespmem:s31+$0xC2B0] =	vst v12;
	v12 =	vld [tilespmem:$0x1EBB0]  }
0x62a: {  	v29 =	vld [tilespmem:s31+$0x380]  }
0x62b: {  	[tilespmem:s31+$0x10290] =	vst v7;
	v7 =	vadd.f32 v1, v0;
	v1 =	vld [tilespmem:$0x1EB60]  }
0x62c: {  	[tilespmem:s31+$0x10270] =	vst v63;
	v63 =	vld [tilespmem:s31+$0x360]  }
0x62d: {  	[tilespmem:s31+$0xC290] =	vst v32;
	v32 =	vld [tilespmem:s31+$0x390]  }
0x62e: {  	[tilespmem:s31+$0x102B0] =	vst v9;
	v9 =	vld [tilespmem:$0x1EBD0]  }
0x62f: {  	v40 =	vadd.f32 v12, v29;
	v12 =	vld [tilespmem:$0x1EBC0]  }
0x630: {  	v25 =	vadd.f32 v1, v0;
	v1 =	vld [tilespmem:$0x1EB70]  }
0x631: {  	[tilespmem:s31+$0xC2D0] =	vst v11;
	v11 =	vld [tilespmem:$0x1EC50]  }
0x632: {  	v2 =	vld [tilespmem:$0x1EB90]  }
0x633: {  	v36 =	vld [tilespmem:s31+$0x370]  }
0x634: {  	[tilespmem:s31+$0xC2A0] =	vst v37;
	v37 =	vadd.f32 v12, v29;
	v12 =	vld [tilespmem:s31+$0x3D0]  }
0x635: {  	v26 =	vadd.f32 v1, v63;
	v1 =	vld [tilespmem:$0x1EB80];
	_ =	sdelay $0x2  }
0x636: {  	[tilespmem:s31+$0x102A0] =	vst v8;
	v8 =	vadd.f32 v2, v36;
	v2 =	vld [tilespmem:$0x1EBA0]  }
0x637: {  	[tilespmem:s31+$0x102D0] =	vst v13;
	v13 =	vadd.f32 v11, v12;
	v11 =	vld [tilespmem:$0x1EC60]  }
0x638: {  	v27 =	vadd.f32 v1, v63;
	v63 =	vadd.f32 v9, v32;
	v9 =	vld [tilespmem:$0x1EBE0];
	_ =	sdelay $0x2  }
0x639: {  	[tilespmem:s31+$0xC2C0] =	vst v20;
	v20 =	vld [tilespmem:$0x1EBF0]  }
0x63a: {  	v11 =	vadd.f32 v11, v12;
	v12 =	vld [tilespmem:$0x1EC70]  }
0x63b: {  	v28 =	vadd.f32 v2, v36;
	v36 =	vadd.f32 v9, v32;
	v9 =	vld [tilespmem:s31+$0x3E0]  }
0x63c: {  	v0 =	vld [tilespmem:s31+$0x3A0];
	_ =	sdelay $0x3  }
0x63d: {  	v12 =	vadd.f32 v12, v9  }
0x63e: {  	[tilespmem:s31+$0xC280] =	vst v33;
	v33 =	vadd.f32 v20, v0;
	v20 =	vld [tilespmem:$0x1EC00]  }
0x63f: {  	[tilespmem:$0x1EF80] =	vst v12;
	v12 =	vld [tilespmem:$0x1EC80]  }
0x640: {  	[tilespmem:s31+$0x102C0] =	vst v10;
	v10 =	vld [tilespmem:$0x1EC10]  }
0x641: {  	v1 =	vld [tilespmem:s31+$0x3B0];
	_ =	sdelay $0x1  }
0x642: {  	v32 =	vadd.f32 v20, v0;
	v0 =	vld [tilespmem:s31+$0x3F0]  }
0x643: {  	v9 =	vadd.f32 v12, v9;
	v12 =	vld [tilespmem:$0x1EC90];
	_ =	sdelay $0x1  }
0x644: {  	v29 =	vadd.f32 v10, v1;
	v10 =	vld [tilespmem:$0x1EC20];
	_ =	sdelay $0x2  }
0x645: {  	[tilespmem:s31+$0xC2E0] =	vst v14;
	v14 =	vadd.f32 v12, v0;
	v12 =	vld [tilespmem:$0x1ECA0];
	_ =	sdelay $0x1  }
0x646: {  	v1 =	vadd.f32 v10, v1  }
0x647: {  	v2 =	vld [tilespmem:s31+$0x3C0]  }
0x648: {  	[tilespmem:$0x1EF00] =	vst v1;
	v1 =	vld [tilespmem:s31+$0x400]  }
0x649: {  	v0 =	vadd.f32 v12, v0;
	v12 =	vld [tilespmem:$0x1ECB0]  }
0x64a: {  	v10 =	vld [tilespmem:$0x1EC30];
	_ =	sdelay $0x3  }
0x64b: {  	v12 =	vadd.f32 v12, v1  }
0x64c: {  	v20 =	vadd.f32 v10, v2;
	v10 =	vld [tilespmem:$0x1EC40]  }
0x64d: {  	[tilespmem:$0x1F000] =	vst v12;
	v12 =	vld [tilespmem:$0x1ECC0];
	_ =	sdelay $0x3  }
0x64e: {  	v10 =	vadd.f32 v10, v2;
	v2 =	vld [tilespmem:s31+$0x410]  }
0x64f: {  	v1 =	vadd.f32 v12, v1;
	v12 =	vld [tilespmem:$0x1ECD0];
	_ =	sdelay $0x4  }
0x650: {  	v12 =	vadd.f32 v12, v2;
	_ =	sdelay $0x1  }
0x651: {  	[tilespmem:$0x1F030] =	vst v12;
	v12 =	vld [tilespmem:$0x1ECE0];
	_ =	sdelay $0x4  }
0x652: {  	v2 =	vadd.f32 v12, v2  }
0x653: {  	[tilespmem:$0x1EF60] =	vst v11;
	v11 =	vld [tilespmem:s31+$0x420]  }
0x654: {  	[tilespmem:$0x1F040] =	vst v2;
	v2 =	vld [tilespmem:$0x1ECF0];
	_ =	sdelay $0x4  }
0x655: {  	[tilespmem:s31+$0x102E0] =	vst v15;
	v15 =	vadd.f32 v2, v11;
	v2 =	vld [tilespmem:$0x1ED00];
	_ =	sdelay $0x4  }
0x656: {  	[tilespmem:s31+$0x10300] =	vst v3;
	v3 =	vld [tilespmem:$0x1ED20];
	v2 =	vadd.f32 v2, v11  }
0x657: {  	[tilespmem:$0x1EF90] =	vst v9;
	v9 =	vld [tilespmem:s31+$0x430]  }
0x658: {  	[tilespmem:$0x1F090] =	vst v2;
	v2 =	vld [tilespmem:$0x1ED10];
	_ =	sdelay $0x3  }
0x659: {  	[tilespmem:$0x1EFE0] =	vst v0;
	v0 =	vld [tilespmem:s31+$0x440]  }
0x65a: {  	v3 =	vadd.f32 v3, v9;
	v2 =	vadd.f32 v2, v9;
	v9 =	vld [tilespmem:$0x1ED30];
	_ =	sdelay $0x2  }
0x65b: {  	[tilespmem:s31+$0xC310] =	vst v18;
	v18 =	vld [tilespmem:$0x1ED80]  }
0x65c: {  	[tilespmem:s31+$0xC300] =	vst v5;
	v5 =	vld [tilespmem:s31+$0x470]  }
0x65d: {  	[tilespmem:s31+$0xC2F0] =	vst v16;
	v16 =	vadd.f32 v9, v0;
	v9 =	vld [tilespmem:$0x1ED70]  }
0x65e: {  	[tilespmem:$0x1F0B0] =	vst v3;
	v3 =	vld [tilespmem:s31+$0x480]  }
0x65f: {  	[tilespmem:s31+$0x10310] =	vst v4;
	v4 =	vld [tilespmem:$0x1ED40]  }
0x660: {  	[tilespmem:$0x1F010] =	vst v1;
	v1 =	vld [tilespmem:s31+$0x450]  }
0x661: {  	v46 =	vld [tilespmem:s31+$0xC5E0]  }
0x662: {  	[tilespmem:s31+$0x10320] =	vst v21;
	v21 =	vmov v34;
	v12 =	vadd.f32 v30, v0;
	v0 =	vld [tilespmem:s31+$0x490];
	v34 =	vadd.f32 v9, v5  }
0x663: {  	v9 =	vadd.f32 v41, v5;
	v41 =	vadd.f32 v18, v3;
	v18 =	vld [tilespmem:$0x1ED90]  }
0x664: {  	[tilespmem:s31+$0x102F0] =	vst v17;
	v17 =	vld [tilespmem:s31+$0x460]  }
0x665: {  	v30 =	vadd.f32 v4, v1;
	v4 =	vld [tilespmem:$0x1ED50]  }
0x666: {  	v5 =	vld [tilespmem:s31+$0x4C0]  }
0x667: {  	[tilespmem:s31+$0xC330] =	vst v6;
	v6 =	vmov v35;
	v35 =	vadd.f32 v42, v3;
	v3 =	vld [tilespmem:s31+$0x4D0]  }
0x668: {  	v42 =	vadd.f32 v18, v0;
	v18 =	vld [tilespmem:$0x1EDA0]  }
0x669: {  	[tilespmem:s31+$0x10330] =	vst v22;
	v22 =	vld [tilespmem:$0x1EE30]  }
0x66a: {  	v11 =	vadd.f32 v31, v1;
	v1 =	vld [tilespmem:s31+$0x4A0]  }
0x66b: {  	v31 =	vadd.f32 v4, v17;
	v4 =	vld [tilespmem:$0x1ED60]  }
0x66c: {  	v38 =	vadd.f32 v38, v0;
	v0 =	vld [tilespmem:s31+$0x4E0]  }
0x66d: {  	[tilespmem:s31+$0xC350] =	vst v7;
	v7 =	vmov v45;
	v45 =	vadd.f32 v49, v5;
	v49 =	vadd.f32 v18, v3;
	v18 =	vld [tilespmem:$0x1EDB0]  }
0x66e: {  	[tilespmem:s31+$0x10370] =	vst v28;
	v28 =	vld [tilespmem:$0x1EE90]  }
0x66f: {  	[tilespmem:s31+$0x10340] =	vst v24;
	v24 =	vld [tilespmem:$0x1EE60]  }
0x670: {  	v46 =	vmul.f32 $1.131370830e+01, v46;
	v17 =	vadd.f32 v4, v17;
	v4 =	vld [tilespmem:s31+$0x4B0]  }
0x671: {  	v43 =	vadd.f32 v43, v1;
	v39 =	vadd.f32 v39, v1;
	v1 =	vld [tilespmem:s31+$0x4F0]  }
0x672: {  	[tilespmem:s31+$0x10350] =	vst v25;
	v25 =	vmov v46;
	v46 =	vadd.f32 v53, v3;
	v53 =	vadd.f32 v18, v0;
	v18 =	vld [tilespmem:$0x1EDC0]  }
0x673: {  	[tilespmem:s31+$0xC380] =	vst v40;
	v40 =	vld [tilespmem:s31+$0x5D0]  }
0x674: {  	[tilespmem:s31+$0x10380] =	vst v37;
	v37 =	vld [tilespmem:s31+$0x590]  }
0x675: {  	v47 =	vadd.f32 v47, v4;
	v44 =	vadd.f32 v44, v4;
	v4 =	vld [tilespmem:s31+$0x500]  }
0x676: {  	v48 =	vadd.f32 v48, v5;
	v5 =	vld [tilespmem:s31+$0x510]  }
0x677: {  	[tilespmem:s31+$0xC360] =	vst v26;
	v26 =	vmov v50;
	v50 =	vadd.f32 v54, v0;
	v54 =	vadd.f32 v18, v1;
	v18 =	vld [tilespmem:$0x1EDD0]  }
0x678: {  	[tilespmem:s31+$0xC3A0] =	vst v33;
	v33 =	vld [tilespmem:s31+$0x5B0]  }
0x679: {  	v3 =	vld [tilespmem:s31+$0x520]  }
0x67a: {  	v0 =	vld [tilespmem:s31+$0x530]  }
0x67b: {  	v51 =	vadd.f32 v51, v1;
	v1 =	vld [tilespmem:s31+$0x540]  }
0x67c: {  	[tilespmem:s31+$0xC370] =	vst v8;
	v8 =	vmov v52;
	v52 =	vadd.f32 v59, v4;
	v59 =	vadd.f32 v18, v5;
	v18 =	vld [tilespmem:$0x1EDE0]  }
0x67d: {  	v55 =	vadd.f32 v55, v4;
	v4 =	vld [tilespmem:s31+$0x550]  }
0x67e: {  	v60 =	vadd.f32 v60, v3;
	v57 =	vadd.f32 v57, v3;
	v3 =	vld [tilespmem:s31+$0x570]  }
0x67f: {  	v61 =	vadd.f32 v61, v0;
	v58 =	vadd.f32 v58, v0;
	v0 =	vld [tilespmem:s31+$0x580]  }
0x680: {  	v56 =	vadd.f32 v56, v5;
	v5 =	vld [tilespmem:s31+$0x560]  }
0x681: {  	[tilespmem:s31+$0xC390] =	vst v63;
	v63 =	vadd.f32 v18, v1;
	v18 =	vld [tilespmem:$0x1EE00]  }
0x682: {  	[tilespmem:s31+$0x10390] =	vst v36;
	v36 =	vld [tilespmem:s31+$0x5A0]  }
0x683: {  	[tilespmem:s31+$0x10360] =	vst v27;
	v27 =	vadd.f32 v24, v3;
	v24 =	vld [tilespmem:$0x1EE70]  }
0x684: {  	[tilespmem:s31+$0xC3B0] =	vst v29;
	v29 =	vadd.f32 v28, v0;
	v28 =	vld [tilespmem:$0x1EEA0]  }
0x685: {  	[tilespmem:s31+$0xC340] =	vst v23;
	v23 =	vadd.f32 v22, v5;
	v22 =	vld [tilespmem:$0x1EE40]  }
0x686: {  	p0 =	slt.u32 s0, $0x78;
	[tilespmem:s31+$0xC320] =	vst v19;
	v19 =	vadd.f32 v18, v4;
	v18 =	vld [tilespmem:$0x1EE10]  }
.Ltmp1:
0x687: {  	[tilespmem:s31+$0x103A0] =	vst v32;
	v32 =	vld [tilespmem:s31+$0x5C0];
	(pc) =	sbr.rel @p0 .LBB2_4-.Ltmp1, $4  }
0x688: {  	v24 =	vadd.f32 v24, v3;
	v3 =	vld [tilespmem:$0x1EE80]  }
0x689: {  	v62 =	vadd.f32 v62, v1;
	v1 =	vld [tilespmem:$0x1EDF0]  }
0x68a: {  	v22 =	vadd.f32 v22, v5;
	v5 =	vld [tilespmem:$0x1EE50]  }
0x68b: {  	s0 =	sadd.s32 $0x8, s0;
	v28 =	vadd.f32 v28, v0;
	v18 =	vadd.f32 v18, v4;
	v4 =	vld [tilespmem:$0x1EE20]  }
0x68c: {  	v0 =	vld [tilespmem:$0x1EF00];
	_ =	sdelay $0x1  }
0x68d: {  	[tilespmem:s31+$0xC3C0] =	vst v20  }
0x68e: {  	[tilespmem:s31+$0x103C0] =	vst v10  }
0x68f: {  	[tilespmem:s31+$0xC3D0] =	vst v13  }
0x690: {  	[tilespmem:s31+$0x103B0] =	vst v0  }
0x691: {  	v0 =	vld [tilespmem:$0x1EF60];
	_ =	sdelay $0x4  }
0x692: {  	[tilespmem:s31+$0x103D0] =	vst v0  }
0x693: {  	v0 =	vld [tilespmem:$0x1EF80];
	_ =	sdelay $0x4  }
0x694: {  	[tilespmem:s31+$0xC3E0] =	vst v0  }
0x695: {  	v0 =	vld [tilespmem:$0x1EF90];
	_ =	sdelay $0x3  }
0x696: {  	[tilespmem:s31+$0xC3F0] =	vst v14  }
0x697: {  	[tilespmem:s31+$0x103E0] =	vst v0  }
0x698: {  	v0 =	vld [tilespmem:$0x1EFE0];
	_ =	sdelay $0x4  }
0x699: {  	[tilespmem:s31+$0x103F0] =	vst v0  }
0x69a: {  	v0 =	vld [tilespmem:$0x1F000];
	_ =	sdelay $0x4  }
0x69b: {  	[tilespmem:s31+$0xC400] =	vst v0  }
0x69c: {  	v0 =	vld [tilespmem:$0x1F010];
	_ =	sdelay $0x4  }
0x69d: {  	[tilespmem:s31+$0x10400] =	vst v0  }
0x69e: {  	v0 =	vld [tilespmem:$0x1F030];
	_ =	sdelay $0x4  }
0x69f: {  	[tilespmem:s31+$0xC410] =	vst v0  }
0x6a0: {  	v0 =	vld [tilespmem:$0x1F040];
	_ =	sdelay $0x3  }
0x6a1: {  	[tilespmem:s31+$0xC420] =	vst v15  }
0x6a2: {  	[tilespmem:s31+$0x10410] =	vst v0  }
0x6a3: {  	v0 =	vld [tilespmem:$0x1F090];
	_ =	sdelay $0x3  }
0x6a4: {  	[tilespmem:s31+$0xC430] =	vst v2  }
0x6a5: {  	[tilespmem:s31+$0x10420] =	vst v0  }
0x6a6: {  	v0 =	vld [tilespmem:$0x1F0B0];
	[tilespmem:s31+$0xC440] =	vst v16  }
0x6a7: {  	[tilespmem:s31+$0x10440] =	vst v12  }
0x6a8: {  	[tilespmem:s31+$0xC450] =	vst v30  }
0x6a9: {  	[tilespmem:s31+$0x10450] =	vst v11  }
0x6aa: {  	[tilespmem:s31+$0xC460] =	vst v31  }
0x6ab: {  	[tilespmem:s31+$0x10460] =	vst v17  }
0x6ac: {  	[tilespmem:s31+$0xC470] =	vst v34  }
0x6ad: {  	[tilespmem:s31+$0x10470] =	vst v9  }
0x6ae: {  	[tilespmem:s31+$0xC480] =	vst v41  }
0x6af: {  	[tilespmem:s31+$0x10480] =	vst v35  }
0x6b0: {  	[tilespmem:s31+$0xC490] =	vst v42  }
0x6b1: {  	[tilespmem:s31+$0x10490] =	vst v38  }
0x6b2: {  	[tilespmem:s31+$0xC4A0] =	vst v43  }
0x6b3: {  	[tilespmem:s31+$0x104A0] =	vst v39  }
0x6b4: {  	[tilespmem:s31+$0xC4B0] =	vst v47  }
0x6b5: {  	[tilespmem:s31+$0x104B0] =	vst v44  }
0x6b6: {  	[tilespmem:s31+$0xC4C0] =	vst v48  }
0x6b7: {  	[tilespmem:s31+$0x104C0] =	vst v45  }
0x6b8: {  	[tilespmem:s31+$0xC4D0] =	vst v49  }
0x6b9: {  	[tilespmem:s31+$0x104D0] =	vst v46  }
0x6ba: {  	[tilespmem:s31+$0xC4E0] =	vst v53  }
0x6bb: {  	[tilespmem:s31+$0x104E0] =	vst v50  }
0x6bc: {  	[tilespmem:s31+$0xC4F0] =	vst v54  }
0x6bd: {  	[tilespmem:s31+$0x104F0] =	vst v51  }
0x6be: {  	[tilespmem:s31+$0xC500] =	vst v55  }
0x6bf: {  	[tilespmem:s31+$0x10500] =	vst v52  }
0x6c0: {  	[tilespmem:s31+$0xC510] =	vst v59  }
0x6c1: {  	[tilespmem:s31+$0x10510] =	vst v56  }
0x6c2: {  	[tilespmem:s31+$0xC520] =	vst v60  }
0x6c3: {  	[tilespmem:s31+$0x10520] =	vst v57  }
0x6c4: {  	[tilespmem:s31+$0xC530] =	vst v61  }
0x6c5: {  	[tilespmem:s31+$0x10530] =	vst v58  }
0x6c6: {  	[tilespmem:s31+$0xC540] =	vst v63  }
0x6c7: {  	[tilespmem:s31+$0x10540] =	vst v62  }
0x6c8: {  	[tilespmem:s31+$0xC550] =	vst v19  }
0x6c9: {  	[tilespmem:s31+$0x10550] =	vst v18  }
0x6ca: {  	[tilespmem:s31+$0xC560] =	vst v23  }
0x6cb: {  	[tilespmem:s31+$0x10560] =	vst v22  }
0x6cc: {  	[tilespmem:s31+$0xC570] =	vst v27  }
0x6cd: {  	[tilespmem:s31+$0x10570] =	vst v24  }
0x6ce: {  	v1 =	vadd.f32 v1, v37;
	[tilespmem:s31+$0xC580] =	vst v29  }
0x6cf: {  	v54 =	vadd.f32 v5, v37;
	[tilespmem:s31+$0x10580] =	vst v28  }
0x6d0: {  	[tilespmem:s31+$0xC590] =	vst v1;
	v55 =	vadd.f32 v3, v36  }
0x6d1: {  	v56 =	vadd.f32 v7, v36;
	[tilespmem:s31+$0x10590] =	vst v54  }
0x6d2: {  	v57 =	vadd.f32 v4, v33;
	[tilespmem:s31+$0xC5A0] =	vst v55  }
0x6d3: {  	v58 =	vadd.f32 v8, v33;
	[tilespmem:s31+$0x105A0] =	vst v56  }
0x6d4: {  	v59 =	vadd.f32 v6, v32;
	[tilespmem:s31+$0xC5B0] =	vst v57  }
0x6d5: {  	[tilespmem:s31+$0x105B0] =	vst v58  }
0x6d6: {  	[tilespmem:s31+$0xC5C0] =	vst v59  }
0x6d7: {  	[tilespmem:s31+$0x10430] =	vst v0  }
0x6d8: {  	v2 =	vld [tilespmem:$0x1F3E0];
	_ =	sdelay $0x2  }
0x6d9: {  	v60 =	vadd.f32 v26, v32  }
0x6da: {  	v61 =	vadd.f32 v21, v40  }
0x6db: {  	[tilespmem:s31+$0x105C0] =	vst v60;
	v2 =	vadd.f32 v2, v40  }
0x6dc: {  	v53 =	vld [tilespmem:s31+$0x5E0];
	[tilespmem:s31+$0xC5D0] =	vst v61  }
0x6dd: {  	v3 =	vld [tilespmem:$0x1F440];
	[tilespmem:s31+$0x105D0] =	vst v2  }
0x6de: {  	v2 =	vld [tilespmem:$0x1EEB0]  }
0x6df: {  	v63 =	vld [tilespmem:$0x1F450];
	_ =	sdelay $0x2  }
0x6e0: {  	v62 =	vadd.f32 v25, v53  }
0x6e1: {  	v0 =	vadd.f32 v3, v53  }
0x6e2: {  	[tilespmem:s31+$0xC5E0] =	vst v62;
	v2 =	vadd.f32 v63, v2  }
0x6e3: {  	[tilespmem:s31+$0x105E0] =	vst v0  }
0x6e4: {  	[tilespmem:s31+$0xC5F0] =	vst v2  }
0x6e5: {  	[hbm4b:s8+s3] =	stream.linear.scatter [tilespmem:s17], [sflag:$0x8], $0x4000, $0x38;
	[tilespmem:$0x14200] =	vst v63  }
0x6e6: {  	_ = 	snop  }
0x6e7: {  	[hbm4b:s9+s3] =	stream.linear.scatter [tilespmem:s19], [sflag:$0x9], $0x4000, $0x38;
	[tilespmem:$0x14200] =	vst v63  }
0x6e8: {  	_ =	swait.ge [sflag:s25], $0x4000  }
0x6e9: {  	[sflag:s25] =	ssyncset.done $0x0  }
0x6ea: {  	[sflag:s25] =	ssyncadd.s32 $0xFFFFC000  }
0x6eb: {  	_ =	swait.ge [sflag:s26], $0x4000  }
0x6ec: {  	[sflag:s26] =	ssyncset.done $0x0  }
0x6ed: {  	s30 =	sadd.s32 $0x1, s30;
	[sflag:s26] =	ssyncadd.s32 $0xFFFFC000  }
0x6ee: {  	p0 =	sne.s32 s30, s10;
	_ =	swait.ge [sflag:s28], $0x4000  }
.Ltmp2:
0x6ef: {  	[sflag:s28] =	ssyncset.done $0x0;
	(pc) =	sbr.rel @p0 .LBB2_1-.Ltmp2, $4  }
0x6f0: {  	[sflag:s28] =	ssyncadd.s32 $0xFFFFC000  }
0x6f1: {  	_ =	swait.ge [sflag:s29], $0x4000  }
0x6f2: {  	[sflag:s29] =	ssyncset.done $0x0  }
0x6f3: {  	[sflag:s29] =	ssyncadd.s32 $0xFFFFC000  }
0x6f4: {  	_ =	sfence.sel $0x180000  }
0x6f5: {  	[bflag:$0x0] =	sbarrier.arrive $0xFFFF  }
0x6f6: {  	_ =	strace $0x90000047  }
0x6f7: {  	s0 =	stileid.u32;
	[bflag:$0x2] =	sbarrier.arrive $0xFFFF  }
0x6f8: {  	p0 =	sne.s32 s0, $0x0;
	s0 =	rddreg [dreg:$0x4]  }
0x6f9: {  	s0 =	sadd.s32 @!p0 $0x100000, s0  }
0x6fa: {  	[sflag:s0] =	ssyncadd.tile.s32 @!p0 $0x1;
	_ =	shalt  }
.Lfunc_end2:
_tile_overlayer_lowered:
.L_overlay_start_2:
0x6fb: {  	(tag) =	ssettag $0x2  }
0x6fc: {  	s0 =	rddreg [dreg:$0x0];
	s2 =	stileid.u32  }
0x6fd: {  	s1 =	rddreg [dreg:$0x1];
	p0 =	sne.s32 s2, $0x0  }
0x6fe: {  	s3 =	rddreg [dreg:$0x2];
	[bflag:$0x3] =	sbarrier.arrive $0xFFFF;
	s2 =	simm.s32 @!p0 $0x1C0A  }
0x6ff: {  	[timem:s3], [sflag:s2] =	dma.local @!p0 [hbm:s0], s1  }
0x700: {  	s0 =	simm.s32 @!p0 $0xA  }
0x701: {  	_ =	swait.ge @!p0 [sflag:s0], s1  }
0x702: {  	s1 =	ssub.s32 @!p0 $0x0, s1;
	[sflag:s0] =	ssyncset.done @!p0 $0x0  }
0x703: {  	[sflag:s0] =	ssyncadd.s32 @!p0 s1  }
0x704: {  	[bflag:$0x3] =	sbarrier.arrive $0xFFFF  }
0x705: {  	_ =	shalt  }

</sc_bundles>
